<compile_context>
chip_gen: v7x
topology: tpu7x:2x2x1
jax: 0.10.2.dev20260603
libtpu: 0.0.44.dev20260713+nightly
codegen_flags: <defaults>
</compile_context>

<pallas_src>
import functools

import jax
import jax.numpy as jnp
from jax import lax
from jax.experimental import pallas as pl
from jax.experimental.pallas import tpu as pltpu
from jax.experimental.pallas import tpu_sc as plsc

N = 10000
D = 128
E = 320000
HALF = D // 2

NUM_SC = 2
NUM_TILES = 16
N_PAD = 10240
NPT = N_PAD // NUM_TILES
E_PAD = 327680
EROWS = E_PAD // 128
ROWS_MAIN = EROWS // NUM_TILES
ROWS_DEG = EROWS // (NUM_SC * NUM_TILES)

_mesh = plsc.VectorSubcoreMesh(core_axis_name="c", subcore_axis_name="s")


IROWS_DEG = 16


@functools.partial(
    pl.kernel,
    mesh=_mesh,
    out_type=jax.ShapeDtypeStruct((NUM_SC, N_PAD, 128), jnp.float32),
    scratch_types=[
        pltpu.VMEM((IROWS_DEG, 128), jnp.int32),
        pltpu.VMEM((128, 128), jnp.float32),
        pltpu.VMEM((64, 128), jnp.float32),
        pltpu.VMEM_SHARED((N_PAD, 128), jnp.float32),
    ],
)
def _deg_kernel(dst_hbm, ones_hbm, zeros_hbm, out_hbm, idx_v, ones_v, buf_v,
                acc_sh):
    c = lax.axis_index("c")
    s = lax.axis_index("s")
    wid = s * NUM_SC + c

    pltpu.sync_copy(ones_hbm, ones_v)
    pltpu.sync_copy(zeros_hbm, buf_v)

    def _zero(k, carry):
        pltpu.sync_copy(buf_v, acc_sh.at[pl.ds(s * NPT + k * 64, 64)])
        return carry

    lax.fori_loop(0, NPT // 64, _zero, 0)
    plsc.subcore_barrier()

    ibase = wid * ROWS_DEG

    def _chunk(k, carry):
        pltpu.sync_copy(dst_hbm.at[pl.ds(ibase + k * IROWS_DEG, IROWS_DEG)],
                        idx_v)

        def _body(r, carry2):
            pltpu.sync_copy(ones_v, acc_sh.at[idx_v.at[r]], add=True)
            return carry2

        lax.fori_loop(0, IROWS_DEG, _body, 0)
        return carry

    lax.fori_loop(0, ROWS_DEG // IROWS_DEG, _chunk, 0)
    plsc.subcore_barrier()

    def _wb(k, carry):
        off = s * NPT + k * 64
        pltpu.sync_copy(acc_sh.at[pl.ds(off, 64)], buf_v)
        pltpu.sync_copy(buf_v, out_hbm.at[c, pl.ds(off, 64)])
        return carry

    lax.fori_loop(0, NPT // 64, _wb, 0)


NCHUNK = 64
IROWS = 8
ROWS_C0 = 1920
TPT0 = ROWS_C0 // NUM_TILES
TPT1 = (EROWS - ROWS_C0) // NUM_TILES


@functools.partial(
    pl.kernel,
    mesh=_mesh,
    out_type=jax.ShapeDtypeStruct((NUM_SC, N_PAD, D), jnp.float32),
    scratch_types=[
        pltpu.VMEM((IROWS, 128), jnp.int32),
        pltpu.VMEM((IROWS, 128), jnp.int32),
        pltpu.VMEM((128, D), jnp.float32),
        pltpu.VMEM((128, D), jnp.float32),
        pltpu.VMEM((NCHUNK, D), jnp.float32),
        pltpu.VMEM_SHARED((N_PAD, D), jnp.float32),
        pltpu.SemaphoreType.DMA,
        pltpu.SemaphoreType.DMA,
    ],
)
def _edge_kernel(z_hbm, src_hbm, dst_hbm, out_hbm, srcv, dstv, rows_a, rows_b,
                 buf_v, acc_sh, sema, semb):
    c = lax.axis_index("c")
    s = lax.axis_index("s")

    @pl.when(c == 0)
    def _():
        def _init(k, carry):
            off = s * NPT + k * NCHUNK
            pltpu.sync_copy(z_hbm.at[pl.ds(off, NCHUNK)], buf_v)
            pltpu.sync_copy(buf_v, acc_sh.at[pl.ds(off, NCHUNK)])
            return carry

        lax.fori_loop(0, NPT // NCHUNK, _init, 0)

    @pl.when(c != 0)
    def _():
        def _zfill(r, carry):
            for j in range(D // 16):
                buf_v[r, pl.ds(j * 16, 16)] = jnp.zeros((16,), jnp.float32)
            return carry

        lax.fori_loop(0, NCHUNK, _zfill, 0)

        def _zinit(k, carry):
            pltpu.sync_copy(buf_v, acc_sh.at[pl.ds(s * NPT + k * NCHUNK,
                                                   NCHUNK)])
            return carry

        lax.fori_loop(0, NPT // NCHUNK, _zinit, 0)

    plsc.subcore_barrier()

    ibase = jnp.where(c == 0, s * TPT0, ROWS_C0 + s * TPT1)
    nchunks = jnp.where(c == 0, TPT0 // IROWS, TPT1 // IROWS)

    def _chunk(k, carry):
        pltpu.sync_copy(src_hbm.at[pl.ds(ibase + k * IROWS, IROWS)], srcv)
        pltpu.sync_copy(dst_hbm.at[pl.ds(ibase + k * IROWS, IROWS)], dstv)

        def _pair(j, carry2):
            r0 = 2 * j
            r1 = 2 * j + 1
            cpa = pltpu.async_copy(z_hbm.at[srcv.at[r0]], rows_a, sema)
            cpb = pltpu.async_copy(z_hbm.at[srcv.at[r1]], rows_b, semb)
            cpa.wait()
            pltpu.sync_copy(rows_a, acc_sh.at[dstv.at[r0]], add=True)
            cpb.wait()
            pltpu.sync_copy(rows_b, acc_sh.at[dstv.at[r1]], add=True)
            return carry2

        lax.fori_loop(0, IROWS // 2, _pair, 0)
        return carry

    lax.fori_loop(0, nchunks, _chunk, 0)
    plsc.subcore_barrier()

    def _wb(k, carry):
        off = s * NPT + k * NCHUNK
        pltpu.sync_copy(acc_sh.at[pl.ds(off, NCHUNK)], buf_v)
        pltpu.sync_copy(buf_v, out_hbm.at[c, pl.ds(off, NCHUNK)])
        return carry

    lax.fori_loop(0, NPT // NCHUNK, _wb, 0)


BR = 1024
GRID = N_PAD // BR


def _tc_prolog_body(deg_ref, x_ref, w_ref, z_ref, dinv_ref):
    p = deg_ref[...]
    deg = p[0, :, 0:1] + p[1, :, 0:1] + 1.0
    dinv = lax.rsqrt(deg)
    xw = jnp.dot(x_ref[...], w_ref[...], preferred_element_type=jnp.float32)
    z_ref[...] = dinv * xw
    dinv_ref[...] = dinv


_tc_prolog = pl.pallas_call(
    _tc_prolog_body,
    grid=(GRID,),
    in_specs=[
        pl.BlockSpec((NUM_SC, BR, 128), lambda i: (0, i, 0)),
        pl.BlockSpec((BR, D), lambda i: (i, 0)),
        pl.BlockSpec((D, D), lambda i: (0, 0)),
    ],
    out_specs=[
        pl.BlockSpec((BR, D), lambda i: (i, 0)),
        pl.BlockSpec((BR, 1), lambda i: (i, 0)),
    ],
    out_shape=[
        jax.ShapeDtypeStruct((N_PAD, D), jnp.float32),
        jax.ShapeDtypeStruct((N_PAD, 1), jnp.float32),
    ],
)


def _tc_mid_body(s_ref, dinv_ref, b_ref, w_ref, z2_ref):
    dinv = dinv_ref[...]
    agg = s_ref[0] + s_ref[1]
    h = jnp.maximum(dinv * agg + b_ref[...], 0.0)
    z2_ref[...] = dinv * jnp.dot(h, w_ref[...],
                                 preferred_element_type=jnp.float32)


_tc_mid = pl.pallas_call(
    _tc_mid_body,
    grid=(GRID,),
    in_specs=[
        pl.BlockSpec((NUM_SC, BR, D), lambda i: (0, i, 0)),
        pl.BlockSpec((BR, 1), lambda i: (i, 0)),
        pl.BlockSpec((1, D), lambda i: (0, 0)),
        pl.BlockSpec((D, D), lambda i: (0, 0)),
    ],
    out_specs=pl.BlockSpec((BR, D), lambda i: (i, 0)),
    out_shape=jax.ShapeDtypeStruct((N_PAD, D), jnp.float32),
)


def _tc_final_body(s_ref, dinv_ref, b_ref, out_ref):
    i = pl.program_id(0)
    dinv = dinv_ref[...]
    agg = s_ref[0] + s_ref[1]
    h = jnp.maximum(dinv * agg + b_ref[...], 0.0)
    rows = i * BR + lax.broadcasted_iota(jnp.int32, (BR, 1), 0)
    h = jnp.where(rows < N, h, 0.0)
    bmax = jnp.max(h, axis=0, keepdims=True)

    @pl.when(i == 0)
    def _():
        out_ref[...] = bmax

    @pl.when(i > 0)
    def _():
        out_ref[...] = jnp.maximum(out_ref[...], bmax)


_tc_final = pl.pallas_call(
    _tc_final_body,
    grid=(GRID,),
    in_specs=[
        pl.BlockSpec((NUM_SC, BR, D), lambda i: (0, i, 0)),
        pl.BlockSpec((BR, 1), lambda i: (i, 0)),
        pl.BlockSpec((1, D), lambda i: (0, 0)),
    ],
    out_specs=pl.BlockSpec((1, D), lambda i: (0, 0)),
    out_shape=jax.ShapeDtypeStruct((1, D), jnp.float32),
)


def kernel(x, edge_index, W1, b1, W2, b2):
    src = edge_index[0]
    dst = edge_index[1]
    pad_src = jnp.full((E_PAD - E,), N, jnp.int32)
    pad_dst = N + jnp.arange(E_PAD - E, dtype=jnp.int32) % (N_PAD - N)
    src2d = jnp.concatenate([src, pad_src]).reshape(EROWS, 128)
    dst2d = jnp.concatenate([dst, pad_dst]).reshape(EROWS, 128)
    x_pad = jnp.zeros((N_PAD, D), jnp.float32).at[:N].set(x)

    degp = _deg_kernel(dst2d, jnp.ones((128, 128), jnp.float32),
                       jnp.zeros((64, 128), jnp.float32))
    z1, dinv = _tc_prolog(degp, x_pad, W1)
    s1 = _edge_kernel(z1, src2d, dst2d)
    z2 = _tc_mid(s1, dinv, b1.reshape(1, D), W2)
    s2 = _edge_kernel(z2, src2d, dst2d)
    return _tc_final(s2, dinv, b2.reshape(1, D))

# --- scband reference (transcript-rebuilt; emitter-appended) ---
"""Pipeline reference for scband-gnn-31190052503646 (READ-ONLY COPY).

The authoritative reference and input builder live on the scoring server;
editing this copy changes nothing except your own understanding.
"""

import jax, jax.numpy as jnp
import numpy as np

N = 10000
D = 128
H = 128
E = 320000


def setup_inputs(seed: int = 0) -> dict:
    key = jax.random.key(seed)
    k1, k2, k3, k4, k5, k6 = jax.random.split(key, 6)
    x = jax.random.normal(k1, (N, D), dtype=jnp.float32)
    edge_index = jax.random.randint(k2, (2, E), 0, N, dtype=jnp.int32)
    # GCNConv learned params (glorot-ish init)
    W1 = jax.random.normal(k3, (D, H), dtype=jnp.float32) * (1.0 / np.sqrt(D))
    b1 = jnp.zeros((H,), dtype=jnp.float32)
    W2 = jax.random.normal(k4, (H, D), dtype=jnp.float32) * (1.0 / np.sqrt(H))
    b2 = jnp.zeros((D,), dtype=jnp.float32)
    return {"x": x, "edge_index": edge_index, "W1": W1, "b1": b1, "W2": W2, "b2": b2}


def _gcn_conv(x, edge_index, W, b):
    # Faithful pyg.nn.GCNConv: out = D_hat^{-1/2} (A + I) D_hat^{-1/2} (X W) + b
    n = x.shape[0]
    self_loops = jnp.arange(n, dtype=edge_index.dtype)
    src = jnp.concatenate([edge_index[0], self_loops])
    dst = jnp.concatenate([edge_index[1], self_loops])
    deg = jnp.zeros((n,), dtype=x.dtype).at[dst].add(1.0)
    deg_inv_sqrt = jnp.where(deg > 0, jax.lax.rsqrt(deg), 0.0)
    norm = deg_inv_sqrt[src] * deg_inv_sqrt[dst]
    xw = x @ W
    msg = xw[src] * norm[:, None]
    out = jnp.zeros((n, W.shape[1]), dtype=x.dtype).at[dst].add(msg)
    return out + b


def reference(x, edge_index, W1, b1, W2, b2):
    # gnn = Sequential(GCNConv(D,H), ReLU, GCNConv(H,D), ReLU); then global_max_pool (single graph)
    h = jax.nn.relu(_gcn_conv(x, edge_index, W1, b1))
    h = jax.nn.relu(_gcn_conv(h, edge_index, W2, b2))
    # global_max_pool with batch = all zeros -> max over all nodes, shape [1, D]
    return jnp.max(h, axis=0, keepdims=True)

if __name__ == "__main__":
    import jax
    _d = setup_inputs()
    print(jax.jit(kernel)(*tuple(_d.values())))

</pallas_src>

<mosaic_0001>
#map = affine_map<(d0, d1) -> (0, 0)>
#map1 = affine_map<(d0, d1) -> (0, 0, 0)>
module attributes {stable_mosaic.version = 14 : i64} {
  func.func @_edge_kernel(%arg0: i32, %arg1: i32, %arg2: memref<10240x128xf32, #tpu.memory_space<hbm>>, %arg3: memref<2560x128xi32, #tpu.memory_space<hbm>>, %arg4: memref<2560x128xi32, #tpu.memory_space<hbm>>, %arg5: memref<2x10240x128xf32, #tpu.memory_space<hbm>>, %arg6: memref<8x128xi32, #tpu.memory_space<vmem>>, %arg7: memref<8x128xi32, #tpu.memory_space<vmem>>, %arg8: memref<128x128xf32, #tpu.memory_space<vmem>>, %arg9: memref<128x128xf32, #tpu.memory_space<vmem>>, %arg10: memref<64x128xf32, #tpu.memory_space<vmem>>, %arg11: memref<10240x128xf32, #tpu.memory_space<vmem_shared>>, %arg12: memref<!tpu.dma_semaphore, #tpu.memory_space<semaphore_mem>>, %arg13: memref<!tpu.dma_semaphore, #tpu.memory_space<semaphore_mem>>) attributes {dimension_semantics = [#tpu.dimension_semantics<core_parallel>, #tpu.dimension_semantics<subcore_parallel>], iteration_bounds = array<i64: 2, 16>, scalar_prefetch = 0 : i64, scratch_operands = 8 : i64, tpu.core_type = #tpu.core_type<sc_vector_subcore>, window_params = [{transform_indices = #map}, {transform_indices = #map}, {transform_indices = #map}, {transform_indices = #map1}]} {
    %eq3A = arith.constant 0 : i32
    %eq3A_0 = arith.cmpi eq, %arg0, %eq3A : i32
    %convert_element_type3A = arith.extui %eq3A_0 : i1 to i32
    %cond3A = arith.constant 0 : i32
    %cond3A_1 = arith.cmpi ne, %convert_element_type3A, %cond3A : i32
    scf.if %cond3A_1 {
      %scan3A_31 = arith.constant 0 : i32
      %scan3A_32 = arith.constant 0 : i32
      %scan3A_33 = arith.constant 10 : i32
      %scan3A_34 = arith.addi %scan3A_32, %scan3A_33 : i32
      %scan3A_35 = arith.constant 1 : i32
      scf.for %scan3A_37 = %scan3A_32 to %scan3A_34 step %scan3A_35  : i32 {
        %mul3A_38 = arith.constant 640 : i32
        %mul3A_39 = arith.muli %arg1, %mul3A_38 : i32
        %mul3A_40 = arith.constant 64 : i32
        %mul3A_41 = arith.muli %scan3A_37, %mul3A_40 : i32
        %add3A_42 = arith.addi %mul3A_39, %mul3A_41 : i32
        "tpu.region"() ({
          %run_scoped3A = tpu.sem_alloc : memref<!tpu.dma_semaphore, #tpu.memory_space<semaphore_mem>>
          %dma_start3A = arith.constant 0 : i32
          %dma_start3A_43 = tpu.memref_slice %arg2[%add3A_42, %dma_start3A] : memref<10240x128xf32, #tpu.memory_space<hbm>> -> memref<64x128xf32, #tpu.memory_space<hbm>>
          %dma_start3A_44 = arith.constant 0 : i32
          %dma_start3A_45 = tpu.memref_slice %arg2[%add3A_42, %dma_start3A_44] : memref<10240x128xf32, #tpu.memory_space<hbm>> -> memref<64x128xf32, #tpu.memory_space<hbm>>
          tpu.enqueue_dma source(%dma_start3A_45 : memref<64x128xf32, #tpu.memory_space<hbm>>) target(%arg10 : memref<64x128xf32, #tpu.memory_space<vmem>>) target_semaphore(%run_scoped3A : memref<!tpu.dma_semaphore, #tpu.memory_space<semaphore_mem>>)
          %dma_wait3A = arith.constant 0 : i32
          %dma_wait3A_46 = tpu.memref_slice %arg2[%add3A_42, %dma_wait3A] : memref<10240x128xf32, #tpu.memory_space<hbm>> -> memref<64x128xf32, #tpu.memory_space<hbm>>
          %dma_wait3A_47 = arith.constant 0 : i32
          %dma_wait3A_48 = tpu.memref_slice %arg2[%add3A_42, %dma_wait3A_47] : memref<10240x128xf32, #tpu.memory_space<hbm>> -> memref<64x128xf32, #tpu.memory_space<hbm>>
          tpu.wait_dma2 semaphore(%run_scoped3A : memref<!tpu.dma_semaphore, #tpu.memory_space<semaphore_mem>>) src(%dma_wait3A_48 : memref<64x128xf32, #tpu.memory_space<hbm>>) dst(%arg10 : memref<64x128xf32, #tpu.memory_space<vmem>>)
          tpu.yield
        }) : () -> ()
        "tpu.region"() ({
          %run_scoped3A = tpu.sem_alloc : memref<!tpu.dma_semaphore, #tpu.memory_space<semaphore_mem>>
          %dma_start3A = arith.constant 0 : i32
          %dma_start3A_43 = tpu.memref_slice %arg11[%add3A_42, %dma_start3A] : memref<10240x128xf32, #tpu.memory_space<vmem_shared>> -> memref<64x128xf32, #tpu.memory_space<vmem_shared>>
          %dma_start3A_44 = arith.constant 0 : i32
          %dma_start3A_45 = tpu.memref_slice %arg11[%add3A_42, %dma_start3A_44] : memref<10240x128xf32, #tpu.memory_space<vmem_shared>> -> memref<64x128xf32, #tpu.memory_space<vmem_shared>>
          tpu.enqueue_dma source(%arg10 : memref<64x128xf32, #tpu.memory_space<vmem>>) target(%dma_start3A_45 : memref<64x128xf32, #tpu.memory_space<vmem_shared>>) target_semaphore(%run_scoped3A : memref<!tpu.dma_semaphore, #tpu.memory_space<semaphore_mem>>)
          %dma_wait3A = arith.constant 0 : i32
          %dma_wait3A_46 = tpu.memref_slice %arg11[%add3A_42, %dma_wait3A] : memref<10240x128xf32, #tpu.memory_space<vmem_shared>> -> memref<64x128xf32, #tpu.memory_space<vmem_shared>>
          %dma_wait3A_47 = arith.constant 0 : i32
          %dma_wait3A_48 = tpu.memref_slice %arg11[%add3A_42, %dma_wait3A_47] : memref<10240x128xf32, #tpu.memory_space<vmem_shared>> -> memref<64x128xf32, #tpu.memory_space<vmem_shared>>
          tpu.wait_dma2 semaphore(%run_scoped3A : memref<!tpu.dma_semaphore, #tpu.memory_space<semaphore_mem>>) src(%arg10 : memref<64x128xf32, #tpu.memory_space<vmem>>) dst(%dma_wait3A_48 : memref<64x128xf32, #tpu.memory_space<vmem_shared>>)
          tpu.yield
        }) : () -> ()
      }
      %scan3A_36 = arith.constant 10 : i32
    } else {
    }
    %ne3A = arith.constant 0 : i32
    %ne3A_2 = arith.cmpi ne, %arg0, %ne3A : i32
    %convert_element_type3A_3 = arith.extui %ne3A_2 : i1 to i32
    %cond3A_4 = arith.constant 0 : i32
    %cond3A_5 = arith.cmpi ne, %convert_element_type3A_3, %cond3A_4 : i32
    scf.if %cond3A_5 {
      %scan3A_31 = arith.constant 0 : i32
      %scan3A_32 = arith.constant 0 : i32
      %scan3A_33 = arith.constant 64 : i32
      %scan3A_34 = arith.addi %scan3A_32, %scan3A_33 : i32
      %scan3A_35 = arith.constant 1 : i32
      scf.for %scan3A_43 = %scan3A_32 to %scan3A_34 step %scan3A_35  : i32 {
        %broadcast_in_dim3A = arith.constant 0.000000e+00 : f32
        %broadcast_in_dim3A_44 = vector.broadcast %broadcast_in_dim3A : f32 to vector<16xf32>
        %swap3A = arith.index_cast %scan3A_43 : i32 to index
        %swap3A_45 = arith.constant 0 : index
        %swap3A_46 = tpu.vector_load %arg10[%swap3A, %swap3A_45] {strides = array<i32>} : memref<64x128xf32, #tpu.memory_space<vmem>>, vector<1x16xf32>,
        %swap3A_47 = vector.shape_cast %swap3A_46 : vector<1x16xf32> to vector<16xf32>
        %swap3A_48 = vector.shape_cast %broadcast_in_dim3A_44 : vector<16xf32> to vector<1x16xf32>
        tpu.vector_store %arg10[%swap3A, %swap3A_45], %swap3A_48 {strides = array<i32>} : memref<64x128xf32, #tpu.memory_space<vmem>>, vector<1x16xf32>,
        %broadcast_in_dim3A_49 = arith.constant 0.000000e+00 : f32
        %broadcast_in_dim3A_50 = vector.broadcast %broadcast_in_dim3A_49 : f32 to vector<16xf32>
        %swap3A_51 = arith.index_cast %scan3A_43 : i32 to index
        %swap3A_52 = arith.constant 16 : index
        %swap3A_53 = tpu.vector_load %arg10[%swap3A_51, %swap3A_52] {strides = array<i32>} : memref<64x128xf32, #tpu.memory_space<vmem>>, vector<1x16xf32>,
        %swap3A_54 = vector.shape_cast %swap3A_53 : vector<1x16xf32> to vector<16xf32>
        %swap3A_55 = vector.shape_cast %broadcast_in_dim3A_50 : vector<16xf32> to vector<1x16xf32>
        tpu.vector_store %arg10[%swap3A_51, %swap3A_52], %swap3A_55 {strides = array<i32>} : memref<64x128xf32, #tpu.memory_space<vmem>>, vector<1x16xf32>,
        %broadcast_in_dim3A_56 = arith.constant 0.000000e+00 : f32
        %broadcast_in_dim3A_57 = vector.broadcast %broadcast_in_dim3A_56 : f32 to vector<16xf32>
        %swap3A_58 = arith.index_cast %scan3A_43 : i32 to index
        %swap3A_59 = arith.constant 32 : index
        %swap3A_60 = tpu.vector_load %arg10[%swap3A_58, %swap3A_59] {strides = array<i32>} : memref<64x128xf32, #tpu.memory_space<vmem>>, vector<1x16xf32>,
        %swap3A_61 = vector.shape_cast %swap3A_60 : vector<1x16xf32> to vector<16xf32>
        %swap3A_62 = vector.shape_cast %broadcast_in_dim3A_57 : vector<16xf32> to vector<1x16xf32>
        tpu.vector_store %arg10[%swap3A_58, %swap3A_59], %swap3A_62 {strides = array<i32>} : memref<64x128xf32, #tpu.memory_space<vmem>>, vector<1x16xf32>,
        %broadcast_in_dim3A_63 = arith.constant 0.000000e+00 : f32
        %broadcast_in_dim3A_64 = vector.broadcast %broadcast_in_dim3A_63 : f32 to vector<16xf32>
        %swap3A_65 = arith.index_cast %scan3A_43 : i32 to index
        %swap3A_66 = arith.constant 48 : index
        %swap3A_67 = tpu.vector_load %arg10[%swap3A_65, %swap3A_66] {strides = array<i32>} : memref<64x128xf32, #tpu.memory_space<vmem>>, vector<1x16xf32>,
        %swap3A_68 = vector.shape_cast %swap3A_67 : vector<1x16xf32> to vector<16xf32>
        %swap3A_69 = vector.shape_cast %broadcast_in_dim3A_64 : vector<16xf32> to vector<1x16xf32>
        tpu.vector_store %arg10[%swap3A_65, %swap3A_66], %swap3A_69 {strides = array<i32>} : memref<64x128xf32, #tpu.memory_space<vmem>>, vector<1x16xf32>,
        %broadcast_in_dim3A_70 = arith.constant 0.000000e+00 : f32
        %broadcast_in_dim3A_71 = vector.broadcast %broadcast_in_dim3A_70 : f32 to vector<16xf32>
        %swap3A_72 = arith.index_cast %scan3A_43 : i32 to index
        %swap3A_73 = arith.constant 64 : index
        %swap3A_74 = tpu.vector_load %arg10[%swap3A_72, %swap3A_73] {strides = array<i32>} : memref<64x128xf32, #tpu.memory_space<vmem>>, vector<1x16xf32>,
        %swap3A_75 = vector.shape_cast %swap3A_74 : vector<1x16xf32> to vector<16xf32>
        %swap3A_76 = vector.shape_cast %broadcast_in_dim3A_71 : vector<16xf32> to vector<1x16xf32>
        tpu.vector_store %arg10[%swap3A_72, %swap3A_73], %swap3A_76 {strides = array<i32>} : memref<64x128xf32, #tpu.memory_space<vmem>>, vector<1x16xf32>,
        %broadcast_in_dim3A_77 = arith.constant 0.000000e+00 : f32
        %broadcast_in_dim3A_78 = vector.broadcast %broadcast_in_dim3A_77 : f32 to vector<16xf32>
        %swap3A_79 = arith.index_cast %scan3A_43 : i32 to index
        %swap3A_80 = arith.constant 80 : index
        %swap3A_81 = tpu.vector_load %arg10[%swap3A_79, %swap3A_80] {strides = array<i32>} : memref<64x128xf32, #tpu.memory_space<vmem>>, vector<1x16xf32>,
        %swap3A_82 = vector.shape_cast %swap3A_81 : vector<1x16xf32> to vector<16xf32>
        %swap3A_83 = vector.shape_cast %broadcast_in_dim3A_78 : vector<16xf32> to vector<1x16xf32>
        tpu.vector_store %arg10[%swap3A_79, %swap3A_80], %swap3A_83 {strides = array<i32>} : memref<64x128xf32, #tpu.memory_space<vmem>>, vector<1x16xf32>,
        %broadcast_in_dim3A_84 = arith.constant 0.000000e+00 : f32
        %broadcast_in_dim3A_85 = vector.broadcast %broadcast_in_dim3A_84 : f32 to vector<16xf32>
        %swap3A_86 = arith.index_cast %scan3A_43 : i32 to index
        %swap3A_87 = arith.constant 96 : index
        %swap3A_88 = tpu.vector_load %arg10[%swap3A_86, %swap3A_87] {strides = array<i32>} : memref<64x128xf32, #tpu.memory_space<vmem>>, vector<1x16xf32>,
        %swap3A_89 = vector.shape_cast %swap3A_88 : vector<1x16xf32> to vector<16xf32>
        %swap3A_90 = vector.shape_cast %broadcast_in_dim3A_85 : vector<16xf32> to vector<1x16xf32>
        tpu.vector_store %arg10[%swap3A_86, %swap3A_87], %swap3A_90 {strides = array<i32>} : memref<64x128xf32, #tpu.memory_space<vmem>>, vector<1x16xf32>,
        %broadcast_in_dim3A_91 = arith.constant 0.000000e+00 : f32
        %broadcast_in_dim3A_92 = vector.broadcast %broadcast_in_dim3A_91 : f32 to vector<16xf32>
        %swap3A_93 = arith.index_cast %scan3A_43 : i32 to index
        %swap3A_94 = arith.constant 112 : index
        %swap3A_95 = tpu.vector_load %arg10[%swap3A_93, %swap3A_94] {strides = array<i32>} : memref<64x128xf32, #tpu.memory_space<vmem>>, vector<1x16xf32>,
        %swap3A_96 = vector.shape_cast %swap3A_95 : vector<1x16xf32> to vector<16xf32>
        %swap3A_97 = vector.shape_cast %broadcast_in_dim3A_92 : vector<16xf32> to vector<1x16xf32>
        tpu.vector_store %arg10[%swap3A_93, %swap3A_94], %swap3A_97 {strides = array<i32>} : memref<64x128xf32, #tpu.memory_space<vmem>>, vector<1x16xf32>,
      }
      %scan3A_36 = arith.constant 64 : i32
      %scan3A_37 = arith.constant 0 : i32
      %scan3A_38 = arith.constant 0 : i32
      %scan3A_39 = arith.constant 10 : i32
      %scan3A_40 = arith.addi %scan3A_38, %scan3A_39 : i32
      %scan3A_41 = arith.constant 1 : i32
      scf.for %scan3A_43 = %scan3A_38 to %scan3A_40 step %scan3A_41  : i32 {
        %mul3A_44 = arith.constant 640 : i32
        %mul3A_45 = arith.muli %arg1, %mul3A_44 : i32
        %mul3A_46 = arith.constant 64 : i32
        %mul3A_47 = arith.muli %scan3A_43, %mul3A_46 : i32
        %add3A_48 = arith.addi %mul3A_45, %mul3A_47 : i32
        "tpu.region"() ({
          %run_scoped3A = tpu.sem_alloc : memref<!tpu.dma_semaphore, #tpu.memory_space<semaphore_mem>>
          %dma_start3A = arith.constant 0 : i32
          %dma_start3A_49 = tpu.memref_slice %arg11[%add3A_48, %dma_start3A] : memref<10240x128xf32, #tpu.memory_space<vmem_shared>> -> memref<64x128xf32, #tpu.memory_space<vmem_shared>>
          %dma_start3A_50 = arith.constant 0 : i32
          %dma_start3A_51 = tpu.memref_slice %arg11[%add3A_48, %dma_start3A_50] : memref<10240x128xf32, #tpu.memory_space<vmem_shared>> -> memref<64x128xf32, #tpu.memory_space<vmem_shared>>
          tpu.enqueue_dma source(%arg10 : memref<64x128xf32, #tpu.memory_space<vmem>>) target(%dma_start3A_51 : memref<64x128xf32, #tpu.memory_space<vmem_shared>>) target_semaphore(%run_scoped3A : memref<!tpu.dma_semaphore, #tpu.memory_space<semaphore_mem>>)
          %dma_wait3A = arith.constant 0 : i32
          %dma_wait3A_52 = tpu.memref_slice %arg11[%add3A_48, %dma_wait3A] : memref<10240x128xf32, #tpu.memory_space<vmem_shared>> -> memref<64x128xf32, #tpu.memory_space<vmem_shared>>
          %dma_wait3A_53 = arith.constant 0 : i32
          %dma_wait3A_54 = tpu.memref_slice %arg11[%add3A_48, %dma_wait3A_53] : memref<10240x128xf32, #tpu.memory_space<vmem_shared>> -> memref<64x128xf32, #tpu.memory_space<vmem_shared>>
          tpu.wait_dma2 semaphore(%run_scoped3A : memref<!tpu.dma_semaphore, #tpu.memory_space<semaphore_mem>>) src(%arg10 : memref<64x128xf32, #tpu.memory_space<vmem>>) dst(%dma_wait3A_54 : memref<64x128xf32, #tpu.memory_space<vmem_shared>>)
          tpu.yield
        }) : () -> ()
      }
      %scan3A_42 = arith.constant 10 : i32
    } else {
    }
    %barrier3A = arith.constant 0 : index
    tpu.barrier barrier_id(%barrier3A)
    %eq3A_6 = arith.constant 0 : i32
    %eq3A_7 = arith.cmpi eq, %arg0, %eq3A_6 : i32
    %mul3A = arith.constant 120 : i32
    %mul3A_8 = arith.muli %arg1, %mul3A : i32
    %mul3A_9 = arith.constant 40 : i32
    %mul3A_10 = arith.muli %arg1, %mul3A_9 : i32
    %add3A = arith.constant 1920 : i32
    %add3A_11 = arith.addi %add3A, %mul3A_10 : i32
    %select_n3A = arith.select %eq3A_7, %mul3A_8, %add3A_11 : i32
    %eq3A_12 = arith.constant 0 : i32
    %eq3A_13 = arith.cmpi eq, %arg0, %eq3A_12 : i32
    %jit3A = arith.constant 15 : i32
    %jit3A_14 = arith.constant 5 : i32
    %select_n3A_15 = arith.select %eq3A_13, %jit3A, %jit3A_14 : i32
    %while3A = arith.constant 0 : i32
    %while3A_16 = arith.constant 0 : i32
    %while3A_17 = arith.subi %select_n3A_15, %while3A_16 : i32
    %while3A_18 = arith.addi %while3A_16, %while3A_17 : i32
    %while3A_19 = arith.constant 1 : i32
    %while3A_20 = arith.divsi %while3A_17, %while3A_19 : i32
    %while3A_21 = arith.muli %while3A_20, %while3A_19 : i32
    %while3A_22 = arith.addi %while3A_16, %while3A_21 : i32
    %while3A_23 = arith.constant 1 : i32
    scf.for %while3A_31 = %while3A_16 to %while3A_22 step %while3A_23  : i32 {
      %mul3A_32 = arith.constant 8 : i32
      %mul3A_33 = arith.muli %while3A_31, %mul3A_32 : i32
      %add3A_34 = arith.addi %select_n3A, %mul3A_33 : i32
      "tpu.region"() ({
        %run_scoped3A = tpu.sem_alloc : memref<!tpu.dma_semaphore, #tpu.memory_space<semaphore_mem>>
        %dma_start3A = arith.constant 0 : i32
        %dma_start3A_44 = tpu.memref_slice %arg3[%add3A_34, %dma_start3A] : memref<2560x128xi32, #tpu.memory_space<hbm>> -> memref<8x128xi32, #tpu.memory_space<hbm>>
        %dma_start3A_45 = arith.constant 0 : i32
        %dma_start3A_46 = tpu.memref_slice %arg3[%add3A_34, %dma_start3A_45] : memref<2560x128xi32, #tpu.memory_space<hbm>> -> memref<8x128xi32, #tpu.memory_space<hbm>>
        tpu.enqueue_dma source(%dma_start3A_46 : memref<8x128xi32, #tpu.memory_space<hbm>>) target(%arg6 : memref<8x128xi32, #tpu.memory_space<vmem>>) target_semaphore(%run_scoped3A : memref<!tpu.dma_semaphore, #tpu.memory_space<semaphore_mem>>)
        %dma_wait3A = arith.constant 0 : i32
        %dma_wait3A_47 = tpu.memref_slice %arg3[%add3A_34, %dma_wait3A] : memref<2560x128xi32, #tpu.memory_space<hbm>> -> memref<8x128xi32, #tpu.memory_space<hbm>>
        %dma_wait3A_48 = arith.constant 0 : i32
        %dma_wait3A_49 = tpu.memref_slice %arg3[%add3A_34, %dma_wait3A_48] : memref<2560x128xi32, #tpu.memory_space<hbm>> -> memref<8x128xi32, #tpu.memory_space<hbm>>
        tpu.wait_dma2 semaphore(%run_scoped3A : memref<!tpu.dma_semaphore, #tpu.memory_space<semaphore_mem>>) src(%dma_wait3A_49 : memref<8x128xi32, #tpu.memory_space<hbm>>) dst(%arg6 : memref<8x128xi32, #tpu.memory_space<vmem>>)
        tpu.yield
      }) : () -> ()
      %mul3A_35 = arith.constant 8 : i32
      %mul3A_36 = arith.muli %while3A_31, %mul3A_35 : i32
      %add3A_37 = arith.addi %select_n3A, %mul3A_36 : i32
      "tpu.region"() ({
        %run_scoped3A = tpu.sem_alloc : memref<!tpu.dma_semaphore, #tpu.memory_space<semaphore_mem>>
        %dma_start3A = arith.constant 0 : i32
        %dma_start3A_44 = tpu.memref_slice %arg4[%add3A_37, %dma_start3A] : memref<2560x128xi32, #tpu.memory_space<hbm>> -> memref<8x128xi32, #tpu.memory_space<hbm>>
        %dma_start3A_45 = arith.constant 0 : i32
        %dma_start3A_46 = tpu.memref_slice %arg4[%add3A_37, %dma_start3A_45] : memref<2560x128xi32, #tpu.memory_space<hbm>> -> memref<8x128xi32, #tpu.memory_space<hbm>>
        tpu.enqueue_dma source(%dma_start3A_46 : memref<8x128xi32, #tpu.memory_space<hbm>>) target(%arg7 : memref<8x128xi32, #tpu.memory_space<vmem>>) target_semaphore(%run_scoped3A : memref<!tpu.dma_semaphore, #tpu.memory_space<semaphore_mem>>)
        %dma_wait3A = arith.constant 0 : i32
        %dma_wait3A_47 = tpu.memref_slice %arg4[%add3A_37, %dma_wait3A] : memref<2560x128xi32, #tpu.memory_space<hbm>> -> memref<8x128xi32, #tpu.memory_space<hbm>>
        %dma_wait3A_48 = arith.constant 0 : i32
        %dma_wait3A_49 = tpu.memref_slice %arg4[%add3A_37, %dma_wait3A_48] : memref<2560x128xi32, #tpu.memory_space<hbm>> -> memref<8x128xi32, #tpu.memory_space<hbm>>
        tpu.wait_dma2 semaphore(%run_scoped3A : memref<!tpu.dma_semaphore, #tpu.memory_space<semaphore_mem>>) src(%dma_wait3A_49 : memref<8x128xi32, #tpu.memory_space<hbm>>) dst(%arg7 : memref<8x128xi32, #tpu.memory_space<vmem>>)
        tpu.yield
      }) : () -> ()
      %scan3A_38 = arith.constant 0 : i32
      %scan3A_39 = arith.constant 0 : i32
      %scan3A_40 = arith.constant 4 : i32
      %scan3A_41 = arith.addi %scan3A_39, %scan3A_40 : i32
      %scan3A_42 = arith.constant 1 : i32
      scf.for %scan3A_44 = %scan3A_39 to %scan3A_41 step %scan3A_42  : i32 {
        %mul3A_45 = arith.constant 2 : i32
        %mul3A_46 = arith.muli %mul3A_45, %scan3A_44 : i32
        %mul3A_47 = arith.constant 2 : i32
        %mul3A_48 = arith.muli %mul3A_47, %scan3A_44 : i32
        %add3A_49 = arith.constant 1 : i32
        %add3A_50 = arith.addi %mul3A_48, %add3A_49 : i32
        %dma_start3A = arith.constant 0 : i32
        %dma_start3A_51 = tpu.memref_slice %arg6[%mul3A_46, %dma_start3A] : memref<8x128xi32, #tpu.memory_space<vmem>> -> memref<1x128xi32, #tpu.memory_space<vmem>>
        %dma_start3A_52 = tpu.memref_squeeze %dma_start3A_51 : memref<1x128xi32, #tpu.memory_space<vmem>> -> memref<128xi32, #tpu.memory_space<vmem>>
        %dma_start3A_53 = arith.constant 0 : i32
        %dma_start3A_54 = arith.constant 0 : i32
        %dma_start3A_55 = tpu.memref_slice %arg2[%dma_start3A_53, %dma_start3A_54] : memref<10240x128xf32, #tpu.memory_space<hbm>> -> memref<10240x128xf32, #tpu.memory_space<hbm>>
        tpu.enqueue_indirect_dma source(%dma_start3A_55 : memref<10240x128xf32, #tpu.memory_space<hbm>>) target(%arg8 : memref<128x128xf32, #tpu.memory_space<vmem>>) offsets(%dma_start3A_52 : memref<128xi32, #tpu.memory_space<vmem>>) semaphore(%arg12 : memref<!tpu.dma_semaphore, #tpu.memory_space<semaphore_mem>>)
        %dma_start3A_56 = arith.constant 0 : i32
        %dma_start3A_57 = tpu.memref_slice %arg6[%add3A_50, %dma_start3A_56] : memref<8x128xi32, #tpu.memory_space<vmem>> -> memref<1x128xi32, #tpu.memory_space<vmem>>
        %dma_start3A_58 = tpu.memref_squeeze %dma_start3A_57 : memref<1x128xi32, #tpu.memory_space<vmem>> -> memref<128xi32, #tpu.memory_space<vmem>>
        %dma_start3A_59 = arith.constant 0 : i32
        %dma_start3A_60 = arith.constant 0 : i32
        %dma_start3A_61 = tpu.memref_slice %arg2[%dma_start3A_59, %dma_start3A_60] : memref<10240x128xf32, #tpu.memory_space<hbm>> -> memref<10240x128xf32, #tpu.memory_space<hbm>>
        tpu.enqueue_indirect_dma source(%dma_start3A_61 : memref<10240x128xf32, #tpu.memory_space<hbm>>) target(%arg9 : memref<128x128xf32, #tpu.memory_space<vmem>>) offsets(%dma_start3A_58 : memref<128xi32, #tpu.memory_space<vmem>>) semaphore(%arg13 : memref<!tpu.dma_semaphore, #tpu.memory_space<semaphore_mem>>)
        %dma_wait3A = arith.constant 0 : i32
        %dma_wait3A_62 = tpu.memref_slice %arg6[%mul3A_46, %dma_wait3A] : memref<8x128xi32, #tpu.memory_space<vmem>> -> memref<1x128xi32, #tpu.memory_space<vmem>>
        %dma_wait3A_63 = tpu.memref_squeeze %dma_wait3A_62 : memref<1x128xi32, #tpu.memory_space<vmem>> -> memref<128xi32, #tpu.memory_space<vmem>>
        %dma_wait3A_64 = arith.constant 0 : i32
        %dma_wait3A_65 = arith.constant 0 : i32
        %dma_wait3A_66 = tpu.memref_slice %arg2[%dma_wait3A_64, %dma_wait3A_65] : memref<10240x128xf32, #tpu.memory_space<hbm>> -> memref<10240x128xf32, #tpu.memory_space<hbm>>
        tpu.wait_indirect_dma semaphore(%arg12 : memref<!tpu.dma_semaphore, #tpu.memory_space<semaphore_mem>>) src(%dma_wait3A_66 : memref<10240x128xf32, #tpu.memory_space<hbm>>) dst(%arg8 : memref<128x128xf32, #tpu.memory_space<vmem>>)
        "tpu.region"() ({
          %run_scoped3A = tpu.sem_alloc : memref<!tpu.dma_semaphore, #tpu.memory_space<semaphore_mem>>
          %dma_start3A_73 = arith.constant 0 : i32
          %dma_start3A_74 = tpu.memref_slice %arg7[%mul3A_46, %dma_start3A_73] : memref<8x128xi32, #tpu.memory_space<vmem>> -> memref<1x128xi32, #tpu.memory_space<vmem>>
          %dma_start3A_75 = tpu.memref_squeeze %dma_start3A_74 : memref<1x128xi32, #tpu.memory_space<vmem>> -> memref<128xi32, #tpu.memory_space<vmem>>
          %dma_start3A_76 = arith.constant 0 : i32
          %dma_start3A_77 = arith.constant 0 : i32
          %dma_start3A_78 = tpu.memref_slice %arg11[%dma_start3A_76, %dma_start3A_77] : memref<10240x128xf32, #tpu.memory_space<vmem_shared>> -> memref<10240x128xf32, #tpu.memory_space<vmem_shared>>
          tpu.enqueue_indirect_dma source(%arg8 : memref<128x128xf32, #tpu.memory_space<vmem>>) target(%dma_start3A_78 : memref<10240x128xf32, #tpu.memory_space<vmem_shared>>) offsets(%dma_start3A_75 : memref<128xi32, #tpu.memory_space<vmem>>) semaphore(%run_scoped3A : memref<!tpu.dma_semaphore, #tpu.memory_space<semaphore_mem>>) {add = true}
          %dma_wait3A_79 = arith.constant 0 : i32
          %dma_wait3A_80 = tpu.memref_slice %arg7[%mul3A_46, %dma_wait3A_79] : memref<8x128xi32, #tpu.memory_space<vmem>> -> memref<1x128xi32, #tpu.memory_space<vmem>>
          %dma_wait3A_81 = tpu.memref_squeeze %dma_wait3A_80 : memref<1x128xi32, #tpu.memory_space<vmem>> -> memref<128xi32, #tpu.memory_space<vmem>>
          %dma_wait3A_82 = arith.constant 0 : i32
          %dma_wait3A_83 = arith.constant 0 : i32
          %dma_wait3A_84 = tpu.memref_slice %arg11[%dma_wait3A_82, %dma_wait3A_83] : memref<10240x128xf32, #tpu.memory_space<vmem_shared>> -> memref<10240x128xf32, #tpu.memory_space<vmem_shared>>
          tpu.wait_indirect_dma semaphore(%run_scoped3A : memref<!tpu.dma_semaphore, #tpu.memory_space<semaphore_mem>>) src(%arg8 : memref<128x128xf32, #tpu.memory_space<vmem>>) dst(%dma_wait3A_84 : memref<10240x128xf32, #tpu.memory_space<vmem_shared>>)
          tpu.yield
        }) : () -> ()
        %dma_wait3A_67 = arith.constant 0 : i32
        %dma_wait3A_68 = tpu.memref_slice %arg6[%add3A_50, %dma_wait3A_67] : memref<8x128xi32, #tpu.memory_space<vmem>> -> memref<1x128xi32, #tpu.memory_space<vmem>>
        %dma_wait3A_69 = tpu.memref_squeeze %dma_wait3A_68 : memref<1x128xi32, #tpu.memory_space<vmem>> -> memref<128xi32, #tpu.memory_space<vmem>>
        %dma_wait3A_70 = arith.constant 0 : i32
        %dma_wait3A_71 = arith.constant 0 : i32
        %dma_wait3A_72 = tpu.memref_slice %arg2[%dma_wait3A_70, %dma_wait3A_71] : memref<10240x128xf32, #tpu.memory_space<hbm>> -> memref<10240x128xf32, #tpu.memory_space<hbm>>
        tpu.wait_indirect_dma semaphore(%arg13 : memref<!tpu.dma_semaphore, #tpu.memory_space<semaphore_mem>>) src(%dma_wait3A_72 : memref<10240x128xf32, #tpu.memory_space<hbm>>) dst(%arg9 : memref<128x128xf32, #tpu.memory_space<vmem>>)
        "tpu.region"() ({
          %run_scoped3A = tpu.sem_alloc : memref<!tpu.dma_semaphore, #tpu.memory_space<semaphore_mem>>
          %dma_start3A_73 = arith.constant 0 : i32
          %dma_start3A_74 = tpu.memref_slice %arg7[%add3A_50, %dma_start3A_73] : memref<8x128xi32, #tpu.memory_space<vmem>> -> memref<1x128xi32, #tpu.memory_space<vmem>>
          %dma_start3A_75 = tpu.memref_squeeze %dma_start3A_74 : memref<1x128xi32, #tpu.memory_space<vmem>> -> memref<128xi32, #tpu.memory_space<vmem>>
          %dma_start3A_76 = arith.constant 0 : i32
          %dma_start3A_77 = arith.constant 0 : i32
          %dma_start3A_78 = tpu.memref_slice %arg11[%dma_start3A_76, %dma_start3A_77] : memref<10240x128xf32, #tpu.memory_space<vmem_shared>> -> memref<10240x128xf32, #tpu.memory_space<vmem_shared>>
          tpu.enqueue_indirect_dma source(%arg9 : memref<128x128xf32, #tpu.memory_space<vmem>>) target(%dma_start3A_78 : memref<10240x128xf32, #tpu.memory_space<vmem_shared>>) offsets(%dma_start3A_75 : memref<128xi32, #tpu.memory_space<vmem>>) semaphore(%run_scoped3A : memref<!tpu.dma_semaphore, #tpu.memory_space<semaphore_mem>>) {add = true}
          %dma_wait3A_79 = arith.constant 0 : i32
          %dma_wait3A_80 = tpu.memref_slice %arg7[%add3A_50, %dma_wait3A_79] : memref<8x128xi32, #tpu.memory_space<vmem>> -> memref<1x128xi32, #tpu.memory_space<vmem>>
          %dma_wait3A_81 = tpu.memref_squeeze %dma_wait3A_80 : memref<1x128xi32, #tpu.memory_space<vmem>> -> memref<128xi32, #tpu.memory_space<vmem>>
          %dma_wait3A_82 = arith.constant 0 : i32
          %dma_wait3A_83 = arith.constant 0 : i32
          %dma_wait3A_84 = tpu.memref_slice %arg11[%dma_wait3A_82, %dma_wait3A_83] : memref<10240x128xf32, #tpu.memory_space<vmem_shared>> -> memref<10240x128xf32, #tpu.memory_space<vmem_shared>>
          tpu.wait_indirect_dma semaphore(%run_scoped3A : memref<!tpu.dma_semaphore, #tpu.memory_space<semaphore_mem>>) src(%arg9 : memref<128x128xf32, #tpu.memory_space<vmem>>) dst(%dma_wait3A_84 : memref<10240x128xf32, #tpu.memory_space<vmem_shared>>)
          tpu.yield
        }) : () -> ()
      }
      %scan3A_43 = arith.constant 4 : i32
    }
    %while3A_24 = arith.constant 1 : i32
    scf.for %while3A_31 = %while3A_22 to %while3A_18 step %while3A_24  : i32 {
      %mul3A_32 = arith.constant 8 : i32
      %mul3A_33 = arith.muli %while3A_31, %mul3A_32 : i32
      %add3A_34 = arith.addi %select_n3A, %mul3A_33 : i32
      "tpu.region"() ({
        %run_scoped3A = tpu.sem_alloc : memref<!tpu.dma_semaphore, #tpu.memory_space<semaphore_mem>>
        %dma_start3A = arith.constant 0 : i32
        %dma_start3A_44 = tpu.memref_slice %arg3[%add3A_34, %dma_start3A] : memref<2560x128xi32, #tpu.memory_space<hbm>> -> memref<8x128xi32, #tpu.memory_space<hbm>>
        %dma_start3A_45 = arith.constant 0 : i32
        %dma_start3A_46 = tpu.memref_slice %arg3[%add3A_34, %dma_start3A_45] : memref<2560x128xi32, #tpu.memory_space<hbm>> -> memref<8x128xi32, #tpu.memory_space<hbm>>
        tpu.enqueue_dma source(%dma_start3A_46 : memref<8x128xi32, #tpu.memory_space<hbm>>) target(%arg6 : memref<8x128xi32, #tpu.memory_space<vmem>>) target_semaphore(%run_scoped3A : memref<!tpu.dma_semaphore, #tpu.memory_space<semaphore_mem>>)
        %dma_wait3A = arith.constant 0 : i32
        %dma_wait3A_47 = tpu.memref_slice %arg3[%add3A_34, %dma_wait3A] : memref<2560x128xi32, #tpu.memory_space<hbm>> -> memref<8x128xi32, #tpu.memory_space<hbm>>
        %dma_wait3A_48 = arith.constant 0 : i32
        %dma_wait3A_49 = tpu.memref_slice %arg3[%add3A_34, %dma_wait3A_48] : memref<2560x128xi32, #tpu.memory_space<hbm>> -> memref<8x128xi32, #tpu.memory_space<hbm>>
        tpu.wait_dma2 semaphore(%run_scoped3A : memref<!tpu.dma_semaphore, #tpu.memory_space<semaphore_mem>>) src(%dma_wait3A_49 : memref<8x128xi32, #tpu.memory_space<hbm>>) dst(%arg6 : memref<8x128xi32, #tpu.memory_space<vmem>>)
        tpu.yield
      }) : () -> ()
      %mul3A_35 = arith.constant 8 : i32
      %mul3A_36 = arith.muli %while3A_31, %mul3A_35 : i32
      %add3A_37 = arith.addi %select_n3A, %mul3A_36 : i32
      "tpu.region"() ({
        %run_scoped3A = tpu.sem_alloc : memref<!tpu.dma_semaphore, #tpu.memory_space<semaphore_mem>>
        %dma_start3A = arith.constant 0 : i32
        %dma_start3A_44 = tpu.memref_slice %arg4[%add3A_37, %dma_start3A] : memref<2560x128xi32, #tpu.memory_space<hbm>> -> memref<8x128xi32, #tpu.memory_space<hbm>>
        %dma_start3A_45 = arith.constant 0 : i32
        %dma_start3A_46 = tpu.memref_slice %arg4[%add3A_37, %dma_start3A_45] : memref<2560x128xi32, #tpu.memory_space<hbm>> -> memref<8x128xi32, #tpu.memory_space<hbm>>
        tpu.enqueue_dma source(%dma_start3A_46 : memref<8x128xi32, #tpu.memory_space<hbm>>) target(%arg7 : memref<8x128xi32, #tpu.memory_space<vmem>>) target_semaphore(%run_scoped3A : memref<!tpu.dma_semaphore, #tpu.memory_space<semaphore_mem>>)
        %dma_wait3A = arith.constant 0 : i32
        %dma_wait3A_47 = tpu.memref_slice %arg4[%add3A_37, %dma_wait3A] : memref<2560x128xi32, #tpu.memory_space<hbm>> -> memref<8x128xi32, #tpu.memory_space<hbm>>
        %dma_wait3A_48 = arith.constant 0 : i32
        %dma_wait3A_49 = tpu.memref_slice %arg4[%add3A_37, %dma_wait3A_48] : memref<2560x128xi32, #tpu.memory_space<hbm>> -> memref<8x128xi32, #tpu.memory_space<hbm>>
        tpu.wait_dma2 semaphore(%run_scoped3A : memref<!tpu.dma_semaphore, #tpu.memory_space<semaphore_mem>>) src(%dma_wait3A_49 : memref<8x128xi32, #tpu.memory_space<hbm>>) dst(%arg7 : memref<8x128xi32, #tpu.memory_space<vmem>>)
        tpu.yield
      }) : () -> ()
      %scan3A_38 = arith.constant 0 : i32
      %scan3A_39 = arith.constant 0 : i32
      %scan3A_40 = arith.constant 4 : i32
      %scan3A_41 = arith.addi %scan3A_39, %scan3A_40 : i32
      %scan3A_42 = arith.constant 1 : i32
      scf.for %scan3A_44 = %scan3A_39 to %scan3A_41 step %scan3A_42  : i32 {
        %mul3A_45 = arith.constant 2 : i32
        %mul3A_46 = arith.muli %mul3A_45, %scan3A_44 : i32
        %mul3A_47 = arith.constant 2 : i32
        %mul3A_48 = arith.muli %mul3A_47, %scan3A_44 : i32
        %add3A_49 = arith.constant 1 : i32
        %add3A_50 = arith.addi %mul3A_48, %add3A_49 : i32
        %dma_start3A = arith.constant 0 : i32
        %dma_start3A_51 = tpu.memref_slice %arg6[%mul3A_46, %dma_start3A] : memref<8x128xi32, #tpu.memory_space<vmem>> -> memref<1x128xi32, #tpu.memory_space<vmem>>
        %dma_start3A_52 = tpu.memref_squeeze %dma_start3A_51 : memref<1x128xi32, #tpu.memory_space<vmem>> -> memref<128xi32, #tpu.memory_space<vmem>>
        %dma_start3A_53 = arith.constant 0 : i32
        %dma_start3A_54 = arith.constant 0 : i32
        %dma_start3A_55 = tpu.memref_slice %arg2[%dma_start3A_53, %dma_start3A_54] : memref<10240x128xf32, #tpu.memory_space<hbm>> -> memref<10240x128xf32, #tpu.memory_space<hbm>>
        tpu.enqueue_indirect_dma source(%dma_start3A_55 : memref<10240x128xf32, #tpu.memory_space<hbm>>) target(%arg8 : memref<128x128xf32, #tpu.memory_space<vmem>>) offsets(%dma_start3A_52 : memref<128xi32, #tpu.memory_space<vmem>>) semaphore(%arg12 : memref<!tpu.dma_semaphore, #tpu.memory_space<semaphore_mem>>)
        %dma_start3A_56 = arith.constant 0 : i32
        %dma_start3A_57 = tpu.memref_slice %arg6[%add3A_50, %dma_start3A_56] : memref<8x128xi32, #tpu.memory_space<vmem>> -> memref<1x128xi32, #tpu.memory_space<vmem>>
        %dma_start3A_58 = tpu.memref_squeeze %dma_start3A_57 : memref<1x128xi32, #tpu.memory_space<vmem>> -> memref<128xi32, #tpu.memory_space<vmem>>
        %dma_start3A_59 = arith.constant 0 : i32
        %dma_start3A_60 = arith.constant 0 : i32
        %dma_start3A_61 = tpu.memref_slice %arg2[%dma_start3A_59, %dma_start3A_60] : memref<10240x128xf32, #tpu.memory_space<hbm>> -> memref<10240x128xf32, #tpu.memory_space<hbm>>
        tpu.enqueue_indirect_dma source(%dma_start3A_61 : memref<10240x128xf32, #tpu.memory_space<hbm>>) target(%arg9 : memref<128x128xf32, #tpu.memory_space<vmem>>) offsets(%dma_start3A_58 : memref<128xi32, #tpu.memory_space<vmem>>) semaphore(%arg13 : memref<!tpu.dma_semaphore, #tpu.memory_space<semaphore_mem>>)
        %dma_wait3A = arith.constant 0 : i32
        %dma_wait3A_62 = tpu.memref_slice %arg6[%mul3A_46, %dma_wait3A] : memref<8x128xi32, #tpu.memory_space<vmem>> -> memref<1x128xi32, #tpu.memory_space<vmem>>
        %dma_wait3A_63 = tpu.memref_squeeze %dma_wait3A_62 : memref<1x128xi32, #tpu.memory_space<vmem>> -> memref<128xi32, #tpu.memory_space<vmem>>
        %dma_wait3A_64 = arith.constant 0 : i32
        %dma_wait3A_65 = arith.constant 0 : i32
        %dma_wait3A_66 = tpu.memref_slice %arg2[%dma_wait3A_64, %dma_wait3A_65] : memref<10240x128xf32, #tpu.memory_space<hbm>> -> memref<10240x128xf32, #tpu.memory_space<hbm>>
        tpu.wait_indirect_dma semaphore(%arg12 : memref<!tpu.dma_semaphore, #tpu.memory_space<semaphore_mem>>) src(%dma_wait3A_66 : memref<10240x128xf32, #tpu.memory_space<hbm>>) dst(%arg8 : memref<128x128xf32, #tpu.memory_space<vmem>>)
        "tpu.region"() ({
          %run_scoped3A = tpu.sem_alloc : memref<!tpu.dma_semaphore, #tpu.memory_space<semaphore_mem>>
          %dma_start3A_73 = arith.constant 0 : i32
          %dma_start3A_74 = tpu.memref_slice %arg7[%mul3A_46, %dma_start3A_73] : memref<8x128xi32, #tpu.memory_space<vmem>> -> memref<1x128xi32, #tpu.memory_space<vmem>>
          %dma_start3A_75 = tpu.memref_squeeze %dma_start3A_74 : memref<1x128xi32, #tpu.memory_space<vmem>> -> memref<128xi32, #tpu.memory_space<vmem>>
          %dma_start3A_76 = arith.constant 0 : i32
          %dma_start3A_77 = arith.constant 0 : i32
          %dma_start3A_78 = tpu.memref_slice %arg11[%dma_start3A_76, %dma_start3A_77] : memref<10240x128xf32, #tpu.memory_space<vmem_shared>> -> memref<10240x128xf32, #tpu.memory_space<vmem_shared>>
          tpu.enqueue_indirect_dma source(%arg8 : memref<128x128xf32, #tpu.memory_space<vmem>>) target(%dma_start3A_78 : memref<10240x128xf32, #tpu.memory_space<vmem_shared>>) offsets(%dma_start3A_75 : memref<128xi32, #tpu.memory_space<vmem>>) semaphore(%run_scoped3A : memref<!tpu.dma_semaphore, #tpu.memory_space<semaphore_mem>>) {add = true}
          %dma_wait3A_79 = arith.constant 0 : i32
          %dma_wait3A_80 = tpu.memref_slice %arg7[%mul3A_46, %dma_wait3A_79] : memref<8x128xi32, #tpu.memory_space<vmem>> -> memref<1x128xi32, #tpu.memory_space<vmem>>
          %dma_wait3A_81 = tpu.memref_squeeze %dma_wait3A_80 : memref<1x128xi32, #tpu.memory_space<vmem>> -> memref<128xi32, #tpu.memory_space<vmem>>
          %dma_wait3A_82 = arith.constant 0 : i32
          %dma_wait3A_83 = arith.constant 0 : i32
          %dma_wait3A_84 = tpu.memref_slice %arg11[%dma_wait3A_82, %dma_wait3A_83] : memref<10240x128xf32, #tpu.memory_space<vmem_shared>> -> memref<10240x128xf32, #tpu.memory_space<vmem_shared>>
          tpu.wait_indirect_dma semaphore(%run_scoped3A : memref<!tpu.dma_semaphore, #tpu.memory_space<semaphore_mem>>) src(%arg8 : memref<128x128xf32, #tpu.memory_space<vmem>>) dst(%dma_wait3A_84 : memref<10240x128xf32, #tpu.memory_space<vmem_shared>>)
          tpu.yield
        }) : () -> ()
        %dma_wait3A_67 = arith.constant 0 : i32
        %dma_wait3A_68 = tpu.memref_slice %arg6[%add3A_50, %dma_wait3A_67] : memref<8x128xi32, #tpu.memory_space<vmem>> -> memref<1x128xi32, #tpu.memory_space<vmem>>
        %dma_wait3A_69 = tpu.memref_squeeze %dma_wait3A_68 : memref<1x128xi32, #tpu.memory_space<vmem>> -> memref<128xi32, #tpu.memory_space<vmem>>
        %dma_wait3A_70 = arith.constant 0 : i32
        %dma_wait3A_71 = arith.constant 0 : i32
        %dma_wait3A_72 = tpu.memref_slice %arg2[%dma_wait3A_70, %dma_wait3A_71] : memref<10240x128xf32, #tpu.memory_space<hbm>> -> memref<10240x128xf32, #tpu.memory_space<hbm>>
        tpu.wait_indirect_dma semaphore(%arg13 : memref<!tpu.dma_semaphore, #tpu.memory_space<semaphore_mem>>) src(%dma_wait3A_72 : memref<10240x128xf32, #tpu.memory_space<hbm>>) dst(%arg9 : memref<128x128xf32, #tpu.memory_space<vmem>>)
        "tpu.region"() ({
          %run_scoped3A = tpu.sem_alloc : memref<!tpu.dma_semaphore, #tpu.memory_space<semaphore_mem>>
          %dma_start3A_73 = arith.constant 0 : i32
          %dma_start3A_74 = tpu.memref_slice %arg7[%add3A_50, %dma_start3A_73] : memref<8x128xi32, #tpu.memory_space<vmem>> -> memref<1x128xi32, #tpu.memory_space<vmem>>
          %dma_start3A_75 = tpu.memref_squeeze %dma_start3A_74 : memref<1x128xi32, #tpu.memory_space<vmem>> -> memref<128xi32, #tpu.memory_space<vmem>>
          %dma_start3A_76 = arith.constant 0 : i32
          %dma_start3A_77 = arith.constant 0 : i32
          %dma_start3A_78 = tpu.memref_slice %arg11[%dma_start3A_76, %dma_start3A_77] : memref<10240x128xf32, #tpu.memory_space<vmem_shared>> -> memref<10240x128xf32, #tpu.memory_space<vmem_shared>>
          tpu.enqueue_indirect_dma source(%arg9 : memref<128x128xf32, #tpu.memory_space<vmem>>) target(%dma_start3A_78 : memref<10240x128xf32, #tpu.memory_space<vmem_shared>>) offsets(%dma_start3A_75 : memref<128xi32, #tpu.memory_space<vmem>>) semaphore(%run_scoped3A : memref<!tpu.dma_semaphore, #tpu.memory_space<semaphore_mem>>) {add = true}
          %dma_wait3A_79 = arith.constant 0 : i32
          %dma_wait3A_80 = tpu.memref_slice %arg7[%add3A_50, %dma_wait3A_79] : memref<8x128xi32, #tpu.memory_space<vmem>> -> memref<1x128xi32, #tpu.memory_space<vmem>>
          %dma_wait3A_81 = tpu.memref_squeeze %dma_wait3A_80 : memref<1x128xi32, #tpu.memory_space<vmem>> -> memref<128xi32, #tpu.memory_space<vmem>>
          %dma_wait3A_82 = arith.constant 0 : i32
          %dma_wait3A_83 = arith.constant 0 : i32
          %dma_wait3A_84 = tpu.memref_slice %arg11[%dma_wait3A_82, %dma_wait3A_83] : memref<10240x128xf32, #tpu.memory_space<vmem_shared>> -> memref<10240x128xf32, #tpu.memory_space<vmem_shared>>
          tpu.wait_indirect_dma semaphore(%run_scoped3A : memref<!tpu.dma_semaphore, #tpu.memory_space<semaphore_mem>>) src(%arg9 : memref<128x128xf32, #tpu.memory_space<vmem>>) dst(%dma_wait3A_84 : memref<10240x128xf32, #tpu.memory_space<vmem_shared>>)
          tpu.yield
        }) : () -> ()
      }
      %scan3A_43 = arith.constant 4 : i32
    }
    %barrier3A_25 = arith.constant 0 : index
    tpu.barrier barrier_id(%barrier3A_25)
    %scan3A = arith.constant 0 : i32
    %scan3A_26 = arith.constant 0 : i32
    %scan3A_27 = arith.constant 10 : i32
    %scan3A_28 = arith.addi %scan3A_26, %scan3A_27 : i32
    %scan3A_29 = arith.constant 1 : i32
    scf.for %scan3A_31 = %scan3A_26 to %scan3A_28 step %scan3A_29  : i32 {
      %mul3A_32 = arith.constant 640 : i32
      %mul3A_33 = arith.muli %arg1, %mul3A_32 : i32
      %mul3A_34 = arith.constant 64 : i32
      %mul3A_35 = arith.muli %scan3A_31, %mul3A_34 : i32
      %add3A_36 = arith.addi %mul3A_33, %mul3A_35 : i32
      "tpu.region"() ({
        %run_scoped3A = tpu.sem_alloc : memref<!tpu.dma_semaphore, #tpu.memory_space<semaphore_mem>>
        %dma_start3A = arith.constant 0 : i32
        %dma_start3A_37 = tpu.memref_slice %arg11[%add3A_36, %dma_start3A] : memref<10240x128xf32, #tpu.memory_space<vmem_shared>> -> memref<64x128xf32, #tpu.memory_space<vmem_shared>>
        %dma_start3A_38 = arith.constant 0 : i32
        %dma_start3A_39 = tpu.memref_slice %arg11[%add3A_36, %dma_start3A_38] : memref<10240x128xf32, #tpu.memory_space<vmem_shared>> -> memref<64x128xf32, #tpu.memory_space<vmem_shared>>
        tpu.enqueue_dma source(%dma_start3A_39 : memref<64x128xf32, #tpu.memory_space<vmem_shared>>) target(%arg10 : memref<64x128xf32, #tpu.memory_space<vmem>>) target_semaphore(%run_scoped3A : memref<!tpu.dma_semaphore, #tpu.memory_space<semaphore_mem>>)
        %dma_wait3A = arith.constant 0 : i32
        %dma_wait3A_40 = tpu.memref_slice %arg11[%add3A_36, %dma_wait3A] : memref<10240x128xf32, #tpu.memory_space<vmem_shared>> -> memref<64x128xf32, #tpu.memory_space<vmem_shared>>
        %dma_wait3A_41 = arith.constant 0 : i32
        %dma_wait3A_42 = tpu.memref_slice %arg11[%add3A_36, %dma_wait3A_41] : memref<10240x128xf32, #tpu.memory_space<vmem_shared>> -> memref<64x128xf32, #tpu.memory_space<vmem_shared>>
        tpu.wait_dma2 semaphore(%run_scoped3A : memref<!tpu.dma_semaphore, #tpu.memory_space<semaphore_mem>>) src(%dma_wait3A_42 : memref<64x128xf32, #tpu.memory_space<vmem_shared>>) dst(%arg10 : memref<64x128xf32, #tpu.memory_space<vmem>>)
        tpu.yield
      }) : () -> ()
      "tpu.region"() ({
        %run_scoped3A = tpu.sem_alloc : memref<!tpu.dma_semaphore, #tpu.memory_space<semaphore_mem>>
        %dma_start3A = arith.constant 0 : i32
        %dma_start3A_37 = tpu.memref_slice %arg5[%arg0, %add3A_36, %dma_start3A] : memref<2x10240x128xf32, #tpu.memory_space<hbm>> -> memref<1x64x128xf32, #tpu.memory_space<hbm>>
        %dma_start3A_38 = tpu.memref_squeeze %dma_start3A_37 : memref<1x64x128xf32, #tpu.memory_space<hbm>> -> memref<64x128xf32, #tpu.memory_space<hbm>>
        %dma_start3A_39 = arith.constant 0 : i32
        %dma_start3A_40 = tpu.memref_slice %arg5[%arg0, %add3A_36, %dma_start3A_39] : memref<2x10240x128xf32, #tpu.memory_space<hbm>> -> memref<1x64x128xf32, #tpu.memory_space<hbm>>
        %dma_start3A_41 = tpu.memref_squeeze %dma_start3A_40 : memref<1x64x128xf32, #tpu.memory_space<hbm>> -> memref<64x128xf32, #tpu.memory_space<hbm>>
        tpu.enqueue_dma source(%arg10 : memref<64x128xf32, #tpu.memory_space<vmem>>) target(%dma_start3A_41 : memref<64x128xf32, #tpu.memory_space<hbm>>) target_semaphore(%run_scoped3A : memref<!tpu.dma_semaphore, #tpu.memory_space<semaphore_mem>>)
        %dma_wait3A = arith.constant 0 : i32
        %dma_wait3A_42 = tpu.memref_slice %arg5[%arg0, %add3A_36, %dma_wait3A] : memref<2x10240x128xf32, #tpu.memory_space<hbm>> -> memref<1x64x128xf32, #tpu.memory_space<hbm>>
        %dma_wait3A_43 = tpu.memref_squeeze %dma_wait3A_42 : memref<1x64x128xf32, #tpu.memory_space<hbm>> -> memref<64x128xf32, #tpu.memory_space<hbm>>
        %dma_wait3A_44 = arith.constant 0 : i32
        %dma_wait3A_45 = tpu.memref_slice %arg5[%arg0, %add3A_36, %dma_wait3A_44] : memref<2x10240x128xf32, #tpu.memory_space<hbm>> -> memref<1x64x128xf32, #tpu.memory_space<hbm>>
        %dma_wait3A_46 = tpu.memref_squeeze %dma_wait3A_45 : memref<1x64x128xf32, #tpu.memory_space<hbm>> -> memref<64x128xf32, #tpu.memory_space<hbm>>
        tpu.wait_dma2 semaphore(%run_scoped3A : memref<!tpu.dma_semaphore, #tpu.memory_space<semaphore_mem>>) src(%arg10 : memref<64x128xf32, #tpu.memory_space<vmem>>) dst(%dma_wait3A_46 : memref<64x128xf32, #tpu.memory_space<hbm>>)
        tpu.yield
      }) : () -> ()
    }
    %scan3A_30 = arith.constant 10 : i32
    return
  }
}

#map = affine_map<(d0, d1) -> (0, 0)>
#map1 = affine_map<(d0, d1) -> (0, 0, 0)>
module attributes {stable_mosaic.version = 14 : i64} {
  func.func @_edge_kernel(%arg0: i32, %arg1: i32, %arg2: memref<10240x128xf32, #tpu.memory_space<hbm>>, %arg3: memref<2560x128xi32, #tpu.memory_space<hbm>>, %arg4: memref<2560x128xi32, #tpu.memory_space<hbm>>, %arg5: memref<2x10240x128xf32, #tpu.memory_space<hbm>>, %arg6: memref<8x128xi32, #tpu.memory_space<vmem>>, %arg7: memref<8x128xi32, #tpu.memory_space<vmem>>, %arg8: memref<128x128xf32, #tpu.memory_space<vmem>>, %arg9: memref<128x128xf32, #tpu.memory_space<vmem>>, %arg10: memref<64x128xf32, #tpu.memory_space<vmem>>, %arg11: memref<10240x128xf32, #tpu.memory_space<vmem_shared>>, %arg12: memref<!tpu.dma_semaphore, #tpu.memory_space<semaphore_mem>>, %arg13: memref<!tpu.dma_semaphore, #tpu.memory_space<semaphore_mem>>) attributes {dimension_semantics = [#tpu.dimension_semantics<core_parallel>, #tpu.dimension_semantics<subcore_parallel>], iteration_bounds = array<i64: 2, 16>, scalar_prefetch = 0 : i64, scratch_operands = 8 : i64, tpu.core_type = #tpu.core_type<sc_vector_subcore>, window_params = [{transform_indices = #map}, {transform_indices = #map}, {transform_indices = #map}, {transform_indices = #map1}]} {
    %eq3A = arith.constant 0 : i32
    %eq3A_0 = arith.cmpi eq, %arg0, %eq3A : i32
    %convert_element_type3A = arith.extui %eq3A_0 : i1 to i32
    %cond3A = arith.constant 0 : i32
    %cond3A_1 = arith.cmpi ne, %convert_element_type3A, %cond3A : i32
    scf.if %cond3A_1 {
      %scan3A_31 = arith.constant 0 : i32
      %scan3A_32 = arith.constant 0 : i32
      %scan3A_33 = arith.constant 10 : i32
      %scan3A_34 = arith.addi %scan3A_32, %scan3A_33 : i32
      %scan3A_35 = arith.constant 1 : i32
      scf.for %scan3A_37 = %scan3A_32 to %scan3A_34 step %scan3A_35  : i32 {
        %mul3A_38 = arith.constant 640 : i32
        %mul3A_39 = arith.muli %arg1, %mul3A_38 : i32
        %mul3A_40 = arith.constant 64 : i32
        %mul3A_41 = arith.muli %scan3A_37, %mul3A_40 : i32
        %add3A_42 = arith.addi %mul3A_39, %mul3A_41 : i32
        "tpu.region"() ({
          %run_scoped3A = tpu.sem_alloc : memref<!tpu.dma_semaphore, #tpu.memory_space<semaphore_mem>>
          %dma_start3A = arith.constant 0 : i32
          %dma_start3A_43 = tpu.memref_slice %arg2[%add3A_42, %dma_start3A] : memref<10240x128xf32, #tpu.memory_space<hbm>> -> memref<64x128xf32, #tpu.memory_space<hbm>>
          %dma_start3A_44 = arith.constant 0 : i32
          %dma_start3A_45 = tpu.memref_slice %arg2[%add3A_42, %dma_start3A_44] : memref<10240x128xf32, #tpu.memory_space<hbm>> -> memref<64x128xf32, #tpu.memory_space<hbm>>
          tpu.enqueue_dma source(%dma_start3A_45 : memref<64x128xf32, #tpu.memory_space<hbm>>) target(%arg10 : memref<64x128xf32, #tpu.memory_space<vmem>>) target_semaphore(%run_scoped3A : memref<!tpu.dma_semaphore, #tpu.memory_space<semaphore_mem>>)
          %dma_wait3A = arith.constant 0 : i32
          %dma_wait3A_46 = tpu.memref_slice %arg2[%add3A_42, %dma_wait3A] : memref<10240x128xf32, #tpu.memory_space<hbm>> -> memref<64x128xf32, #tpu.memory_space<hbm>>
          %dma_wait3A_47 = arith.constant 0 : i32
          %dma_wait3A_48 = tpu.memref_slice %arg2[%add3A_42, %dma_wait3A_47] : memref<10240x128xf32, #tpu.memory_space<hbm>> -> memref<64x128xf32, #tpu.memory_space<hbm>>
          tpu.wait_dma2 semaphore(%run_scoped3A : memref<!tpu.dma_semaphore, #tpu.memory_space<semaphore_mem>>) src(%dma_wait3A_48 : memref<64x128xf32, #tpu.memory_space<hbm>>) dst(%arg10 : memref<64x128xf32, #tpu.memory_space<vmem>>)
          tpu.yield
        }) : () -> ()
        "tpu.region"() ({
          %run_scoped3A = tpu.sem_alloc : memref<!tpu.dma_semaphore, #tpu.memory_space<semaphore_mem>>
          %dma_start3A = arith.constant 0 : i32
          %dma_start3A_43 = tpu.memref_slice %arg11[%add3A_42, %dma_start3A] : memref<10240x128xf32, #tpu.memory_space<vmem_shared>> -> memref<64x128xf32, #tpu.memory_space<vmem_shared>>
          %dma_start3A_44 = arith.constant 0 : i32
          %dma_start3A_45 = tpu.memref_slice %arg11[%add3A_42, %dma_start3A_44] : memref<10240x128xf32, #tpu.memory_space<vmem_shared>> -> memref<64x128xf32, #tpu.memory_space<vmem_shared>>
          tpu.enqueue_dma source(%arg10 : memref<64x128xf32, #tpu.memory_space<vmem>>) target(%dma_start3A_45 : memref<64x128xf32, #tpu.memory_space<vmem_shared>>) target_semaphore(%run_scoped3A : memref<!tpu.dma_semaphore, #tpu.memory_space<semaphore_mem>>)
          %dma_wait3A = arith.constant 0 : i32
          %dma_wait3A_46 = tpu.memref_slice %arg11[%add3A_42, %dma_wait3A] : memref<10240x128xf32, #tpu.memory_space<vmem_shared>> -> memref<64x128xf32, #tpu.memory_space<vmem_shared>>
          %dma_wait3A_47 = arith.constant 0 : i32
          %dma_wait3A_48 = tpu.memref_slice %arg11[%add3A_42, %dma_wait3A_47] : memref<10240x128xf32, #tpu.memory_space<vmem_shared>> -> memref<64x128xf32, #tpu.memory_space<vmem_shared>>
          tpu.wait_dma2 semaphore(%run_scoped3A : memref<!tpu.dma_semaphore, #tpu.memory_space<semaphore_mem>>) src(%arg10 : memref<64x128xf32, #tpu.memory_space<vmem>>) dst(%dma_wait3A_48 : memref<64x128xf32, #tpu.memory_space<vmem_shared>>)
          tpu.yield
        }) : () -> ()
      }
      %scan3A_36 = arith.constant 10 : i32
    } else {
    }
    %ne3A = arith.constant 0 : i32
    %ne3A_2 = arith.cmpi ne, %arg0, %ne3A : i32
    %convert_element_type3A_3 = arith.extui %ne3A_2 : i1 to i32
    %cond3A_4 = arith.constant 0 : i32
    %cond3A_5 = arith.cmpi ne, %convert_element_type3A_3, %cond3A_4 : i32
    scf.if %cond3A_5 {
      %scan3A_31 = arith.constant 0 : i32
      %scan3A_32 = arith.constant 0 : i32
      %scan3A_33 = arith.constant 64 : i32
      %scan3A_34 = arith.addi %scan3A_32, %scan3A_33 : i32
      %scan3A_35 = arith.constant 1 : i32
      scf.for %scan3A_43 = %scan3A_32 to %scan3A_34 step %scan3A_35  : i32 {
        %broadcast_in_dim3A = arith.constant 0.000000e+00 : f32
        %broadcast_in_dim3A_44 = vector.broadcast %broadcast_in_dim3A : f32 to vector<16xf32>
        %swap3A = arith.index_cast %scan3A_43 : i32 to index
        %swap3A_45 = arith.constant 0 : index
        %swap3A_46 = tpu.vector_load %arg10[%swap3A, %swap3A_45] {strides = array<i32>} : memref<64x128xf32, #tpu.memory_space<vmem>>, vector<1x16xf32>,
        %swap3A_47 = vector.shape_cast %swap3A_46 : vector<1x16xf32> to vector<16xf32>
        %swap3A_48 = vector.shape_cast %broadcast_in_dim3A_44 : vector<16xf32> to vector<1x16xf32>
        tpu.vector_store %arg10[%swap3A, %swap3A_45], %swap3A_48 {strides = array<i32>} : memref<64x128xf32, #tpu.memory_space<vmem>>, vector<1x16xf32>,
        %broadcast_in_dim3A_49 = arith.constant 0.000000e+00 : f32
        %broadcast_in_dim3A_50 = vector.broadcast %broadcast_in_dim3A_49 : f32 to vector<16xf32>
        %swap3A_51 = arith.index_cast %scan3A_43 : i32 to index
        %swap3A_52 = arith.constant 16 : index
        %swap3A_53 = tpu.vector_load %arg10[%swap3A_51, %swap3A_52] {strides = array<i32>} : memref<64x128xf32, #tpu.memory_space<vmem>>, vector<1x16xf32>,
        %swap3A_54 = vector.shape_cast %swap3A_53 : vector<1x16xf32> to vector<16xf32>
        %swap3A_55 = vector.shape_cast %broadcast_in_dim3A_50 : vector<16xf32> to vector<1x16xf32>
        tpu.vector_store %arg10[%swap3A_51, %swap3A_52], %swap3A_55 {strides = array<i32>} : memref<64x128xf32, #tpu.memory_space<vmem>>, vector<1x16xf32>,
        %broadcast_in_dim3A_56 = arith.constant 0.000000e+00 : f32
        %broadcast_in_dim3A_57 = vector.broadcast %broadcast_in_dim3A_56 : f32 to vector<16xf32>
        %swap3A_58 = arith.index_cast %scan3A_43 : i32 to index
        %swap3A_59 = arith.constant 32 : index
        %swap3A_60 = tpu.vector_load %arg10[%swap3A_58, %swap3A_59] {strides = array<i32>} : memref<64x128xf32, #tpu.memory_space<vmem>>, vector<1x16xf32>,
        %swap3A_61 = vector.shape_cast %swap3A_60 : vector<1x16xf32> to vector<16xf32>
        %swap3A_62 = vector.shape_cast %broadcast_in_dim3A_57 : vector<16xf32> to vector<1x16xf32>
        tpu.vector_store %arg10[%swap3A_58, %swap3A_59], %swap3A_62 {strides = array<i32>} : memref<64x128xf32, #tpu.memory_space<vmem>>, vector<1x16xf32>,
        %broadcast_in_dim3A_63 = arith.constant 0.000000e+00 : f32
        %broadcast_in_dim3A_64 = vector.broadcast %broadcast_in_dim3A_63 : f32 to vector<16xf32>
        %swap3A_65 = arith.index_cast %scan3A_43 : i32 to index
        %swap3A_66 = arith.constant 48 : index
        %swap3A_67 = tpu.vector_load %arg10[%swap3A_65, %swap3A_66] {strides = array<i32>} : memref<64x128xf32, #tpu.memory_space<vmem>>, vector<1x16xf32>,
        %swap3A_68 = vector.shape_cast %swap3A_67 : vector<1x16xf32> to vector<16xf32>
        %swap3A_69 = vector.shape_cast %broadcast_in_dim3A_64 : vector<16xf32> to vector<1x16xf32>
        tpu.vector_store %arg10[%swap3A_65, %swap3A_66], %swap3A_69 {strides = array<i32>} : memref<64x128xf32, #tpu.memory_space<vmem>>, vector<1x16xf32>,
        %broadcast_in_dim3A_70 = arith.constant 0.000000e+00 : f32
        %broadcast_in_dim3A_71 = vector.broadcast %broadcast_in_dim3A_70 : f32 to vector<16xf32>
        %swap3A_72 = arith.index_cast %scan3A_43 : i32 to index
        %swap3A_73 = arith.constant 64 : index
        %swap3A_74 = tpu.vector_load %arg10[%swap3A_72, %swap3A_73] {strides = array<i32>} : memref<64x128xf32, #tpu.memory_space<vmem>>, vector<1x16xf32>,
        %swap3A_75 = vector.shape_cast %swap3A_74 : vector<1x16xf32> to vector<16xf32>
        %swap3A_76 = vector.shape_cast %broadcast_in_dim3A_71 : vector<16xf32> to vector<1x16xf32>
        tpu.vector_store %arg10[%swap3A_72, %swap3A_73], %swap3A_76 {strides = array<i32>} : memref<64x128xf32, #tpu.memory_space<vmem>>, vector<1x16xf32>,
        %broadcast_in_dim3A_77 = arith.constant 0.000000e+00 : f32
        %broadcast_in_dim3A_78 = vector.broadcast %broadcast_in_dim3A_77 : f32 to vector<16xf32>
        %swap3A_79 = arith.index_cast %scan3A_43 : i32 to index
        %swap3A_80 = arith.constant 80 : index
        %swap3A_81 = tpu.vector_load %arg10[%swap3A_79, %swap3A_80] {strides = array<i32>} : memref<64x128xf32, #tpu.memory_space<vmem>>, vector<1x16xf32>,
        %swap3A_82 = vector.shape_cast %swap3A_81 : vector<1x16xf32> to vector<16xf32>
        %swap3A_83 = vector.shape_cast %broadcast_in_dim3A_78 : vector<16xf32> to vector<1x16xf32>
        tpu.vector_store %arg10[%swap3A_79, %swap3A_80], %swap3A_83 {strides = array<i32>} : memref<64x128xf32, #tpu.memory_space<vmem>>, vector<1x16xf32>,
        %broadcast_in_dim3A_84 = arith.constant 0.000000e+00 : f32
        %broadcast_in_dim3A_85 = vector.broadcast %broadcast_in_dim3A_84 : f32 to vector<16xf32>
        %swap3A_86 = arith.index_cast %scan3A_43 : i32 to index
        %swap3A_87 = arith.constant 96 : index
        %swap3A_88 = tpu.vector_load %arg10[%swap3A_86, %swap3A_87] {strides = array<i32>} : memref<64x128xf32, #tpu.memory_space<vmem>>, vector<1x16xf32>,
        %swap3A_89 = vector.shape_cast %swap3A_88 : vector<1x16xf32> to vector<16xf32>
        %swap3A_90 = vector.shape_cast %broadcast_in_dim3A_85 : vector<16xf32> to vector<1x16xf32>
        tpu.vector_store %arg10[%swap3A_86, %swap3A_87], %swap3A_90 {strides = array<i32>} : memref<64x128xf32, #tpu.memory_space<vmem>>, vector<1x16xf32>,
        %broadcast_in_dim3A_91 = arith.constant 0.000000e+00 : f32
        %broadcast_in_dim3A_92 = vector.broadcast %broadcast_in_dim3A_91 : f32 to vector<16xf32>
        %swap3A_93 = arith.index_cast %scan3A_43 : i32 to index
        %swap3A_94 = arith.constant 112 : index
        %swap3A_95 = tpu.vector_load %arg10[%swap3A_93, %swap3A_94] {strides = array<i32>} : memref<64x128xf32, #tpu.memory_space<vmem>>, vector<1x16xf32>,
        %swap3A_96 = vector.shape_cast %swap3A_95 : vector<1x16xf32> to vector<16xf32>
        %swap3A_97 = vector.shape_cast %broadcast_in_dim3A_92 : vector<16xf32> to vector<1x16xf32>
        tpu.vector_store %arg10[%swap3A_93, %swap3A_94], %swap3A_97 {strides = array<i32>} : memref<64x128xf32, #tpu.memory_space<vmem>>, vector<1x16xf32>,
      }
      %scan3A_36 = arith.constant 64 : i32
      %scan3A_37 = arith.constant 0 : i32
      %scan3A_38 = arith.constant 0 : i32
      %scan3A_39 = arith.constant 10 : i32
      %scan3A_40 = arith.addi %scan3A_38, %scan3A_39 : i32
      %scan3A_41 = arith.constant 1 : i32
      scf.for %scan3A_43 = %scan3A_38 to %scan3A_40 step %scan3A_41  : i32 {
        %mul3A_44 = arith.constant 640 : i32
        %mul3A_45 = arith.muli %arg1, %mul3A_44 : i32
        %mul3A_46 = arith.constant 64 : i32
        %mul3A_47 = arith.muli %scan3A_43, %mul3A_46 : i32
        %add3A_48 = arith.addi %mul3A_45, %mul3A_47 : i32
        "tpu.region"() ({
          %run_scoped3A = tpu.sem_alloc : memref<!tpu.dma_semaphore, #tpu.memory_space<semaphore_mem>>
          %dma_start3A = arith.constant 0 : i32
          %dma_start3A_49 = tpu.memref_slice %arg11[%add3A_48, %dma_start3A] : memref<10240x128xf32, #tpu.memory_space<vmem_shared>> -> memref<64x128xf32, #tpu.memory_space<vmem_shared>>
          %dma_start3A_50 = arith.constant 0 : i32
          %dma_start3A_51 = tpu.memref_slice %arg11[%add3A_48, %dma_start3A_50] : memref<10240x128xf32, #tpu.memory_space<vmem_shared>> -> memref<64x128xf32, #tpu.memory_space<vmem_shared>>
          tpu.enqueue_dma source(%arg10 : memref<64x128xf32, #tpu.memory_space<vmem>>) target(%dma_start3A_51 : memref<64x128xf32, #tpu.memory_space<vmem_shared>>) target_semaphore(%run_scoped3A : memref<!tpu.dma_semaphore, #tpu.memory_space<semaphore_mem>>)
          %dma_wait3A = arith.constant 0 : i32
          %dma_wait3A_52 = tpu.memref_slice %arg11[%add3A_48, %dma_wait3A] : memref<10240x128xf32, #tpu.memory_space<vmem_shared>> -> memref<64x128xf32, #tpu.memory_space<vmem_shared>>
          %dma_wait3A_53 = arith.constant 0 : i32
          %dma_wait3A_54 = tpu.memref_slice %arg11[%add3A_48, %dma_wait3A_53] : memref<10240x128xf32, #tpu.memory_space<vmem_shared>> -> memref<64x128xf32, #tpu.memory_space<vmem_shared>>
          tpu.wait_dma2 semaphore(%run_scoped3A : memref<!tpu.dma_semaphore, #tpu.memory_space<semaphore_mem>>) src(%arg10 : memref<64x128xf32, #tpu.memory_space<vmem>>) dst(%dma_wait3A_54 : memref<64x128xf32, #tpu.memory_space<vmem_shared>>)
          tpu.yield
        }) : () -> ()
      }
      %scan3A_42 = arith.constant 10 : i32
    } else {
    }
    %barrier3A = arith.constant 0 : index
    tpu.barrier barrier_id(%barrier3A)
    %eq3A_6 = arith.constant 0 : i32
    %eq3A_7 = arith.cmpi eq, %arg0, %eq3A_6 : i32
    %mul3A = arith.constant 120 : i32
    %mul3A_8 = arith.muli %arg1, %mul3A : i32
    %mul3A_9 = arith.constant 40 : i32
    %mul3A_10 = arith.muli %arg1, %mul3A_9 : i32
    %add3A = arith.constant 1920 : i32
    %add3A_11 = arith.addi %add3A, %mul3A_10 : i32
    %select_n3A = arith.select %eq3A_7, %mul3A_8, %add3A_11 : i32
    %eq3A_12 = arith.constant 0 : i32
    %eq3A_13 = arith.cmpi eq, %arg0, %eq3A_12 : i32
    %jit3A = arith.constant 15 : i32
    %jit3A_14 = arith.constant 5 : i32
    %select_n3A_15 = arith.select %eq3A_13, %jit3A, %jit3A_14 : i32
    %while3A = arith.constant 0 : i32
    %while3A_16 = arith.constant 0 : i32
    %while3A_17 = arith.subi %select_n3A_15, %while3A_16 : i32
    %while3A_18 = arith.addi %while3A_16, %while3A_17 : i32
    %while3A_19 = arith.constant 1 : i32
    %while3A_20 = arith.divsi %while3A_17, %while3A_19 : i32
    %while3A_21 = arith.muli %while3A_20, %while3A_19 : i32
    %while3A_22 = arith.addi %while3A_16, %while3A_21 : i32
    %while3A_23 = arith.constant 1 : i32
    scf.for %while3A_31 = %while3A_16 to %while3A_22 step %while3A_23  : i32 {
      %mul3A_32 = arith.constant 8 : i32
      %mul3A_33 = arith.muli %while3A_31, %mul3A_32 : i32
      %add3A_34 = arith.addi %select_n3A, %mul3A_33 : i32
      "tpu.region"() ({
        %run_scoped3A = tpu.sem_alloc : memref<!tpu.dma_semaphore, #tpu.memory_space<semaphore_mem>>
        %dma_start3A = arith.constant 0 : i32
        %dma_start3A_44 = tpu.memref_slice %arg3[%add3A_34, %dma_start3A] : memref<2560x128xi32, #tpu.memory_space<hbm>> -> memref<8x128xi32, #tpu.memory_space<hbm>>
        %dma_start3A_45 = arith.constant 0 : i32
        %dma_start3A_46 = tpu.memref_slice %arg3[%add3A_34, %dma_start3A_45] : memref<2560x128xi32, #tpu.memory_space<hbm>> -> memref<8x128xi32, #tpu.memory_space<hbm>>
        tpu.enqueue_dma source(%dma_start3A_46 : memref<8x128xi32, #tpu.memory_space<hbm>>) target(%arg6 : memref<8x128xi32, #tpu.memory_space<vmem>>) target_semaphore(%run_scoped3A : memref<!tpu.dma_semaphore, #tpu.memory_space<semaphore_mem>>)
        %dma_wait3A = arith.constant 0 : i32
        %dma_wait3A_47 = tpu.memref_slice %arg3[%add3A_34, %dma_wait3A] : memref<2560x128xi32, #tpu.memory_space<hbm>> -> memref<8x128xi32, #tpu.memory_space<hbm>>
        %dma_wait3A_48 = arith.constant 0 : i32
        %dma_wait3A_49 = tpu.memref_slice %arg3[%add3A_34, %dma_wait3A_48] : memref<2560x128xi32, #tpu.memory_space<hbm>> -> memref<8x128xi32, #tpu.memory_space<hbm>>
        tpu.wait_dma2 semaphore(%run_scoped3A : memref<!tpu.dma_semaphore, #tpu.memory_space<semaphore_mem>>) src(%dma_wait3A_49 : memref<8x128xi32, #tpu.memory_space<hbm>>) dst(%arg6 : memref<8x128xi32, #tpu.memory_space<vmem>>)
        tpu.yield
      }) : () -> ()
      %mul3A_35 = arith.constant 8 : i32
      %mul3A_36 = arith.muli %while3A_31, %mul3A_35 : i32
      %add3A_37 = arith.addi %select_n3A, %mul3A_36 : i32
      "tpu.region"() ({
        %run_scoped3A = tpu.sem_alloc : memref<!tpu.dma_semaphore, #tpu.memory_space<semaphore_mem>>
        %dma_start3A = arith.constant 0 : i32
        %dma_start3A_44 = tpu.memref_slice %arg4[%add3A_37, %dma_start3A] : memref<2560x128xi32, #tpu.memory_space<hbm>> -> memref<8x128xi32, #tpu.memory_space<hbm>>
        %dma_start3A_45 = arith.constant 0 : i32
        %dma_start3A_46 = tpu.memref_slice %arg4[%add3A_37, %dma_start3A_45] : memref<2560x128xi32, #tpu.memory_space<hbm>> -> memref<8x128xi32, #tpu.memory_space<hbm>>
        tpu.enqueue_dma source(%dma_start3A_46 : memref<8x128xi32, #tpu.memory_space<hbm>>) target(%arg7 : memref<8x128xi32, #tpu.memory_space<vmem>>) target_semaphore(%run_scoped3A : memref<!tpu.dma_semaphore, #tpu.memory_space<semaphore_mem>>)
        %dma_wait3A = arith.constant 0 : i32
        %dma_wait3A_47 = tpu.memref_slice %arg4[%add3A_37, %dma_wait3A] : memref<2560x128xi32, #tpu.memory_space<hbm>> -> memref<8x128xi32, #tpu.memory_space<hbm>>
        %dma_wait3A_48 = arith.constant 0 : i32
        %dma_wait3A_49 = tpu.memref_slice %arg4[%add3A_37, %dma_wait3A_48] : memref<2560x128xi32, #tpu.memory_space<hbm>> -> memref<8x128xi32, #tpu.memory_space<hbm>>
        tpu.wait_dma2 semaphore(%run_scoped3A : memref<!tpu.dma_semaphore, #tpu.memory_space<semaphore_mem>>) src(%dma_wait3A_49 : memref<8x128xi32, #tpu.memory_space<hbm>>) dst(%arg7 : memref<8x128xi32, #tpu.memory_space<vmem>>)
        tpu.yield
      }) : () -> ()
      %scan3A_38 = arith.constant 0 : i32
      %scan3A_39 = arith.constant 0 : i32
      %scan3A_40 = arith.constant 4 : i32
      %scan3A_41 = arith.addi %scan3A_39, %scan3A_40 : i32
      %scan3A_42 = arith.constant 1 : i32
      scf.for %scan3A_44 = %scan3A_39 to %scan3A_41 step %scan3A_42  : i32 {
        %mul3A_45 = arith.constant 2 : i32
        %mul3A_46 = arith.muli %mul3A_45, %scan3A_44 : i32
        %mul3A_47 = arith.constant 2 : i32
        %mul3A_48 = arith.muli %mul3A_47, %scan3A_44 : i32
        %add3A_49 = arith.constant 1 : i32
        %add3A_50 = arith.addi %mul3A_48, %add3A_49 : i32
        %dma_start3A = arith.constant 0 : i32
        %dma_start3A_51 = tpu.memref_slice %arg6[%mul3A_46, %dma_start3A] : memref<8x128xi32, #tpu.memory_space<vmem>> -> memref<1x128xi32, #tpu.memory_space<vmem>>
        %dma_start3A_52 = tpu.memref_squeeze %dma_start3A_51 : memref<1x128xi32, #tpu.memory_space<vmem>> -> memref<128xi32, #tpu.memory_space<vmem>>
        %dma_start3A_53 = arith.constant 0 : i32
        %dma_start3A_54 = arith.constant 0 : i32
        %dma_start3A_55 = tpu.memref_slice %arg2[%dma_start3A_53, %dma_start3A_54] : memref<10240x128xf32, #tpu.memory_space<hbm>> -> memref<10240x128xf32, #tpu.memory_space<hbm>>
        tpu.enqueue_indirect_dma source(%dma_start3A_55 : memref<10240x128xf32, #tpu.memory_space<hbm>>) target(%arg8 : memref<128x128xf32, #tpu.memory_space<vmem>>) offsets(%dma_start3A_52 : memref<128xi32, #tpu.memory_space<vmem>>) semaphore(%arg12 : memref<!tpu.dma_semaphore, #tpu.memory_space<semaphore_mem>>)
        %dma_start3A_56 = arith.constant 0 : i32
        %dma_start3A_57 = tpu.memref_slice %arg6[%add3A_50, %dma_start3A_56] : memref<8x128xi32, #tpu.memory_space<vmem>> -> memref<1x128xi32, #tpu.memory_space<vmem>>
        %dma_start3A_58 = tpu.memref_squeeze %dma_start3A_57 : memref<1x128xi32, #tpu.memory_space<vmem>> -> memref<128xi32, #tpu.memory_space<vmem>>
        %dma_start3A_59 = arith.constant 0 : i32
        %dma_start3A_60 = arith.constant 0 : i32
        %dma_start3A_61 = tpu.memref_slice %arg2[%dma_start3A_59, %dma_start3A_60] : memref<10240x128xf32, #tpu.memory_space<hbm>> -> memref<10240x128xf32, #tpu.memory_space<hbm>>
        tpu.enqueue_indirect_dma source(%dma_start3A_61 : memref<10240x128xf32, #tpu.memory_space<hbm>>) target(%arg9 : memref<128x128xf32, #tpu.memory_space<vmem>>) offsets(%dma_start3A_58 : memref<128xi32, #tpu.memory_space<vmem>>) semaphore(%arg13 : memref<!tpu.dma_semaphore, #tpu.memory_space<semaphore_mem>>)
        %dma_wait3A = arith.constant 0 : i32
        %dma_wait3A_62 = tpu.memref_slice %arg6[%mul3A_46, %dma_wait3A] : memref<8x128xi32, #tpu.memory_space<vmem>> -> memref<1x128xi32, #tpu.memory_space<vmem>>
        %dma_wait3A_63 = tpu.memref_squeeze %dma_wait3A_62 : memref<1x128xi32, #tpu.memory_space<vmem>> -> memref<128xi32, #tpu.memory_space<vmem>>
        %dma_wait3A_64 = arith.constant 0 : i32
        %dma_wait3A_65 = arith.constant 0 : i32
        %dma_wait3A_66 = tpu.memref_slice %arg2[%dma_wait3A_64, %dma_wait3A_65] : memref<10240x128xf32, #tpu.memory_space<hbm>> -> memref<10240x128xf32, #tpu.memory_space<hbm>>
        tpu.wait_indirect_dma semaphore(%arg12 : memref<!tpu.dma_semaphore, #tpu.memory_space<semaphore_mem>>) src(%dma_wait3A_66 : memref<10240x128xf32, #tpu.memory_space<hbm>>) dst(%arg8 : memref<128x128xf32, #tpu.memory_space<vmem>>)
        "tpu.region"() ({
          %run_scoped3A = tpu.sem_alloc : memref<!tpu.dma_semaphore, #tpu.memory_space<semaphore_mem>>
          %dma_start3A_73 = arith.constant 0 : i32
          %dma_start3A_74 = tpu.memref_slice %arg7[%mul3A_46, %dma_start3A_73] : memref<8x128xi32, #tpu.memory_space<vmem>> -> memref<1x128xi32, #tpu.memory_space<vmem>>
          %dma_start3A_75 = tpu.memref_squeeze %dma_start3A_74 : memref<1x128xi32, #tpu.memory_space<vmem>> -> memref<128xi32, #tpu.memory_space<vmem>>
          %dma_start3A_76 = arith.constant 0 : i32
          %dma_start3A_77 = arith.constant 0 : i32
          %dma_start3A_78 = tpu.memref_slice %arg11[%dma_start3A_76, %dma_start3A_77] : memref<10240x128xf32, #tpu.memory_space<vmem_shared>> -> memref<10240x128xf32, #tpu.memory_space<vmem_shared>>
          tpu.enqueue_indirect_dma source(%arg8 : memref<128x128xf32, #tpu.memory_space<vmem>>) target(%dma_start3A_78 : memref<10240x128xf32, #tpu.memory_space<vmem_shared>>) offsets(%dma_start3A_75 : memref<128xi32, #tpu.memory_space<vmem>>) semaphore(%run_scoped3A : memref<!tpu.dma_semaphore, #tpu.memory_space<semaphore_mem>>) {add = true}
          %dma_wait3A_79 = arith.constant 0 : i32
          %dma_wait3A_80 = tpu.memref_slice %arg7[%mul3A_46, %dma_wait3A_79] : memref<8x128xi32, #tpu.memory_space<vmem>> -> memref<1x128xi32, #tpu.memory_space<vmem>>
          %dma_wait3A_81 = tpu.memref_squeeze %dma_wait3A_80 : memref<1x128xi32, #tpu.memory_space<vmem>> -> memref<128xi32, #tpu.memory_space<vmem>>
          %dma_wait3A_82 = arith.constant 0 : i32
          %dma_wait3A_83 = arith.constant 0 : i32
          %dma_wait3A_84 = tpu.memref_slice %arg11[%dma_wait3A_82, %dma_wait3A_83] : memref<10240x128xf32, #tpu.memory_space<vmem_shared>> -> memref<10240x128xf32, #tpu.memory_space<vmem_shared>>
          tpu.wait_indirect_dma semaphore(%run_scoped3A : memref<!tpu.dma_semaphore, #tpu.memory_space<semaphore_mem>>) src(%arg8 : memref<128x128xf32, #tpu.memory_space<vmem>>) dst(%dma_wait3A_84 : memref<10240x128xf32, #tpu.memory_space<vmem_shared>>)
          tpu.yield
        }) : () -> ()
        %dma_wait3A_67 = arith.constant 0 : i32
        %dma_wait3A_68 = tpu.memref_slice %arg6[%add3A_50, %dma_wait3A_67] : memref<8x128xi32, #tpu.memory_space<vmem>> -> memref<1x128xi32, #tpu.memory_space<vmem>>
        %dma_wait3A_69 = tpu.memref_squeeze %dma_wait3A_68 : memref<1x128xi32, #tpu.memory_space<vmem>> -> memref<128xi32, #tpu.memory_space<vmem>>
        %dma_wait3A_70 = arith.constant 0 : i32
        %dma_wait3A_71 = arith.constant 0 : i32
        %dma_wait3A_72 = tpu.memref_slice %arg2[%dma_wait3A_70, %dma_wait3A_71] : memref<10240x128xf32, #tpu.memory_space<hbm>> -> memref<10240x128xf32, #tpu.memory_space<hbm>>
        tpu.wait_indirect_dma semaphore(%arg13 : memref<!tpu.dma_semaphore, #tpu.memory_space<semaphore_mem>>) src(%dma_wait3A_72 : memref<10240x128xf32, #tpu.memory_space<hbm>>) dst(%arg9 : memref<128x128xf32, #tpu.memory_space<vmem>>)
        "tpu.region"() ({
          %run_scoped3A = tpu.sem_alloc : memref<!tpu.dma_semaphore, #tpu.memory_space<semaphore_mem>>
          %dma_start3A_73 = arith.constant 0 : i32
          %dma_start3A_74 = tpu.memref_slice %arg7[%add3A_50, %dma_start3A_73] : memref<8x128xi32, #tpu.memory_space<vmem>> -> memref<1x128xi32, #tpu.memory_space<vmem>>
          %dma_start3A_75 = tpu.memref_squeeze %dma_start3A_74 : memref<1x128xi32, #tpu.memory_space<vmem>> -> memref<128xi32, #tpu.memory_space<vmem>>
          %dma_start3A_76 = arith.constant 0 : i32
          %dma_start3A_77 = arith.constant 0 : i32
          %dma_start3A_78 = tpu.memref_slice %arg11[%dma_start3A_76, %dma_start3A_77] : memref<10240x128xf32, #tpu.memory_space<vmem_shared>> -> memref<10240x128xf32, #tpu.memory_space<vmem_shared>>
          tpu.enqueue_indirect_dma source(%arg9 : memref<128x128xf32, #tpu.memory_space<vmem>>) target(%dma_start3A_78 : memref<10240x128xf32, #tpu.memory_space<vmem_shared>>) offsets(%dma_start3A_75 : memref<128xi32, #tpu.memory_space<vmem>>) semaphore(%run_scoped3A : memref<!tpu.dma_semaphore, #tpu.memory_space<semaphore_mem>>) {add = true}
          %dma_wait3A_79 = arith.constant 0 : i32
          %dma_wait3A_80 = tpu.memref_slice %arg7[%add3A_50, %dma_wait3A_79] : memref<8x128xi32, #tpu.memory_space<vmem>> -> memref<1x128xi32, #tpu.memory_space<vmem>>
          %dma_wait3A_81 = tpu.memref_squeeze %dma_wait3A_80 : memref<1x128xi32, #tpu.memory_space<vmem>> -> memref<128xi32, #tpu.memory_space<vmem>>
          %dma_wait3A_82 = arith.constant 0 : i32
          %dma_wait3A_83 = arith.constant 0 : i32
          %dma_wait3A_84 = tpu.memref_slice %arg11[%dma_wait3A_82, %dma_wait3A_83] : memref<10240x128xf32, #tpu.memory_space<vmem_shared>> -> memref<10240x128xf32, #tpu.memory_space<vmem_shared>>
          tpu.wait_indirect_dma semaphore(%run_scoped3A : memref<!tpu.dma_semaphore, #tpu.memory_space<semaphore_mem>>) src(%arg9 : memref<128x128xf32, #tpu.memory_space<vmem>>) dst(%dma_wait3A_84 : memref<10240x128xf32, #tpu.memory_space<vmem_shared>>)
          tpu.yield
        }) : () -> ()
      }
      %scan3A_43 = arith.constant 4 : i32
    }
    %while3A_24 = arith.constant 1 : i32
    scf.for %while3A_31 = %while3A_22 to %while3A_18 step %while3A_24  : i32 {
      %mul3A_32 = arith.constant 8 : i32
      %mul3A_33 = arith.muli %while3A_31, %mul3A_32 : i32
      %add3A_34 = arith.addi %select_n3A, %mul3A_33 : i32
      "tpu.region"() ({
        %run_scoped3A = tpu.sem_alloc : memref<!tpu.dma_semaphore, #tpu.memory_space<semaphore_mem>>
        %dma_start3A = arith.constant 0 : i32
        %dma_start3A_44 = tpu.memref_slice %arg3[%add3A_34, %dma_start3A] : memref<2560x128xi32, #tpu.memory_space<hbm>> -> memref<8x128xi32, #tpu.memory_space<hbm>>
        %dma_start3A_45 = arith.constant 0 : i32
        %dma_start3A_46 = tpu.memref_slice %arg3[%add3A_34, %dma_start3A_45] : memref<2560x128xi32, #tpu.memory_space<hbm>> -> memref<8x128xi32, #tpu.memory_space<hbm>>
        tpu.enqueue_dma source(%dma_start3A_46 : memref<8x128xi32, #tpu.memory_space<hbm>>) target(%arg6 : memref<8x128xi32, #tpu.memory_space<vmem>>) target_semaphore(%run_scoped3A : memref<!tpu.dma_semaphore, #tpu.memory_space<semaphore_mem>>)
        %dma_wait3A = arith.constant 0 : i32
        %dma_wait3A_47 = tpu.memref_slice %arg3[%add3A_34, %dma_wait3A] : memref<2560x128xi32, #tpu.memory_space<hbm>> -> memref<8x128xi32, #tpu.memory_space<hbm>>
        %dma_wait3A_48 = arith.constant 0 : i32
        %dma_wait3A_49 = tpu.memref_slice %arg3[%add3A_34, %dma_wait3A_48] : memref<2560x128xi32, #tpu.memory_space<hbm>> -> memref<8x128xi32, #tpu.memory_space<hbm>>
        tpu.wait_dma2 semaphore(%run_scoped3A : memref<!tpu.dma_semaphore, #tpu.memory_space<semaphore_mem>>) src(%dma_wait3A_49 : memref<8x128xi32, #tpu.memory_space<hbm>>) dst(%arg6 : memref<8x128xi32, #tpu.memory_space<vmem>>)
        tpu.yield
      }) : () -> ()
      %mul3A_35 = arith.constant 8 : i32
      %mul3A_36 = arith.muli %while3A_31, %mul3A_35 : i32
      %add3A_37 = arith.addi %select_n3A, %mul3A_36 : i32
      "tpu.region"() ({
        %run_scoped3A = tpu.sem_alloc : memref<!tpu.dma_semaphore, #tpu.memory_space<semaphore_mem>>
        %dma_start3A = arith.constant 0 : i32
        %dma_start3A_44 = tpu.memref_slice %arg4[%add3A_37, %dma_start3A] : memref<2560x128xi32, #tpu.memory_space<hbm>> -> memref<8x128xi32, #tpu.memory_space<hbm>>
        %dma_start3A_45 = arith.constant 0 : i32
        %dma_start3A_46 = tpu.memref_slice %arg4[%add3A_37, %dma_start3A_45] : memref<2560x128xi32, #tpu.memory_space<hbm>> -> memref<8x128xi32, #tpu.memory_space<hbm>>
        tpu.enqueue_dma source(%dma_start3A_46 : memref<8x128xi32, #tpu.memory_space<hbm>>) target(%arg7 : memref<8x128xi32, #tpu.memory_space<vmem>>) target_semaphore(%run_scoped3A : memref<!tpu.dma_semaphore, #tpu.memory_space<semaphore_mem>>)
        %dma_wait3A = arith.constant 0 : i32
        %dma_wait3A_47 = tpu.memref_slice %arg4[%add3A_37, %dma_wait3A] : memref<2560x128xi32, #tpu.memory_space<hbm>> -> memref<8x128xi32, #tpu.memory_space<hbm>>
        %dma_wait3A_48 = arith.constant 0 : i32
        %dma_wait3A_49 = tpu.memref_slice %arg4[%add3A_37, %dma_wait3A_48] : memref<2560x128xi32, #tpu.memory_space<hbm>> -> memref<8x128xi32, #tpu.memory_space<hbm>>
        tpu.wait_dma2 semaphore(%run_scoped3A : memref<!tpu.dma_semaphore, #tpu.memory_space<semaphore_mem>>) src(%dma_wait3A_49 : memref<8x128xi32, #tpu.memory_space<hbm>>) dst(%arg7 : memref<8x128xi32, #tpu.memory_space<vmem>>)
        tpu.yield
      }) : () -> ()
      %scan3A_38 = arith.constant 0 : i32
      %scan3A_39 = arith.constant 0 : i32
      %scan3A_40 = arith.constant 4 : i32
      %scan3A_41 = arith.addi %scan3A_39, %scan3A_40 : i32
      %scan3A_42 = arith.constant 1 : i32
      scf.for %scan3A_44 = %scan3A_39 to %scan3A_41 step %scan3A_42  : i32 {
        %mul3A_45 = arith.constant 2 : i32
        %mul3A_46 = arith.muli %mul3A_45, %scan3A_44 : i32
        %mul3A_47 = arith.constant 2 : i32
        %mul3A_48 = arith.muli %mul3A_47, %scan3A_44 : i32
        %add3A_49 = arith.constant 1 : i32
        %add3A_50 = arith.addi %mul3A_48, %add3A_49 : i32
        %dma_start3A = arith.constant 0 : i32
        %dma_start3A_51 = tpu.memref_slice %arg6[%mul3A_46, %dma_start3A] : memref<8x128xi32, #tpu.memory_space<vmem>> -> memref<1x128xi32, #tpu.memory_space<vmem>>
        %dma_start3A_52 = tpu.memref_squeeze %dma_start3A_51 : memref<1x128xi32, #tpu.memory_space<vmem>> -> memref<128xi32, #tpu.memory_space<vmem>>
        %dma_start3A_53 = arith.constant 0 : i32
        %dma_start3A_54 = arith.constant 0 : i32
        %dma_start3A_55 = tpu.memref_slice %arg2[%dma_start3A_53, %dma_start3A_54] : memref<10240x128xf32, #tpu.memory_space<hbm>> -> memref<10240x128xf32, #tpu.memory_space<hbm>>
        tpu.enqueue_indirect_dma source(%dma_start3A_55 : memref<10240x128xf32, #tpu.memory_space<hbm>>) target(%arg8 : memref<128x128xf32, #tpu.memory_space<vmem>>) offsets(%dma_start3A_52 : memref<128xi32, #tpu.memory_space<vmem>>) semaphore(%arg12 : memref<!tpu.dma_semaphore, #tpu.memory_space<semaphore_mem>>)
        %dma_start3A_56 = arith.constant 0 : i32
        %dma_start3A_57 = tpu.memref_slice %arg6[%add3A_50, %dma_start3A_56] : memref<8x128xi32, #tpu.memory_space<vmem>> -> memref<1x128xi32, #tpu.memory_space<vmem>>
        %dma_start3A_58 = tpu.memref_squeeze %dma_start3A_57 : memref<1x128xi32, #tpu.memory_space<vmem>> -> memref<128xi32, #tpu.memory_space<vmem>>
        %dma_start3A_59 = arith.constant 0 : i32
        %dma_start3A_60 = arith.constant 0 : i32
        %dma_start3A_61 = tpu.memref_slice %arg2[%dma_start3A_59, %dma_start3A_60] : memref<10240x128xf32, #tpu.memory_space<hbm>> -> memref<10240x128xf32, #tpu.memory_space<hbm>>
        tpu.enqueue_indirect_dma source(%dma_start3A_61 : memref<10240x128xf32, #tpu.memory_space<hbm>>) target(%arg9 : memref<128x128xf32, #tpu.memory_space<vmem>>) offsets(%dma_start3A_58 : memref<128xi32, #tpu.memory_space<vmem>>) semaphore(%arg13 : memref<!tpu.dma_semaphore, #tpu.memory_space<semaphore_mem>>)
        %dma_wait3A = arith.constant 0 : i32
        %dma_wait3A_62 = tpu.memref_slice %arg6[%mul3A_46, %dma_wait3A] : memref<8x128xi32, #tpu.memory_space<vmem>> -> memref<1x128xi32, #tpu.memory_space<vmem>>
        %dma_wait3A_63 = tpu.memref_squeeze %dma_wait3A_62 : memref<1x128xi32, #tpu.memory_space<vmem>> -> memref<128xi32, #tpu.memory_space<vmem>>
        %dma_wait3A_64 = arith.constant 0 : i32
        %dma_wait3A_65 = arith.constant 0 : i32
        %dma_wait3A_66 = tpu.memref_slice %arg2[%dma_wait3A_64, %dma_wait3A_65] : memref<10240x128xf32, #tpu.memory_space<hbm>> -> memref<10240x128xf32, #tpu.memory_space<hbm>>
        tpu.wait_indirect_dma semaphore(%arg12 : memref<!tpu.dma_semaphore, #tpu.memory_space<semaphore_mem>>) src(%dma_wait3A_66 : memref<10240x128xf32, #tpu.memory_space<hbm>>) dst(%arg8 : memref<128x128xf32, #tpu.memory_space<vmem>>)
        "tpu.region"() ({
          %run_scoped3A = tpu.sem_alloc : memref<!tpu.dma_semaphore, #tpu.memory_space<semaphore_mem>>
          %dma_start3A_73 = arith.constant 0 : i32
          %dma_start3A_74 = tpu.memref_slice %arg7[%mul3A_46, %dma_start3A_73] : memref<8x128xi32, #tpu.memory_space<vmem>> -> memref<1x128xi32, #tpu.memory_space<vmem>>
          %dma_start3A_75 = tpu.memref_squeeze %dma_start3A_74 : memref<1x128xi32, #tpu.memory_space<vmem>> -> memref<128xi32, #tpu.memory_space<vmem>>
          %dma_start3A_76 = arith.constant 0 : i32
          %dma_start3A_77 = arith.constant 0 : i32
          %dma_start3A_78 = tpu.memref_slice %arg11[%dma_start3A_76, %dma_start3A_77] : memref<10240x128xf32, #tpu.memory_space<vmem_shared>> -> memref<10240x128xf32, #tpu.memory_space<vmem_shared>>
          tpu.enqueue_indirect_dma source(%arg8 : memref<128x128xf32, #tpu.memory_space<vmem>>) target(%dma_start3A_78 : memref<10240x128xf32, #tpu.memory_space<vmem_shared>>) offsets(%dma_start3A_75 : memref<128xi32, #tpu.memory_space<vmem>>) semaphore(%run_scoped3A : memref<!tpu.dma_semaphore, #tpu.memory_space<semaphore_mem>>) {add = true}
          %dma_wait3A_79 = arith.constant 0 : i32
          %dma_wait3A_80 = tpu.memref_slice %arg7[%mul3A_46, %dma_wait3A_79] : memref<8x128xi32, #tpu.memory_space<vmem>> -> memref<1x128xi32, #tpu.memory_space<vmem>>
          %dma_wait3A_81 = tpu.memref_squeeze %dma_wait3A_80 : memref<1x128xi32, #tpu.memory_space<vmem>> -> memref<128xi32, #tpu.memory_space<vmem>>
          %dma_wait3A_82 = arith.constant 0 : i32
          %dma_wait3A_83 = arith.constant 0 : i32
          %dma_wait3A_84 = tpu.memref_slice %arg11[%dma_wait3A_82, %dma_wait3A_83] : memref<10240x128xf32, #tpu.memory_space<vmem_shared>> -> memref<10240x128xf32, #tpu.memory_space<vmem_shared>>
          tpu.wait_indirect_dma semaphore(%run_scoped3A : memref<!tpu.dma_semaphore, #tpu.memory_space<semaphore_mem>>) src(%arg8 : memref<128x128xf32, #tpu.memory_space<vmem>>) dst(%dma_wait3A_84 : memref<10240x128xf32, #tpu.memory_space<vmem_shared>>)
          tpu.yield
        }) : () -> ()
        %dma_wait3A_67 = arith.constant 0 : i32
        %dma_wait3A_68 = tpu.memref_slice %arg6[%add3A_50, %dma_wait3A_67] : memref<8x128xi32, #tpu.memory_space<vmem>> -> memref<1x128xi32, #tpu.memory_space<vmem>>
        %dma_wait3A_69 = tpu.memref_squeeze %dma_wait3A_68 : memref<1x128xi32, #tpu.memory_space<vmem>> -> memref<128xi32, #tpu.memory_space<vmem>>
        %dma_wait3A_70 = arith.constant 0 : i32
        %dma_wait3A_71 = arith.constant 0 : i32
        %dma_wait3A_72 = tpu.memref_slice %arg2[%dma_wait3A_70, %dma_wait3A_71] : memref<10240x128xf32, #tpu.memory_space<hbm>> -> memref<10240x128xf32, #tpu.memory_space<hbm>>
        tpu.wait_indirect_dma semaphore(%arg13 : memref<!tpu.dma_semaphore, #tpu.memory_space<semaphore_mem>>) src(%dma_wait3A_72 : memref<10240x128xf32, #tpu.memory_space<hbm>>) dst(%arg9 : memref<128x128xf32, #tpu.memory_space<vmem>>)
        "tpu.region"() ({
          %run_scoped3A = tpu.sem_alloc : memref<!tpu.dma_semaphore, #tpu.memory_space<semaphore_mem>>
          %dma_start3A_73 = arith.constant 0 : i32
          %dma_start3A_74 = tpu.memref_slice %arg7[%add3A_50, %dma_start3A_73] : memref<8x128xi32, #tpu.memory_space<vmem>> -> memref<1x128xi32, #tpu.memory_space<vmem>>
          %dma_start3A_75 = tpu.memref_squeeze %dma_start3A_74 : memref<1x128xi32, #tpu.memory_space<vmem>> -> memref<128xi32, #tpu.memory_space<vmem>>
          %dma_start3A_76 = arith.constant 0 : i32
          %dma_start3A_77 = arith.constant 0 : i32
          %dma_start3A_78 = tpu.memref_slice %arg11[%dma_start3A_76, %dma_start3A_77] : memref<10240x128xf32, #tpu.memory_space<vmem_shared>> -> memref<10240x128xf32, #tpu.memory_space<vmem_shared>>
          tpu.enqueue_indirect_dma source(%arg9 : memref<128x128xf32, #tpu.memory_space<vmem>>) target(%dma_start3A_78 : memref<10240x128xf32, #tpu.memory_space<vmem_shared>>) offsets(%dma_start3A_75 : memref<128xi32, #tpu.memory_space<vmem>>) semaphore(%run_scoped3A : memref<!tpu.dma_semaphore, #tpu.memory_space<semaphore_mem>>) {add = true}
          %dma_wait3A_79 = arith.constant 0 : i32
          %dma_wait3A_80 = tpu.memref_slice %arg7[%add3A_50, %dma_wait3A_79] : memref<8x128xi32, #tpu.memory_space<vmem>> -> memref<1x128xi32, #tpu.memory_space<vmem>>
          %dma_wait3A_81 = tpu.memref_squeeze %dma_wait3A_80 : memref<1x128xi32, #tpu.memory_space<vmem>> -> memref<128xi32, #tpu.memory_space<vmem>>
          %dma_wait3A_82 = arith.constant 0 : i32
          %dma_wait3A_83 = arith.constant 0 : i32
          %dma_wait3A_84 = tpu.memref_slice %arg11[%dma_wait3A_82, %dma_wait3A_83] : memref<10240x128xf32, #tpu.memory_space<vmem_shared>> -> memref<10240x128xf32, #tpu.memory_space<vmem_shared>>
          tpu.wait_indirect_dma semaphore(%run_scoped3A : memref<!tpu.dma_semaphore, #tpu.memory_space<semaphore_mem>>) src(%arg9 : memref<128x128xf32, #tpu.memory_space<vmem>>) dst(%dma_wait3A_84 : memref<10240x128xf32, #tpu.memory_space<vmem_shared>>)
          tpu.yield
        }) : () -> ()
      }
      %scan3A_43 = arith.constant 4 : i32
    }
    %barrier3A_25 = arith.constant 0 : index
    tpu.barrier barrier_id(%barrier3A_25)
    %scan3A = arith.constant 0 : i32
    %scan3A_26 = arith.constant 0 : i32
    %scan3A_27 = arith.constant 10 : i32
    %scan3A_28 = arith.addi %scan3A_26, %scan3A_27 : i32
    %scan3A_29 = arith.constant 1 : i32
    scf.for %scan3A_31 = %scan3A_26 to %scan3A_28 step %scan3A_29  : i32 {
      %mul3A_32 = arith.constant 640 : i32
      %mul3A_33 = arith.muli %arg1, %mul3A_32 : i32
      %mul3A_34 = arith.constant 64 : i32
      %mul3A_35 = arith.muli %scan3A_31, %mul3A_34 : i32
      %add3A_36 = arith.addi %mul3A_33, %mul3A_35 : i32
      "tpu.region"() ({
        %run_scoped3A = tpu.sem_alloc : memref<!tpu.dma_semaphore, #tpu.memory_space<semaphore_mem>>
        %dma_start3A = arith.constant 0 : i32
        %dma_start3A_37 = tpu.memref_slice %arg11[%add3A_36, %dma_start3A] : memref<10240x128xf32, #tpu.memory_space<vmem_shared>> -> memref<64x128xf32, #tpu.memory_space<vmem_shared>>
        %dma_start3A_38 = arith.constant 0 : i32
        %dma_start3A_39 = tpu.memref_slice %arg11[%add3A_36, %dma_start3A_38] : memref<10240x128xf32, #tpu.memory_space<vmem_shared>> -> memref<64x128xf32, #tpu.memory_space<vmem_shared>>
        tpu.enqueue_dma source(%dma_start3A_39 : memref<64x128xf32, #tpu.memory_space<vmem_shared>>) target(%arg10 : memref<64x128xf32, #tpu.memory_space<vmem>>) target_semaphore(%run_scoped3A : memref<!tpu.dma_semaphore, #tpu.memory_space<semaphore_mem>>)
        %dma_wait3A = arith.constant 0 : i32
        %dma_wait3A_40 = tpu.memref_slice %arg11[%add3A_36, %dma_wait3A] : memref<10240x128xf32, #tpu.memory_space<vmem_shared>> -> memref<64x128xf32, #tpu.memory_space<vmem_shared>>
        %dma_wait3A_41 = arith.constant 0 : i32
        %dma_wait3A_42 = tpu.memref_slice %arg11[%add3A_36, %dma_wait3A_41] : memref<10240x128xf32, #tpu.memory_space<vmem_shared>> -> memref<64x128xf32, #tpu.memory_space<vmem_shared>>
        tpu.wait_dma2 semaphore(%run_scoped3A : memref<!tpu.dma_semaphore, #tpu.memory_space<semaphore_mem>>) src(%dma_wait3A_42 : memref<64x128xf32, #tpu.memory_space<vmem_shared>>) dst(%arg10 : memref<64x128xf32, #tpu.memory_space<vmem>>)
        tpu.yield
      }) : () -> ()
      "tpu.region"() ({
        %run_scoped3A = tpu.sem_alloc : memref<!tpu.dma_semaphore, #tpu.memory_space<semaphore_mem>>
        %dma_start3A = arith.constant 0 : i32
        %dma_start3A_37 = tpu.memref_slice %arg5[%arg0, %add3A_36, %dma_start3A] : memref<2x10240x128xf32, #tpu.memory_space<hbm>> -> memref<1x64x128xf32, #tpu.memory_space<hbm>>
        %dma_start3A_38 = tpu.memref_squeeze %dma_start3A_37 : memref<1x64x128xf32, #tpu.memory_space<hbm>> -> memref<64x128xf32, #tpu.memory_space<hbm>>
        %dma_start3A_39 = arith.constant 0 : i32
        %dma_start3A_40 = tpu.memref_slice %arg5[%arg0, %add3A_36, %dma_start3A_39] : memref<2x10240x128xf32, #tpu.memory_space<hbm>> -> memref<1x64x128xf32, #tpu.memory_space<hbm>>
        %dma_start3A_41 = tpu.memref_squeeze %dma_start3A_40 : memref<1x64x128xf32, #tpu.memory_space<hbm>> -> memref<64x128xf32, #tpu.memory_space<hbm>>
        tpu.enqueue_dma source(%arg10 : memref<64x128xf32, #tpu.memory_space<vmem>>) target(%dma_start3A_41 : memref<64x128xf32, #tpu.memory_space<hbm>>) target_semaphore(%run_scoped3A : memref<!tpu.dma_semaphore, #tpu.memory_space<semaphore_mem>>)
        %dma_wait3A = arith.constant 0 : i32
        %dma_wait3A_42 = tpu.memref_slice %arg5[%arg0, %add3A_36, %dma_wait3A] : memref<2x10240x128xf32, #tpu.memory_space<hbm>> -> memref<1x64x128xf32, #tpu.memory_space<hbm>>
        %dma_wait3A_43 = tpu.memref_squeeze %dma_wait3A_42 : memref<1x64x128xf32, #tpu.memory_space<hbm>> -> memref<64x128xf32, #tpu.memory_space<hbm>>
        %dma_wait3A_44 = arith.constant 0 : i32
        %dma_wait3A_45 = tpu.memref_slice %arg5[%arg0, %add3A_36, %dma_wait3A_44] : memref<2x10240x128xf32, #tpu.memory_space<hbm>> -> memref<1x64x128xf32, #tpu.memory_space<hbm>>
        %dma_wait3A_46 = tpu.memref_squeeze %dma_wait3A_45 : memref<1x64x128xf32, #tpu.memory_space<hbm>> -> memref<64x128xf32, #tpu.memory_space<hbm>>
        tpu.wait_dma2 semaphore(%run_scoped3A : memref<!tpu.dma_semaphore, #tpu.memory_space<semaphore_mem>>) src(%arg10 : memref<64x128xf32, #tpu.memory_space<vmem>>) dst(%dma_wait3A_46 : memref<64x128xf32, #tpu.memory_space<hbm>>)
        tpu.yield
      }) : () -> ()
    }
    %scan3A_30 = arith.constant 10 : i32
    return
  }
}

#map = affine_map<(d0, d1) -> (0, 0)>
#map1 = affine_map<(d0, d1) -> (0, 0, 0)>
module attributes {stable_mosaic.version = 14 : i64} {
  func.func @_deg_kernel(%arg0: i32, %arg1: i32, %arg2: memref<2560x128xi32, #tpu.memory_space<hbm>>, %arg3: memref<128x128xf32, #tpu.memory_space<hbm>>, %arg4: memref<64x128xf32, #tpu.memory_space<hbm>>, %arg5: memref<2x10240x128xf32, #tpu.memory_space<hbm>>, %arg6: memref<16x128xi32, #tpu.memory_space<vmem>>, %arg7: memref<128x128xf32, #tpu.memory_space<vmem>>, %arg8: memref<64x128xf32, #tpu.memory_space<vmem>>, %arg9: memref<10240x128xf32, #tpu.memory_space<vmem_shared>>) attributes {dimension_semantics = [#tpu.dimension_semantics<core_parallel>, #tpu.dimension_semantics<subcore_parallel>], iteration_bounds = array<i64: 2, 16>, scalar_prefetch = 0 : i64, scratch_operands = 4 : i64, tpu.core_type = #tpu.core_type<sc_vector_subcore>, window_params = [{transform_indices = #map}, {transform_indices = #map}, {transform_indices = #map}, {transform_indices = #map1}]} {
    %mul3A = arith.constant 2 : i32
    %mul3A_0 = arith.muli %arg1, %mul3A : i32
    %add3A = arith.addi %mul3A_0, %arg0 : i32
    "tpu.region"() ({
      %run_scoped3A = tpu.sem_alloc : memref<!tpu.dma_semaphore, #tpu.memory_space<semaphore_mem>>
      tpu.enqueue_dma source(%arg3 : memref<128x128xf32, #tpu.memory_space<hbm>>) target(%arg7 : memref<128x128xf32, #tpu.memory_space<vmem>>) target_semaphore(%run_scoped3A : memref<!tpu.dma_semaphore, #tpu.memory_space<semaphore_mem>>)
      tpu.wait_dma2 semaphore(%run_scoped3A : memref<!tpu.dma_semaphore, #tpu.memory_space<semaphore_mem>>) src(%arg3 : memref<128x128xf32, #tpu.memory_space<hbm>>) dst(%arg7 : memref<128x128xf32, #tpu.memory_space<vmem>>)
      tpu.yield
    }) : () -> ()
    "tpu.region"() ({
      %run_scoped3A = tpu.sem_alloc : memref<!tpu.dma_semaphore, #tpu.memory_space<semaphore_mem>>
      tpu.enqueue_dma source(%arg4 : memref<64x128xf32, #tpu.memory_space<hbm>>) target(%arg8 : memref<64x128xf32, #tpu.memory_space<vmem>>) target_semaphore(%run_scoped3A : memref<!tpu.dma_semaphore, #tpu.memory_space<semaphore_mem>>)
      tpu.wait_dma2 semaphore(%run_scoped3A : memref<!tpu.dma_semaphore, #tpu.memory_space<semaphore_mem>>) src(%arg4 : memref<64x128xf32, #tpu.memory_space<hbm>>) dst(%arg8 : memref<64x128xf32, #tpu.memory_space<vmem>>)
      tpu.yield
    }) : () -> ()
    %scan3A = arith.constant 0 : i32
    %scan3A_1 = arith.constant 0 : i32
    %scan3A_2 = arith.constant 10 : i32
    %scan3A_3 = arith.addi %scan3A_1, %scan3A_2 : i32
    %scan3A_4 = arith.constant 1 : i32
    scf.for %scan3A_21 = %scan3A_1 to %scan3A_3 step %scan3A_4  : i32 {
      %mul3A_22 = arith.constant 640 : i32
      %mul3A_23 = arith.muli %arg1, %mul3A_22 : i32
      %mul3A_24 = arith.constant 64 : i32
      %mul3A_25 = arith.muli %scan3A_21, %mul3A_24 : i32
      %add3A_26 = arith.addi %mul3A_23, %mul3A_25 : i32
      "tpu.region"() ({
        %run_scoped3A = tpu.sem_alloc : memref<!tpu.dma_semaphore, #tpu.memory_space<semaphore_mem>>
        %dma_start3A = arith.constant 0 : i32
        %dma_start3A_27 = tpu.memref_slice %arg9[%add3A_26, %dma_start3A] : memref<10240x128xf32, #tpu.memory_space<vmem_shared>> -> memref<64x128xf32, #tpu.memory_space<vmem_shared>>
        %dma_start3A_28 = arith.constant 0 : i32
        %dma_start3A_29 = tpu.memref_slice %arg9[%add3A_26, %dma_start3A_28] : memref<10240x128xf32, #tpu.memory_space<vmem_shared>> -> memref<64x128xf32, #tpu.memory_space<vmem_shared>>
        tpu.enqueue_dma source(%arg8 : memref<64x128xf32, #tpu.memory_space<vmem>>) target(%dma_start3A_29 : memref<64x128xf32, #tpu.memory_space<vmem_shared>>) target_semaphore(%run_scoped3A : memref<!tpu.dma_semaphore, #tpu.memory_space<semaphore_mem>>)
        %dma_wait3A = arith.constant 0 : i32
        %dma_wait3A_30 = tpu.memref_slice %arg9[%add3A_26, %dma_wait3A] : memref<10240x128xf32, #tpu.memory_space<vmem_shared>> -> memref<64x128xf32, #tpu.memory_space<vmem_shared>>
        %dma_wait3A_31 = arith.constant 0 : i32
        %dma_wait3A_32 = tpu.memref_slice %arg9[%add3A_26, %dma_wait3A_31] : memref<10240x128xf32, #tpu.memory_space<vmem_shared>> -> memref<64x128xf32, #tpu.memory_space<vmem_shared>>
        tpu.wait_dma2 semaphore(%run_scoped3A : memref<!tpu.dma_semaphore, #tpu.memory_space<semaphore_mem>>) src(%arg8 : memref<64x128xf32, #tpu.memory_space<vmem>>) dst(%dma_wait3A_32 : memref<64x128xf32, #tpu.memory_space<vmem_shared>>)
        tpu.yield
      }) : () -> ()
    }
    %scan3A_5 = arith.constant 10 : i32
    %barrier3A = arith.constant 0 : index
    tpu.barrier barrier_id(%barrier3A)
    %mul3A_6 = arith.constant 80 : i32
    %mul3A_7 = arith.muli %add3A, %mul3A_6 : i32
    %scan3A_8 = arith.constant 0 : i32
    %scan3A_9 = arith.constant 0 : i32
    %scan3A_10 = arith.constant 5 : i32
    %scan3A_11 = arith.addi %scan3A_9, %scan3A_10 : i32
    %scan3A_12 = arith.constant 1 : i32
    scf.for %scan3A_21 = %scan3A_9 to %scan3A_11 step %scan3A_12  : i32 {
      %mul3A_22 = arith.constant 16 : i32
      %mul3A_23 = arith.muli %scan3A_21, %mul3A_22 : i32
      %add3A_24 = arith.addi %mul3A_7, %mul3A_23 : i32
      "tpu.region"() ({
        %run_scoped3A = tpu.sem_alloc : memref<!tpu.dma_semaphore, #tpu.memory_space<semaphore_mem>>
        %dma_start3A = arith.constant 0 : i32
        %dma_start3A_31 = tpu.memref_slice %arg2[%add3A_24, %dma_start3A] : memref<2560x128xi32, #tpu.memory_space<hbm>> -> memref<16x128xi32, #tpu.memory_space<hbm>>
        %dma_start3A_32 = arith.constant 0 : i32
        %dma_start3A_33 = tpu.memref_slice %arg2[%add3A_24, %dma_start3A_32] : memref<2560x128xi32, #tpu.memory_space<hbm>> -> memref<16x128xi32, #tpu.memory_space<hbm>>
        tpu.enqueue_dma source(%dma_start3A_33 : memref<16x128xi32, #tpu.memory_space<hbm>>) target(%arg6 : memref<16x128xi32, #tpu.memory_space<vmem>>) target_semaphore(%run_scoped3A : memref<!tpu.dma_semaphore, #tpu.memory_space<semaphore_mem>>)
        %dma_wait3A = arith.constant 0 : i32
        %dma_wait3A_34 = tpu.memref_slice %arg2[%add3A_24, %dma_wait3A] : memref<2560x128xi32, #tpu.memory_space<hbm>> -> memref<16x128xi32, #tpu.memory_space<hbm>>
        %dma_wait3A_35 = arith.constant 0 : i32
        %dma_wait3A_36 = tpu.memref_slice %arg2[%add3A_24, %dma_wait3A_35] : memref<2560x128xi32, #tpu.memory_space<hbm>> -> memref<16x128xi32, #tpu.memory_space<hbm>>
        tpu.wait_dma2 semaphore(%run_scoped3A : memref<!tpu.dma_semaphore, #tpu.memory_space<semaphore_mem>>) src(%dma_wait3A_36 : memref<16x128xi32, #tpu.memory_space<hbm>>) dst(%arg6 : memref<16x128xi32, #tpu.memory_space<vmem>>)
        tpu.yield
      }) : () -> ()
      %scan3A_25 = arith.constant 0 : i32
      %scan3A_26 = arith.constant 0 : i32
      %scan3A_27 = arith.constant 16 : i32
      %scan3A_28 = arith.addi %scan3A_26, %scan3A_27 : i32
      %scan3A_29 = arith.constant 1 : i32
      scf.for %scan3A_31 = %scan3A_26 to %scan3A_28 step %scan3A_29  : i32 {
        "tpu.region"() ({
          %run_scoped3A = tpu.sem_alloc : memref<!tpu.dma_semaphore, #tpu.memory_space<semaphore_mem>>
          %dma_start3A = arith.constant 0 : i32
          %dma_start3A_32 = tpu.memref_slice %arg6[%scan3A_31, %dma_start3A] : memref<16x128xi32, #tpu.memory_space<vmem>> -> memref<1x128xi32, #tpu.memory_space<vmem>>
          %dma_start3A_33 = tpu.memref_squeeze %dma_start3A_32 : memref<1x128xi32, #tpu.memory_space<vmem>> -> memref<128xi32, #tpu.memory_space<vmem>>
          %dma_start3A_34 = arith.constant 0 : i32
          %dma_start3A_35 = arith.constant 0 : i32
          %dma_start3A_36 = tpu.memref_slice %arg9[%dma_start3A_34, %dma_start3A_35] : memref<10240x128xf32, #tpu.memory_space<vmem_shared>> -> memref<10240x128xf32, #tpu.memory_space<vmem_shared>>
          tpu.enqueue_indirect_dma source(%arg7 : memref<128x128xf32, #tpu.memory_space<vmem>>) target(%dma_start3A_36 : memref<10240x128xf32, #tpu.memory_space<vmem_shared>>) offsets(%dma_start3A_33 : memref<128xi32, #tpu.memory_space<vmem>>) semaphore(%run_scoped3A : memref<!tpu.dma_semaphore, #tpu.memory_space<semaphore_mem>>) {add = true}
          %dma_wait3A = arith.constant 0 : i32
          %dma_wait3A_37 = tpu.memref_slice %arg6[%scan3A_31, %dma_wait3A] : memref<16x128xi32, #tpu.memory_space<vmem>> -> memref<1x128xi32, #tpu.memory_space<vmem>>
          %dma_wait3A_38 = tpu.memref_squeeze %dma_wait3A_37 : memref<1x128xi32, #tpu.memory_space<vmem>> -> memref<128xi32, #tpu.memory_space<vmem>>
          %dma_wait3A_39 = arith.constant 0 : i32
          %dma_wait3A_40 = arith.constant 0 : i32
          %dma_wait3A_41 = tpu.memref_slice %arg9[%dma_wait3A_39, %dma_wait3A_40] : memref<10240x128xf32, #tpu.memory_space<vmem_shared>> -> memref<10240x128xf32, #tpu.memory_space<vmem_shared>>
          tpu.wait_indirect_dma semaphore(%run_scoped3A : memref<!tpu.dma_semaphore, #tpu.memory_space<semaphore_mem>>) src(%arg7 : memref<128x128xf32, #tpu.memory_space<vmem>>) dst(%dma_wait3A_41 : memref<10240x128xf32, #tpu.memory_space<vmem_shared>>)
          tpu.yield
        }) : () -> ()
      }
      %scan3A_30 = arith.constant 16 : i32
    }
    %scan3A_13 = arith.constant 5 : i32
    %barrier3A_14 = arith.constant 0 : index
    tpu.barrier barrier_id(%barrier3A_14)
    %scan3A_15 = arith.constant 0 : i32
    %scan3A_16 = arith.constant 0 : i32
    %scan3A_17 = arith.constant 10 : i32
    %scan3A_18 = arith.addi %scan3A_16, %scan3A_17 : i32
    %scan3A_19 = arith.constant 1 : i32
    scf.for %scan3A_21 = %scan3A_16 to %scan3A_18 step %scan3A_19  : i32 {
      %mul3A_22 = arith.constant 640 : i32
      %mul3A_23 = arith.muli %arg1, %mul3A_22 : i32
      %mul3A_24 = arith.constant 64 : i32
      %mul3A_25 = arith.muli %scan3A_21, %mul3A_24 : i32
      %add3A_26 = arith.addi %mul3A_23, %mul3A_25 : i32
      "tpu.region"() ({
        %run_scoped3A = tpu.sem_alloc : memref<!tpu.dma_semaphore, #tpu.memory_space<semaphore_mem>>
        %dma_start3A = arith.constant 0 : i32
        %dma_start3A_27 = tpu.memref_slice %arg9[%add3A_26, %dma_start3A] : memref<10240x128xf32, #tpu.memory_space<vmem_shared>> -> memref<64x128xf32, #tpu.memory_space<vmem_shared>>
        %dma_start3A_28 = arith.constant 0 : i32
        %dma_start3A_29 = tpu.memref_slice %arg9[%add3A_26, %dma_start3A_28] : memref<10240x128xf32, #tpu.memory_space<vmem_shared>> -> memref<64x128xf32, #tpu.memory_space<vmem_shared>>
        tpu.enqueue_dma source(%dma_start3A_29 : memref<64x128xf32, #tpu.memory_space<vmem_shared>>) target(%arg8 : memref<64x128xf32, #tpu.memory_space<vmem>>) target_semaphore(%run_scoped3A : memref<!tpu.dma_semaphore, #tpu.memory_space<semaphore_mem>>)
        %dma_wait3A = arith.constant 0 : i32
        %dma_wait3A_30 = tpu.memref_slice %arg9[%add3A_26, %dma_wait3A] : memref<10240x128xf32, #tpu.memory_space<vmem_shared>> -> memref<64x128xf32, #tpu.memory_space<vmem_shared>>
        %dma_wait3A_31 = arith.constant 0 : i32
        %dma_wait3A_32 = tpu.memref_slice %arg9[%add3A_26, %dma_wait3A_31] : memref<10240x128xf32, #tpu.memory_space<vmem_shared>> -> memref<64x128xf32, #tpu.memory_space<vmem_shared>>
        tpu.wait_dma2 semaphore(%run_scoped3A : memref<!tpu.dma_semaphore, #tpu.memory_space<semaphore_mem>>) src(%dma_wait3A_32 : memref<64x128xf32, #tpu.memory_space<vmem_shared>>) dst(%arg8 : memref<64x128xf32, #tpu.memory_space<vmem>>)
        tpu.yield
      }) : () -> ()
      "tpu.region"() ({
        %run_scoped3A = tpu.sem_alloc : memref<!tpu.dma_semaphore, #tpu.memory_space<semaphore_mem>>
        %dma_start3A = arith.constant 0 : i32
        %dma_start3A_27 = tpu.memref_slice %arg5[%arg0, %add3A_26, %dma_start3A] : memref<2x10240x128xf32, #tpu.memory_space<hbm>> -> memref<1x64x128xf32, #tpu.memory_space<hbm>>
        %dma_start3A_28 = tpu.memref_squeeze %dma_start3A_27 : memref<1x64x128xf32, #tpu.memory_space<hbm>> -> memref<64x128xf32, #tpu.memory_space<hbm>>
        %dma_start3A_29 = arith.constant 0 : i32
        %dma_start3A_30 = tpu.memref_slice %arg5[%arg0, %add3A_26, %dma_start3A_29] : memref<2x10240x128xf32, #tpu.memory_space<hbm>> -> memref<1x64x128xf32, #tpu.memory_space<hbm>>
        %dma_start3A_31 = tpu.memref_squeeze %dma_start3A_30 : memref<1x64x128xf32, #tpu.memory_space<hbm>> -> memref<64x128xf32, #tpu.memory_space<hbm>>
        tpu.enqueue_dma source(%arg8 : memref<64x128xf32, #tpu.memory_space<vmem>>) target(%dma_start3A_31 : memref<64x128xf32, #tpu.memory_space<hbm>>) target_semaphore(%run_scoped3A : memref<!tpu.dma_semaphore, #tpu.memory_space<semaphore_mem>>)
        %dma_wait3A = arith.constant 0 : i32
        %dma_wait3A_32 = tpu.memref_slice %arg5[%arg0, %add3A_26, %dma_wait3A] : memref<2x10240x128xf32, #tpu.memory_space<hbm>> -> memref<1x64x128xf32, #tpu.memory_space<hbm>>
        %dma_wait3A_33 = tpu.memref_squeeze %dma_wait3A_32 : memref<1x64x128xf32, #tpu.memory_space<hbm>> -> memref<64x128xf32, #tpu.memory_space<hbm>>
        %dma_wait3A_34 = arith.constant 0 : i32
        %dma_wait3A_35 = tpu.memref_slice %arg5[%arg0, %add3A_26, %dma_wait3A_34] : memref<2x10240x128xf32, #tpu.memory_space<hbm>> -> memref<1x64x128xf32, #tpu.memory_space<hbm>>
        %dma_wait3A_36 = tpu.memref_squeeze %dma_wait3A_35 : memref<1x64x128xf32, #tpu.memory_space<hbm>> -> memref<64x128xf32, #tpu.memory_space<hbm>>
        tpu.wait_dma2 semaphore(%run_scoped3A : memref<!tpu.dma_semaphore, #tpu.memory_space<semaphore_mem>>) src(%arg8 : memref<64x128xf32, #tpu.memory_space<vmem>>) dst(%dma_wait3A_36 : memref<64x128xf32, #tpu.memory_space<hbm>>)
        tpu.yield
      }) : () -> ()
    }
    %scan3A_20 = arith.constant 10 : i32
    return
  }
}

module attributes {stable_mosaic.version = 14 : i64} {
  func.func @_tc_prolog_body(%arg0: i32, %arg1: memref<2x1024x128xf32, #tpu.memory_space<vmem>>, %arg2: memref<1024x128xf32, #tpu.memory_space<vmem>>, %arg3: memref<128x128xf32, #tpu.memory_space<vmem>>, %arg4: memref<1024x128xf32, #tpu.memory_space<vmem>>, %arg5: memref<1024x1xf32, #tpu.memory_space<vmem>>) attributes {dimension_semantics = [#tpu.dimension_semantics<arbitrary>], iteration_bounds = array<i64: 10>, scalar_prefetch = 0 : i64, scratch_operands = 0 : i64, tpu.core_type = #tpu.core_type<tc>, window_params = [{transform_indices = @transform_0, window_bounds = array<i64: 2, 1024, 128>}, {transform_indices = @transform_1, window_bounds = array<i64: 1024, 128>}, {pipeline_mode = #tpu.pipeline_mode<synchronous>, transform_indices = @transform_2, window_bounds = array<i64: 128, 128>}, {transform_indices = @transform_3, window_bounds = array<i64: 1024, 128>}, {transform_indices = @transform_4, window_bounds = array<i64: 1024, 1>}]} {
    %get3A = arith.constant 0 : index
    %get3A_0 = arith.constant 0 : index
    %get3A_1 = arith.constant 0 : index
    %get3A_2 = vector.load %arg1[%get3A, %get3A_0, %get3A_1] : memref<2x1024x128xf32, #tpu.memory_space<vmem>>, vector<2x1024x128xf32>
    %slice3A = vector.extract_strided_slice %get3A_2 {offsets = [0, 0, 0], sizes = [1, 1024, 1], strides = [1, 1, 1]} : vector<2x1024x128xf32> to vector<1x1024x1xf32>
    %squeeze3A = vector.shape_cast %slice3A : vector<1x1024x1xf32> to vector<1024x1xf32>
    %slice3A_3 = vector.extract_strided_slice %get3A_2 {offsets = [1, 0, 0], sizes = [1, 1024, 1], strides = [1, 1, 1]} : vector<2x1024x128xf32> to vector<1x1024x1xf32>
    %squeeze3A_4 = vector.shape_cast %slice3A_3 : vector<1x1024x1xf32> to vector<1024x1xf32>
    %add3A = arith.addf %squeeze3A, %squeeze3A_4 : vector<1024x1xf32>
    %add3A_5 = arith.constant 1.000000e+00 : f32
    %add3A_6 = vector.broadcast %add3A_5 : f32 to vector<1024x1xf32>
    %add3A_7 = arith.addf %add3A, %add3A_6 : vector<1024x1xf32>
    %rsqrt3A = math.rsqrt %add3A_7 : vector<1024x1xf32>
    %get3A_8 = arith.constant 0 : index
    %get3A_9 = arith.constant 0 : index
    %get3A_10 = vector.load %arg2[%get3A_8, %get3A_9] : memref<1024x128xf32, #tpu.memory_space<vmem>>, vector<1024x128xf32>
    %get3A_11 = arith.constant 0 : index
    %get3A_12 = arith.constant 0 : index
    %get3A_13 = vector.load %arg3[%get3A_11, %get3A_12] : memref<128x128xf32, #tpu.memory_space<vmem>>, vector<128x128xf32>
    %dot_general3A = arith.constant dense<0.000000e+00> : vector<1024x128xf32>
    %dot_general3A_14 = tpu.matmul %get3A_10, %get3A_13, %dot_general3A {dimension_numbers = #tpu.dot_dimension_numbers<[1], [0], [0], [1], [0, 0, 1, 1], [], []>, transpose_lhs_hint = false} : vector<1024x128xf32>, vector<128x128xf32>, vector<1024x128xf32> -> vector<1024x128xf32>
    %mul3A = vector.broadcast %rsqrt3A : vector<1024x1xf32> to vector<1024x128xf32>
    %mul3A_15 = arith.mulf %mul3A, %dot_general3A_14 : vector<1024x128xf32>
    %swap3A = arith.constant 0 : index
    %swap3A_16 = arith.constant 0 : index
    %swap3A_17 = vector.load %arg4[%swap3A, %swap3A_16] : memref<1024x128xf32, #tpu.memory_space<vmem>>, vector<1024x128xf32>
    tpu.vector_store %arg4[%swap3A, %swap3A_16], %mul3A_15 {strides = array<i32>} : memref<1024x128xf32, #tpu.memory_space<vmem>>, vector<1024x128xf32>,
    %swap3A_18 = arith.constant 0 : index
    %swap3A_19 = arith.constant 0 : index
    %swap3A_20 = vector.load %arg5[%swap3A_18, %swap3A_19] : memref<1024x1xf32, #tpu.memory_space<vmem>>, vector<1024x1xf32>
    tpu.vector_store %arg5[%swap3A_18, %swap3A_19], %rsqrt3A {strides = array<i32>} : memref<1024x1xf32, #tpu.memory_space<vmem>>, vector<1024x1xf32>,
    return
  }
  func.func @transform_0(%arg0: i32) -> (i32, i32, i32) {
    %c0_i32 = arith.constant 0 : i32
    %c0_i32_0 = arith.constant 0 : i32
    %c0_i32_1 = arith.constant 0 : i32
    return %c0_i32, %arg0, %c0_i32_0 : i32, i32, i32
  }
  func.func @transform_1(%arg0: i32) -> (i32, i32) {
    %c0_i32 = arith.constant 0 : i32
    %c0_i32_0 = arith.constant 0 : i32
    return %arg0, %c0_i32 : i32, i32
  }
  func.func @transform_2(%arg0: i32) -> (i32, i32) {
    %c0_i32 = arith.constant 0 : i32
    %c0_i32_0 = arith.constant 0 : i32
    %c0_i32_1 = arith.constant 0 : i32
    return %c0_i32, %c0_i32_0 : i32, i32
  }
  func.func @transform_3(%arg0: i32) -> (i32, i32) {
    %c0_i32 = arith.constant 0 : i32
    %c0_i32_0 = arith.constant 0 : i32
    return %arg0, %c0_i32 : i32, i32
  }
  func.func @transform_4(%arg0: i32) -> (i32, i32) {
    %c0_i32 = arith.constant 0 : i32
    %c0_i32_0 = arith.constant 0 : i32
    return %arg0, %c0_i32 : i32, i32
  }
}

module attributes {stable_mosaic.version = 14 : i64} {
  func.func @_tc_mid_body(%arg0: i32, %arg1: memref<2x1024x128xf32, #tpu.memory_space<vmem>>, %arg2: memref<1024x1xf32, #tpu.memory_space<vmem>>, %arg3: memref<1x128xf32, #tpu.memory_space<vmem>>, %arg4: memref<128x128xf32, #tpu.memory_space<vmem>>, %arg5: memref<1024x128xf32, #tpu.memory_space<vmem>>) attributes {dimension_semantics = [#tpu.dimension_semantics<arbitrary>], iteration_bounds = array<i64: 10>, scalar_prefetch = 0 : i64, scratch_operands = 0 : i64, tpu.core_type = #tpu.core_type<tc>, window_params = [{transform_indices = @transform_0, window_bounds = array<i64: 2, 1024, 128>}, {transform_indices = @transform_1, window_bounds = array<i64: 1024, 1>}, {pipeline_mode = #tpu.pipeline_mode<synchronous>, transform_indices = @transform_2, window_bounds = array<i64: 1, 128>}, {pipeline_mode = #tpu.pipeline_mode<synchronous>, transform_indices = @transform_3, window_bounds = array<i64: 128, 128>}, {transform_indices = @transform_4, window_bounds = array<i64: 1024, 128>}]} {
    %get3A = arith.constant 0 : index
    %get3A_0 = arith.constant 0 : index
    %get3A_1 = vector.load %arg2[%get3A, %get3A_0] : memref<1024x1xf32, #tpu.memory_space<vmem>>, vector<1024x1xf32>
    %get3A_2 = arith.constant 0 : index
    %get3A_3 = arith.constant 0 : index
    %get3A_4 = arith.constant 0 : index
    %get3A_5 = vector.load %arg1[%get3A_2, %get3A_3, %get3A_4] : memref<2x1024x128xf32, #tpu.memory_space<vmem>>, vector<1x1024x128xf32>
    %get3A_6 = vector.shape_cast %get3A_5 : vector<1x1024x128xf32> to vector<1024x128xf32>
    %get3A_7 = arith.constant 1 : index
    %get3A_8 = arith.constant 0 : index
    %get3A_9 = arith.constant 0 : index
    %get3A_10 = vector.load %arg1[%get3A_7, %get3A_8, %get3A_9] : memref<2x1024x128xf32, #tpu.memory_space<vmem>>, vector<1x1024x128xf32>
    %get3A_11 = vector.shape_cast %get3A_10 : vector<1x1024x128xf32> to vector<1024x128xf32>
    %add3A = arith.addf %get3A_6, %get3A_11 : vector<1024x128xf32>
    %mul3A = vector.broadcast %get3A_1 : vector<1024x1xf32> to vector<1024x128xf32>
    %mul3A_12 = arith.mulf %mul3A, %add3A : vector<1024x128xf32>
    %get3A_13 = arith.constant 0 : index
    %get3A_14 = arith.constant 0 : index
    %get3A_15 = vector.load %arg3[%get3A_13, %get3A_14] : memref<1x128xf32, #tpu.memory_space<vmem>>, vector<1x128xf32>
    %add3A_16 = vector.broadcast %get3A_15 : vector<1x128xf32> to vector<1024x128xf32>
    %add3A_17 = arith.addf %mul3A_12, %add3A_16 : vector<1024x128xf32>
    %max3A = arith.constant 0.000000e+00 : f32
    %max3A_18 = vector.broadcast %max3A : f32 to vector<1024x128xf32>
    %max3A_19 = arith.maximumf %add3A_17, %max3A_18 : vector<1024x128xf32>
    %get3A_20 = arith.constant 0 : index
    %get3A_21 = arith.constant 0 : index
    %get3A_22 = vector.load %arg4[%get3A_20, %get3A_21] : memref<128x128xf32, #tpu.memory_space<vmem>>, vector<128x128xf32>
    %dot_general3A = arith.constant dense<0.000000e+00> : vector<1024x128xf32>
    %dot_general3A_23 = tpu.matmul %max3A_19, %get3A_22, %dot_general3A {dimension_numbers = #tpu.dot_dimension_numbers<[1], [0], [0], [1], [0, 0, 1, 1], [], []>, transpose_lhs_hint = false} : vector<1024x128xf32>, vector<128x128xf32>, vector<1024x128xf32> -> vector<1024x128xf32>
    %mul3A_24 = vector.broadcast %get3A_1 : vector<1024x1xf32> to vector<1024x128xf32>
    %mul3A_25 = arith.mulf %mul3A_24, %dot_general3A_23 : vector<1024x128xf32>
    %swap3A = arith.constant 0 : index
    %swap3A_26 = arith.constant 0 : index
    %swap3A_27 = vector.load %arg5[%swap3A, %swap3A_26] : memref<1024x128xf32, #tpu.memory_space<vmem>>, vector<1024x128xf32>
    tpu.vector_store %arg5[%swap3A, %swap3A_26], %mul3A_25 {strides = array<i32>} : memref<1024x128xf32, #tpu.memory_space<vmem>>, vector<1024x128xf32>,
    return
  }
  func.func @transform_0(%arg0: i32) -> (i32, i32, i32) {
    %c0_i32 = arith.constant 0 : i32
    %c0_i32_0 = arith.constant 0 : i32
    %c0_i32_1 = arith.constant 0 : i32
    return %c0_i32, %arg0, %c0_i32_0 : i32, i32, i32
  }
  func.func @transform_1(%arg0: i32) -> (i32, i32) {
    %c0_i32 = arith.constant 0 : i32
    %c0_i32_0 = arith.constant 0 : i32
    return %arg0, %c0_i32 : i32, i32
  }
  func.func @transform_2(%arg0: i32) -> (i32, i32) {
    %c0_i32 = arith.constant 0 : i32
    %c0_i32_0 = arith.constant 0 : i32
    %c0_i32_1 = arith.constant 0 : i32
    return %c0_i32, %c0_i32_0 : i32, i32
  }
  func.func @transform_3(%arg0: i32) -> (i32, i32) {
    %c0_i32 = arith.constant 0 : i32
    %c0_i32_0 = arith.constant 0 : i32
    %c0_i32_1 = arith.constant 0 : i32
    return %c0_i32, %c0_i32_0 : i32, i32
  }
  func.func @transform_4(%arg0: i32) -> (i32, i32) {
    %c0_i32 = arith.constant 0 : i32
    %c0_i32_0 = arith.constant 0 : i32
    return %arg0, %c0_i32 : i32, i32
  }
}

module attributes {stable_mosaic.version = 14 : i64} {
  func.func @_tc_final_body(%arg0: i32, %arg1: memref<2x1024x128xf32, #tpu.memory_space<vmem>>, %arg2: memref<1024x1xf32, #tpu.memory_space<vmem>>, %arg3: memref<1x128xf32, #tpu.memory_space<vmem>>, %arg4: memref<1x128xf32, #tpu.memory_space<vmem>>) attributes {dimension_semantics = [#tpu.dimension_semantics<arbitrary>], iteration_bounds = array<i64: 10>, scalar_prefetch = 0 : i64, scratch_operands = 0 : i64, tpu.core_type = #tpu.core_type<tc>, window_params = [{transform_indices = @transform_0, window_bounds = array<i64: 2, 1024, 128>}, {transform_indices = @transform_1, window_bounds = array<i64: 1024, 1>}, {pipeline_mode = #tpu.pipeline_mode<synchronous>, transform_indices = @transform_2, window_bounds = array<i64: 1, 128>}, {pipeline_mode = #tpu.pipeline_mode<synchronous>, transform_indices = @transform_3, window_bounds = array<i64: 1, 128>}]} {
    %get3A = arith.constant 0 : index
    %get3A_0 = arith.constant 0 : index
    %get3A_1 = vector.load %arg2[%get3A, %get3A_0] : memref<1024x1xf32, #tpu.memory_space<vmem>>, vector<1024x1xf32>
    %get3A_2 = arith.constant 0 : index
    %get3A_3 = arith.constant 0 : index
    %get3A_4 = arith.constant 0 : index
    %get3A_5 = vector.load %arg1[%get3A_2, %get3A_3, %get3A_4] : memref<2x1024x128xf32, #tpu.memory_space<vmem>>, vector<1x1024x128xf32>
    %get3A_6 = vector.shape_cast %get3A_5 : vector<1x1024x128xf32> to vector<1024x128xf32>
    %get3A_7 = arith.constant 1 : index
    %get3A_8 = arith.constant 0 : index
    %get3A_9 = arith.constant 0 : index
    %get3A_10 = vector.load %arg1[%get3A_7, %get3A_8, %get3A_9] : memref<2x1024x128xf32, #tpu.memory_space<vmem>>, vector<1x1024x128xf32>
    %get3A_11 = vector.shape_cast %get3A_10 : vector<1x1024x128xf32> to vector<1024x128xf32>
    %add3A = arith.addf %get3A_6, %get3A_11 : vector<1024x128xf32>
    %mul3A = vector.broadcast %get3A_1 : vector<1024x1xf32> to vector<1024x128xf32>
    %mul3A_12 = arith.mulf %mul3A, %add3A : vector<1024x128xf32>
    %get3A_13 = arith.constant 0 : index
    %get3A_14 = arith.constant 0 : index
    %get3A_15 = vector.load %arg3[%get3A_13, %get3A_14] : memref<1x128xf32, #tpu.memory_space<vmem>>, vector<1x128xf32>
    %add3A_16 = vector.broadcast %get3A_15 : vector<1x128xf32> to vector<1024x128xf32>
    %add3A_17 = arith.addf %mul3A_12, %add3A_16 : vector<1024x128xf32>
    %max3A = arith.constant 0.000000e+00 : f32
    %max3A_18 = vector.broadcast %max3A : f32 to vector<1024x128xf32>
    %max3A_19 = arith.maximumf %add3A_17, %max3A_18 : vector<1024x128xf32>
    %mul3A_20 = arith.constant 1024 : i32
    %mul3A_21 = arith.muli %arg0, %mul3A_20 : i32
    %iota3A = tpu.iota {dimensions = array<i32: 0>} : vector<1024x1xi32>
    %add3A_22 = vector.broadcast %mul3A_21 : i32 to vector<1024x1xi32>
    %add3A_23 = arith.addi %add3A_22, %iota3A : vector<1024x1xi32>
    %lt3A = arith.constant 10000 : i32
    %lt3A_24 = vector.broadcast %lt3A : i32 to vector<1024x1xi32>
    %lt3A_25 = arith.cmpi slt, %add3A_23, %lt3A_24 : vector<1024x1xi32>
    %jit3A = arith.constant 0.000000e+00 : f32
    %broadcast_in_dim3A = vector.shape_cast %lt3A_25 : vector<1024x1xi1> to vector<1024x1xi1>
    %broadcast_in_dim3A_26 = vector.broadcast %broadcast_in_dim3A : vector<1024x1xi1> to vector<1024x128xi1>
    %broadcast_in_dim3A_27 = vector.broadcast %jit3A : f32 to vector<1024x128xf32>
    %select_n3A = arith.select %broadcast_in_dim3A_26, %max3A_19, %broadcast_in_dim3A_27 : vector<1024x128xi1>, vector<1024x128xf32>
    %reduce_max3A = arith.constant dense<0xFF800000> : vector<128xf32>
    %reduce_max3A_28 = vector.multi_reduction <maximumf>, %select_n3A, %reduce_max3A [0] : vector<1024x128xf32> to vector<128xf32>
    %broadcast_in_dim3A_29 = vector.shape_cast %reduce_max3A_28 : vector<128xf32> to vector<1x128xf32>
    %eq3A = arith.constant 0 : i32
    %eq3A_30 = arith.cmpi eq, %arg0, %eq3A : i32
    %convert_element_type3A = arith.extui %eq3A_30 : i1 to i32
    %cond3A = arith.constant 0 : i32
    %cond3A_31 = arith.cmpi ne, %convert_element_type3A, %cond3A : i32
    scf.if %cond3A_31 {
      %swap3A = arith.constant 0 : index
      %swap3A_36 = arith.constant 0 : index
      %swap3A_37 = vector.load %arg4[%swap3A, %swap3A_36] : memref<1x128xf32, #tpu.memory_space<vmem>>, vector<1x128xf32>
      tpu.vector_store %arg4[%swap3A, %swap3A_36], %broadcast_in_dim3A_29 {strides = array<i32>} : memref<1x128xf32, #tpu.memory_space<vmem>>, vector<1x128xf32>,
    } else {
    }
    %gt3A = arith.constant 0 : i32
    %gt3A_32 = arith.cmpi sgt, %arg0, %gt3A : i32
    %convert_element_type3A_33 = arith.extui %gt3A_32 : i1 to i32
    %cond3A_34 = arith.constant 0 : i32
    %cond3A_35 = arith.cmpi ne, %convert_element_type3A_33, %cond3A_34 : i32
    scf.if %cond3A_35 {
      %get3A_36 = arith.constant 0 : index
      %get3A_37 = arith.constant 0 : index
      %get3A_38 = vector.load %arg4[%get3A_36, %get3A_37] : memref<1x128xf32, #tpu.memory_space<vmem>>, vector<1x128xf32>
      %max3A_39 = arith.maximumf %get3A_38, %broadcast_in_dim3A_29 : vector<1x128xf32>
      %swap3A = arith.constant 0 : index
      %swap3A_40 = arith.constant 0 : index
      %swap3A_41 = vector.load %arg4[%swap3A, %swap3A_40] : memref<1x128xf32, #tpu.memory_space<vmem>>, vector<1x128xf32>
      tpu.vector_store %arg4[%swap3A, %swap3A_40], %max3A_39 {strides = array<i32>} : memref<1x128xf32, #tpu.memory_space<vmem>>, vector<1x128xf32>,
    } else {
    }
    return
  }
  func.func @transform_0(%arg0: i32) -> (i32, i32, i32) {
    %c0_i32 = arith.constant 0 : i32
    %c0_i32_0 = arith.constant 0 : i32
    %c0_i32_1 = arith.constant 0 : i32
    return %c0_i32, %arg0, %c0_i32_0 : i32, i32, i32
  }
  func.func @transform_1(%arg0: i32) -> (i32, i32) {
    %c0_i32 = arith.constant 0 : i32
    %c0_i32_0 = arith.constant 0 : i32
    return %arg0, %c0_i32 : i32, i32
  }
  func.func @transform_2(%arg0: i32) -> (i32, i32) {
    %c0_i32 = arith.constant 0 : i32
    %c0_i32_0 = arith.constant 0 : i32
    %c0_i32_1 = arith.constant 0 : i32
    return %c0_i32, %c0_i32_0 : i32, i32
  }
  func.func @transform_3(%arg0: i32) -> (i32, i32) {
    %c0_i32 = arith.constant 0 : i32
    %c0_i32_0 = arith.constant 0 : i32
    %c0_i32_1 = arith.constant 0 : i32
    return %c0_i32, %c0_i32_0 : i32, i32
  }
}

</mosaic_0001>

<sc_bundles>
// kernel: kernel.11.cloned.1.call-start
scs
__scs_entry_jumppad:
0x0: {  	(pc) =	sbr.rel $0x88, $3  }
0x1: {  	(tag) =	ssettag $0x0;
	lr =	simm.s32 $0x1  }
0x2: {  	[smem:$0x3F9B] =	sst lr;
	_ =	strace $0xD0000000  }
0x3: {  	_ = 	snop  }
0x4: {  	_ = 	snop  }
0x5: {  	_ = 	snop  }
0x6: {  	_ = 	snop  }
0x7: {  	_ = 	snop  }
__scs_overlays_trampoline_lowered:
0x8: {  	[smem:$0x3FAA] =	sst s0  }
0x9: {  	[smem:$0x3FAB] =	sst s1  }
0xa: {  	[smem:$0x3FAC] =	sst s2  }
0xb: {  	[smem:$0x3FAD] =	sst s3  }
0xc: {  	[smem:$0x3FAE] =	sst s4  }
0xd: {  	[smem:$0x3FAF] =	sst s5  }
0xe: {  	[smem:$0x3FB0] =	sst s6  }
0xf: {  	[smem:$0x3FB1] =	sst s7  }
0x10: {  	[smem:$0x3FB2] =	sst s8  }
0x11: {  	[smem:$0x3FB3] =	sst s9;
	s0 =	simm.s32 @!p0 $0x0  }
0x12: {  	s1 =	sld [smem:$0x3F99];
	s0 =	simm.s32 @p0 $0x1  }
0x13: {  	[smem:$0x3FB4] =	sst s0;
	s0 =	simm.s32 @!p1 $0x0  }
0x14: {  	s2 =	sld [smem:$0x3F98];
	s0 =	simm.s32 @p1 $0x1  }
0x15: {  	[smem:$0x3FB5] =	sst s0;
	s0 =	simm.s32 @!p2 $0x0  }
0x16: {  	s3 =	sld [smem:$0x3FDB];
	s0 =	simm.s32 @p2 $0x1  }
0x17: {  	s4 =	simm.s32 $0x1BF5;
	[smem:$0x3FB7] =	sst s0  }
0x18: {  	s0 =	sld [smem:$0x3F9A];
	_ =	swait.ge [sflag:s4], $0x0  }
0x19: {  	s7 =	sld [smem:$0x3F9B]  }
0x1a: {  	s8 =	sadd.s32 $0xFFFFE003, lr  }
0x1b: {  	s9 =	sadd.s32 $0xFFFFFEF7, lr;
	s5 =	simm.s32 $0xFFFFFFFF;
	p2 =	slt.u32 s8, $0xFFFFF086  }
0x1c: {  	p1 =	slt.u32 s9, $0xF7A;
	s5 =	simm.s32 @!p2 $0x0  }
0x1d: {  	s5 =	simm.s32 @p1 $0x1;
	p0 =	seq.s32 s7, s2  }
0x1e: {  	s7 =	smul.u32 @!p0 $0xF7A, s2;
	p2 =	seq.s32 @!p0 s5, $0x0  }
0x1f: {  	s9 =	smul.u32 $0xF7A, s1;
	s8 =	simm.s32 @!p0 $0x1BF5;
	p2 =	por !p2, p0  }
0x20: {  	[sflag:s8] =	ssyncset.s32 @!p0 $0xFFFFF086;
	s6 =	sadd.s32 @!p0 s3, s7;
	s7 =	simm.s32 @!p0 $0x108  }
0x21: {  	s3 =	sadd.s32 s3, s9;
	s6 =	sadd.s32 @!p0 $0x88, s6;
	s7 =	simm.s32 @p2 $0x1082  }
0x22: {  	[simem:s7], [sflag:s8] =	dma.local @!p0 [hbm:s6], $0xF7A  }
0x23: {  	s9 =	sor.u32 $0xD0000000, s2;
	s6 =	simm.s32 $0x108;
	_ =	swait.ge @!p0 [sflag:s8], $0x0  }
0x24: {  	s3 =	sadd.s32 $0x88, s3;
	s6 =	simm.s32 @!p1 $0x1082;
	[sflag:s4] =	ssyncset.s32 $0xFFFFF086  }
0x25: {  	[simem:s6], [sflag:s4] =	dma.local [hbm:s3], $0xF7A  }
0x26: {  	[smem:$0x3F9B] =	sst s1;
	(tag) =	ssettag s2;
	_ =	strace s9  }
0x27: {  	s1 =	sld [smem:$0x3FAB]  }
0x28: {  	s2 =	sld [smem:$0x3FAC]  }
0x29: {  	s4 =	sld [smem:$0x3FAE]  }
0x2a: {  	p0 =	seq.s32 s5, $0x0;
	s5 =	sld [smem:$0x3FAF]  }
0x2b: {  	s6 =	sld [smem:$0x3FB0]  }
0x2c: {  	s7 =	sld [smem:$0x3FB1]  }
0x2d: {  	s3 =	simm.s32 $0x108;
	s8 =	sld [smem:$0x3FB2]  }
0x2e: {  	s3 =	simm.s32 @!p0 $0x1082;
	s9 =	sld [smem:$0x3FB3]  }
0x2f: {  	lr =	sadd.s32 s0, s3;
	s0 =	sld [smem:$0x3FAA]  }
0x30: {  	s3 =	sld [smem:$0x3FAD]  }
0x31: {  	[smem:$0x3FB6] =	sst s10  }
0x32: {  	s10 =	sld [smem:$0x3FB4];
	_ =	sdelay $0x3  }
0x33: {  	p0 =	seq.s32 s10, $0x1;
	s10 =	sld [smem:$0x3FB6];
	_ =	sdelay $0x3  }
0x34: {  	[smem:$0x3FB6] =	sst s10  }
0x35: {  	s10 =	sld [smem:$0x3FB5];
	_ =	sdelay $0x3  }
0x36: {  	p1 =	seq.s32 s10, $0x1;
	s10 =	sld [smem:$0x3FB6];
	_ =	sdelay $0x3  }
0x37: {  	[smem:$0x3FB6] =	sst s10  }
0x38: {  	s10 =	sld [smem:$0x3FB7]  }
0x39: {  	_ = 	snop;
	(pc) =	sbr.ind lr, $3  }
0x3a: {  	_ = 	snop  }
0x3b: {  	_ = 	snop  }
0x3c: {  	p2 =	seq.s32 s10, $0x1;
	s10 =	sld [smem:$0x3FB6]  }
0x3d: {  	_ =	shalt  }
0x3e: {  	_ =	shalt  }
0x3f: {  	_ =	shalt  }
0x40: {  	_ =	shalt  }
0x41: {  	_ =	shalt  }
0x42: {  	_ =	shalt  }
0x43: {  	_ =	shalt  }
0x44: {  	_ =	shalt  }
0x45: {  	_ =	shalt  }
0x46: {  	_ =	shalt  }
0x47: {  	_ =	shalt  }
0x48: {  	_ =	shalt  }
0x49: {  	_ =	shalt  }
0x4a: {  	_ =	shalt  }
0x4b: {  	_ =	shalt  }
0x4c: {  	_ =	shalt  }
0x4d: {  	_ =	shalt  }
0x4e: {  	_ =	shalt  }
0x4f: {  	_ =	shalt  }
0x50: {  	_ =	shalt  }
0x51: {  	_ =	shalt  }
0x52: {  	_ =	shalt  }
0x53: {  	_ =	shalt  }
0x54: {  	_ =	shalt  }
0x55: {  	_ =	shalt  }
0x56: {  	_ =	shalt  }
0x57: {  	_ =	shalt  }
0x58: {  	_ =	shalt  }
0x59: {  	_ =	shalt  }
0x5a: {  	_ =	shalt  }
0x5b: {  	_ =	shalt  }
0x5c: {  	_ =	shalt  }
0x5d: {  	_ =	shalt  }
0x5e: {  	_ =	shalt  }
0x5f: {  	_ =	shalt  }
0x60: {  	_ =	shalt  }
0x61: {  	_ =	shalt  }
0x62: {  	_ =	shalt  }
0x63: {  	_ =	shalt  }
0x64: {  	_ =	shalt  }
0x65: {  	_ =	shalt  }
0x66: {  	_ =	shalt  }
0x67: {  	_ =	shalt  }
0x68: {  	_ =	shalt  }
0x69: {  	_ =	shalt  }
0x6a: {  	_ =	shalt  }
0x6b: {  	_ =	shalt  }
0x6c: {  	_ =	shalt  }
0x6d: {  	_ =	shalt  }
0x6e: {  	_ =	shalt  }
0x6f: {  	_ =	shalt  }
0x70: {  	_ =	shalt  }
0x71: {  	_ =	shalt  }
0x72: {  	_ =	shalt  }
0x73: {  	_ =	shalt  }
0x74: {  	_ =	shalt  }
0x75: {  	_ =	shalt  }
0x76: {  	_ =	shalt  }
0x77: {  	_ =	shalt  }
0x78: {  	_ =	shalt  }
0x79: {  	_ =	shalt  }
0x7a: {  	_ =	shalt  }
0x7b: {  	_ =	shalt  }
0x7c: {  	_ =	shalt  }
0x7d: {  	_ =	shalt  }
0x7e: {  	_ =	shalt  }
0x7f: {  	_ =	shalt  }
0x80: {  	_ =	shalt  }
0x81: {  	_ =	shalt  }
0x82: {  	_ =	shalt  }
0x83: {  	_ =	shalt  }
0x84: {  	_ =	shalt  }
0x85: {  	_ =	shalt  }
0x86: {  	_ =	shalt  }
0x87: {  	_ =	shalt  }
.Lfunc_end0:
.L_simem_size_0:
called_computation.1_lowered:
.L_overlay_start_0:
0x88: {  	s2 =	sld [smem:$0x3FD9]  }
0x89: {  	s3 =	sld [smem:$0x3FFE];
	_ =	sdelay $0x1  }
0x8a: {  	s1 =	srdreg.scid  }
0x8b: {  	s0 =	sand.u32 $0x1, s1  }
0x8c: {  	s16 =	sshll.u32 s0, $0xA;
	s2 =	sadd.s32 s3, s2  }
0x8d: {  	s2 =	sadd.s32 s2, s16  }
0x8e: {  	[smem:$0x3FC2] =	sst s2  }
0x8f: {  	_ = 	snop  }
0x90: {  	(tm) =	ssettm $0x1  }
0x91: {  	s17 =	sld [smem:$0x3FFB];
	_ =	sdelay $0x3  }
0x92: {  	_ =	strace s17  }
0x93: {  	s2 =	sld [smem:$0x3FFC];
	_ =	sdelay $0x3  }
0x94: {  	_ =	strace s2  }
0x95: {  	s2 =	sld [smem:$0x3FFD];
	_ =	sdelay $0x3  }
0x96: {  	_ =	strace s2  }
0x97: {  	_ =	strace $0x8FFFFFFF  }
0x98: {  	s18 =	sld [smem:$0x3FDB];
	_ =	sdelay $0x1  }
0x99: {  	s19 =	simm.s32 $_scs_section_size  }
0x9a: {  	s4 =	simm.s32 $_size__tile_overlayer_lowered;
	s5 =	simm.s32 $_tile_overlayer_lowered  }
0x9b: {  	s22 =	simm.s32 $0x1BFF;
	s21 =	sshll.u32 s5, $0x1;
	s2 =	sadd.s32 s19, s18  }
0x9c: {  	s6 =	simm.s32 $0x0;
	s20 =	sshll.u32 s4, $0x1;
	s4 =	sadd.s32 s21, s2  }
0x9d: {  	[timem:s6], [sflag:s22] =	dma.local [hbm:s4], s20  }
0x9e: {  	_ =	swait.ge [sflag:s22], s20  }
0x9f: {  	s3 =	ssub.s32 $0x0, s20;
	[sflag:s22] =	ssyncset.done $0x0  }
0xa0: {  	[sflag:s22] =	ssyncadd.s32 s3;
	_ =	sdelay $0x1  }
0xa1: {  	s23 =	simm.s32 $0x1B8B  }
0xa2: {  	_ =	swait.ge [sflag:s23], $0x1  }
0xa3: {  	[sflag:s23] =	ssyncset.done $0x0  }
0xa4: {  	s25 =	simm.s32 $0x1B8E;
	s24 =	sld [smem:$0x3FFE];
	[sflag:s23] =	ssyncadd.s32 $0xFFFFFFFF  }
0xa5: {  	s26 =	simm.s32 $execute0_lowered;
	[smem:$0x3FD2] =	sst s25  }
0xa6: {  	s4 =	sshll.u32 s26, $0x1;
	_ =	strace $0x80000049;
	[dreg:$0x1] =	wrdreg $0xFFFFFFFF  }
0xa7: {  	s28 =	simm.s32 $_size_execute0_lowered;
	s2 =	sadd.s32 s2, s4;
	[dreg:$0x0] =	wrdreg $0x0  }
0xa8: {  	s4 =	sshll.u32 s28, $0x1;
	[dreg:$0x2] =	wrdreg s2  }
0xa9: {  	[dreg:$0x3] =	wrdreg s4  }
0xaa: {  	[dreg:$0x4] =	wrdreg $0xC0  }
0xab: {  	_ =	task [dreg:s6], $0x5FFFF  }
0xac: {  	[dreg:$0x1] =	wrdreg $0xFFFFFFFF  }
0xad: {  	[dreg:$0x0] =	wrdreg $0x60  }
0xae: {  	[dreg:$0x2] =	wrdreg s24  }
0xaf: {  	[dreg:$0x3] =	wrdreg $0xA8000  }
0xb0: {  	[dreg:$0x4] =	wrdreg $0x9  }
0xb1: {  	_ =	task.clear_ibuf [dreg:s6], $0x5FFFF;
	_ =	strace $0x90000049  }
0xb2: {  	s29 =	simm.s32 $0x9;
	_ =	strace $0x8000004B  }
0xb3: {  	_ =	swait.ge [sflag:s29], $0x1  }
0xb4: {  	[sflag:s29] =	ssyncadd.s32 $0xFFFFFFFF  }
0xb5: {  	_ =	strace $0x9000004B  }
0xb6: {  	_ =	sfence  }
0xb7: {  	s30 =	sld [smem:$0x0];
	_ =	sdelay $0x2  }
0xb8: {  	s31 =	sshll.u32 s1, $0xD;
	s1 =	sshrl.u32 s1, $0x2  }
0xb9: {  	s3 =	sand.u32 $0x4000, s31;
	s1 =	sadd.s32 s1, s30  }
0xba: {  	s0 =	sor.u32 s3, s0;
	s1 =	sshll.u32 s1, $0x11  }
0xbb: {  	s0 =	sor.u32 s1, s0  }
0xbc: {  	s0 =	sadd.s32 $0x8F2B, s0  }
0xbd: {  	[sflag:s0] =	ssyncadd.remote.s32 $0x1  }
0xbe: {  	_ =	sfence.sel $0xFFFF  }
0xbf: {  	[dreg:$0x0] =	wrdreg $0xFFFFFFFF;
	(pc) =	sbr.abs _section_cstart, $3  }
0xc0: {  	[dreg:$0x1] =	wrdreg $0xFFFFFFFF  }
0xc1: {  	_ =	task.clear_ibuf [dreg:s6], $0x2FFFF;
	_ =	strace $0x9FFFFFFF  }
0xc2: {  	(tm) =	ssettm $0x7FFFFFFF  }
0xc3: {  	_ =	shalt  }
tec
execute0_lowered:
.L_overlay_start_1:
0x0: {  	(tag) =	ssettag $0x1  }
0x1: {  	s26 =	stileid.u32  }
0x2: {  	s0 =	srdreg.scid;
	s1 =	smul.u32 $0x28, s26  }
0x3: {  	s2 =	rddreg [dreg:$0x0];
	s13 =	sand.u32 $0x1, s0;
	s0 =	smul.u32 $0x78, s26  }
0x4: {  	s30 =	simm.s32 $0x80;
	s29 =	simm.s32 $0x700;
	s9 =	smul.u32 $0x280, s26  }
0x5: {  	s31 =	simm.s32 $0x780;
	s16 =	sadd.s32 $0x3E000, s2;
	s22 =	smul.u32 $0x14000, s26  }
0x6: {  	p1 =	seq.s32 s13, $0x0;
	s20 =	ssub.s32 $0x2, s13;
	p0 =	sne.s32 s13, $0x0  }
0x7: {  	s15 =	sadd.s32 $0x780, s1;
	s21 =	sshrl.u32 s20, $0x1;
	s19 =	sor.u32 $0x40, s9  }
0x8: {  	s14 =	sadd.s32 $0x80, s9;
	s7 =	sadd.s32 $0xC0, s9;
	s12 =	sadd.s32 $0x100, s9  }
0x9: {  	s6 =	sadd.s32 $0x140, s9;
	s10 =	sadd.s32 $0x180, s9;
	s4 =	sadd.s32 $0x1C0, s9  }
0xa: {  	s1 =	sadd.s32 $0x200, s9;
	s15 =	smov.u32 @p1 s0;
	s17 =	ssub.s32 s20, s21  }
0xb: {  	s20 =	smul.u32 $0x140000, s13;
	s18 =	sshll.u32 s19, $0x7;
	s11 =	sshll.u32 s14, $0x7  }
0xc: {  	s5 =	sshll.u32 s7, $0x7;
	s8 =	sshll.u32 s12, $0x7;
	s3 =	sshll.u32 s6, $0x7  }
0xd: {  	s0 =	sadd.s32 $0x240, s9;
	s13 =	rddreg [dreg:$0x1];
	s6 =	sshll.u32 s6, $0x4  }
0xe: {  	s15 =	sshll.u32 s15, $0x4;
	s17 =	smax.u32 s17, $0x1;
	s21 =	sadd.s32 s20, s22  }
0xf: {  	s24 =	sadd.s32 s20, s18;
	s28 =	sadd.s32 s20, s11;
	s22 =	sadd.s32 s20, s5  }
0x10: {  	s5 =	sadd.s32 s5, s13;
	s23 =	sshrl.u32 s21, $0x3;
	s25 =	sshrl.u32 s24, $0x3  }
0x11: {  	s21 =	sshrl.u32 s28, $0x3;
	s24 =	sadd.s32 s20, s8;
	s28 =	sadd.s32 s20, s3  }
0x12: {  	s3 =	sadd.s32 s3, s13;
	s9 =	sadd.s32 s16, s23;
	s23 =	sshrl.u32 s22, $0x3  }
0x13: {  	[dreg:$0x3] =	wrdreg s9;
	s9 =	sadd.s32 s16, s25;
	s25 =	sshrl.u32 s24, $0x3  }
0x14: {  	[dreg:$0x4] =	wrdreg s9;
	s9 =	sadd.s32 s16, s21;
	s21 =	sshll.u32 s10, $0x7  }
0x15: {  	[dreg:$0x5] =	wrdreg s9;
	s9 =	sadd.s32 s16, s23;
	s22 =	sadd.s32 s20, s21  }
0x16: {  	s23 =	sshll.u32 s4, $0x7;
	[dreg:$0x6] =	wrdreg s9;
	s9 =	sadd.s32 s16, s25  }
0x17: {  	s22 =	sshrl.u32 s22, $0x3;
	s24 =	sadd.s32 s20, s23;
	[dreg:$0x7] =	wrdreg s9  }
0x18: {  	s9 =	sshrl.u32 s28, $0x3;
	s22 =	sadd.s32 s16, s22;
	s28 =	smul.u32 $0x50000, s26  }
0x19: {  	s9 =	sadd.s32 s16, s9;
	[dreg:$0x9] =	wrdreg s22;
	s22 =	sshll.u32 s1, $0x7  }
0x1a: {  	[dreg:$0x8] =	wrdreg s9;
	s9 =	sshrl.u32 s24, $0x3;
	s25 =	sadd.s32 s20, s22  }
0x1b: {  	s24 =	sshll.u32 s0, $0x7;
	s9 =	sadd.s32 s16, s9;
	s25 =	sshrl.u32 s25, $0x3  }
0x1c: {  	s20 =	sadd.s32 s20, s24;
	[dreg:$0xa] =	wrdreg s9;
	s25 =	sadd.s32 s16, s25  }
0x1d: {  	s20 =	sshrl.u32 s20, $0x3;
	s9 =	simm.s32 $0x0;
	[dreg:$0xb] =	wrdreg s25  }
0x1e: {  	s16 =	sadd.s32 s16, s20;
	[smem:$0x7FF] =	sst s9;
	s20 =	simm.s32 $0xF  }
0x1f: {  	s25 =	sshrl.u32 s28, $0x2;
	[dreg:$0xc] =	wrdreg s16;
	s20 =	simm.s32 @!p1 $0x5  }
0x20: {  	s28 =	smul.u32 $0x2800, s26;
	s26 =	sshll.u32 s19, $0x4;
	[dreg:$0xd] =	wrdreg s20  }
0x21: {  	s19 =	sadd.s32 s18, s13;
	_ =	strace $0x8000004A;
	[dreg:$0xe] =	wrdreg s17  }
0x22: {  	s1 =	sshll.u32 s1, $0x4;
	s16 =	sadd.s32 s25, s13;
	[dreg:$0x11] =	wrdreg s19  }
0x23: {  	s25 =	sshll.u32 s7, $0x4;
	s7 =	sadd.s32 s8, s13;
	[dreg:$0x15] =	wrdreg s5  }
0x24: {  	s0 =	sshll.u32 s0, $0x4;
	s20 =	sadd.s32 s15, s2;
	[dreg:$0x17] =	wrdreg s7  }
0x25: {  	s15 =	sadd.s32 $0x16000, s2;
	s18 =	sadd.s32 $0x2000, s16;
	[dreg:$0x19] =	wrdreg s3  }
0x26: {  	s8 =	sshll.u32 s10, $0x4;
	s28 =	sadd.s32 s15, s28;
	[smem:$0x7F5] =	sst s18  }
0x27: {  	s10 =	sshll.u32 s4, $0x4;
	s2 =	sadd.s32 s15, s26;
	[dreg:$0xf] =	wrdreg s28  }
0x28: {  	s4 =	simm.s32 $0x2;
	s26 =	sadd.s32 s11, s13;
	[dreg:$0x10] =	wrdreg s2  }
0x29: {  	s17 =	sshll.u32 s14, $0x4;
	s11 =	sadd.s32 s21, s13;
	[dreg:$0x13] =	wrdreg s26  }
0x2a: {  	s1 =	sadd.s32 s15, s1;
	s14 =	sadd.s32 s22, s13;
	[dreg:$0x1b] =	wrdreg s11  }
0x2b: {  	s0 =	sadd.s32 s15, s0;
	s19 =	sadd.s32 $0x4000, s16;
	[dreg:$0x1e] =	wrdreg s1  }
0x2c: {  	s21 =	sadd.s32 $0x8000, s16;
	s22 =	sadd.s32 $0xA000, s16;
	[dreg:$0x1f] =	wrdreg s14  }
0x2d: {  	s18 =	simm.s32 $0x3;
	s3 =	simm.s32 $0x1;
	[smem:$0x7F3] =	sst s0  }
0x2e: {  	s5 =	simm.s32 $0x480;
	s7 =	simm.s32 $0x180;
	[smem:$0x7F6] =	sst s19  }
0x2f: {  	s2 =	sadd.s32 s15, s17;
	s28 =	sshll.u32 s12, $0x4;
	[smem:$0x7F8] =	sst s21  }
0x30: {  	s12 =	sadd.s32 s23, s13;
	s17 =	sadd.s32 s24, s13;
	[smem:$0x7F9] =	sst s22  }
0x31: {  	s23 =	sadd.s32 $0x2000, s20;
	s14 =	sadd.s32 $0xC000, s20;
	[dreg:$0x12] =	wrdreg s2  }
0x32: {  	s20 =	sadd.s32 $0x6000, s16;
	s24 =	sadd.s32 $0xC000, s16;
	[dreg:$0x1d] =	wrdreg s12  }
0x33: {  	s26 =	sadd.s32 $0x10000, s16;
	s21 =	simm.s32 $0x400;
	[smem:$0x7F4] =	sst s17  }
0x34: {  	s1 =	simm.s32 $0x800;
	s11 =	simm.s32 $0x580;
	[smem:$0x7F7] =	sst s20  }
0x35: {  	s22 =	simm.s32 $0x680;
	s0 =	simm.s32 $0x0;
	[smem:$0x7FA] =	sst s24  }
0x36: {  	s2 =	sadd.s32 s15, s25;
	s25 =	sadd.s32 $0xE000, s16;
	[smem:$0x7FC] =	sst s26  }
0x37: {  	s12 =	simm.s32 $0x200;
	s17 =	simm.s32 $0x280;
	[dreg:$0x14] =	wrdreg s2  }
0x38: {  	s20 =	simm.s32 $0x600;
	s2 =	sadd.s32 s15, s28;
	[smem:$0x7FB] =	sst s25  }
0x39: {  	s24 =	simm.s32 $0x300;
	s28 =	sadd.s32 $0x12000, s16;
	[dreg:$0x16] =	wrdreg s2  }
0x3a: {  	s26 =	simm.s32 $0x380;
	s2 =	sadd.s32 s15, s6;
	[smem:$0x7FD] =	sst s28  }
0x3b: {  	s6 =	simm.s32 $0x100;
	[dreg:$0x18] =	wrdreg s2;
	s2 =	sadd.s32 s15, s8  }
0x3c: {  	s8 =	simm.s32 $0x500;
	[dreg:$0x1a] =	wrdreg s2;
	s2 =	sadd.s32 s15, s10  }
0x3d: {  	v0 =	vimm.f32 $0.0e+00;
	s10 =	simm.s32 $0x8800;
	[dreg:$0x1c] =	wrdreg s2;
	s2 =	simm.s32 $0x4800  }
.LBB2_1:
.Ltmp0:
0x3e: {  	(pc) =	sbr.rel @p0 .LBB2_3-.Ltmp0, $1  }
0x3f: {  	_ =	sdelay $0x3  }
0x40: {  	s19 =	rddreg [dreg:$0xf]  }
0x41: {  	[tilespmem:s10], [sflag:$0x3] =	stream.linear.gather [hbm4b:s19+s9], $0x2000, $0x38;
	[tilespmem:$0x1E800] =	vst v63  }
0x42: {  	_ =	swait.ge [sflag:s18], $0x2000  }
0x43: {  	[sflag:s18] =	ssyncset.done $0x0  }
0x44: {  	[sflag:s18] =	ssyncadd.s32 $0xFFFFE000  }
0x45: {  	[spmem:s16] =	stream.linear.scatter [tilespmem:s10], [sflag:$0x3], $0x2000, $0x38;
	[tilespmem:$0x1E800] =	vst v63  }
0x46: {  	_ =	swait.ge [sflag:s18], $0x2000  }
0x47: {  	[sflag:s18] =	ssyncset.done $0x0  }
0x48: {  	s25 =	rddreg [dreg:$0x10];
	[sflag:s18] =	ssyncadd.s32 $0xFFFFE000  }
0x49: {  	[tilespmem:s10], [sflag:$0x3] =	stream.linear.gather [hbm4b:s25+s9], $0x2000, $0x38;
	[tilespmem:$0x1E800] =	vst v63  }
0x4a: {  	_ =	swait.ge [sflag:s18], $0x2000  }
0x4b: {  	[sflag:s18] =	ssyncset.done $0x0  }
0x4c: {  	s28 =	rddreg [dreg:$0x11];
	[sflag:s18] =	ssyncadd.s32 $0xFFFFE000  }
0x4d: {  	[spmem:s28] =	stream.linear.scatter [tilespmem:s10], [sflag:$0x3], $0x2000, $0x38;
	[tilespmem:$0x1E800] =	vst v63  }
0x4e: {  	_ =	swait.ge [sflag:s18], $0x2000  }
0x4f: {  	[sflag:s18] =	ssyncset.done $0x0  }
0x50: {  	s25 =	rddreg [dreg:$0x12];
	[sflag:s18] =	ssyncadd.s32 $0xFFFFE000  }
0x51: {  	[tilespmem:s10], [sflag:$0x3] =	stream.linear.gather [hbm4b:s25+s9], $0x2000, $0x38;
	[tilespmem:$0x1E800] =	vst v63  }
0x52: {  	_ =	swait.ge [sflag:s18], $0x2000  }
0x53: {  	[sflag:s18] =	ssyncset.done $0x0  }
0x54: {  	s28 =	rddreg [dreg:$0x13];
	[sflag:s18] =	ssyncadd.s32 $0xFFFFE000  }
0x55: {  	[spmem:s28] =	stream.linear.scatter [tilespmem:s10], [sflag:$0x3], $0x2000, $0x38;
	[tilespmem:$0x1E800] =	vst v63  }
0x56: {  	_ =	swait.ge [sflag:s18], $0x2000  }
0x57: {  	[sflag:s18] =	ssyncset.done $0x0  }
0x58: {  	s25 =	rddreg [dreg:$0x14];
	[sflag:s18] =	ssyncadd.s32 $0xFFFFE000  }
0x59: {  	[tilespmem:s10], [sflag:$0x3] =	stream.linear.gather [hbm4b:s25+s9], $0x2000, $0x38;
	[tilespmem:$0x1E800] =	vst v63  }
0x5a: {  	_ =	swait.ge [sflag:s18], $0x2000  }
0x5b: {  	[sflag:s18] =	ssyncset.done $0x0  }
0x5c: {  	s28 =	rddreg [dreg:$0x15];
	[sflag:s18] =	ssyncadd.s32 $0xFFFFE000  }
0x5d: {  	[spmem:s28] =	stream.linear.scatter [tilespmem:s10], [sflag:$0x3], $0x2000, $0x38;
	[tilespmem:$0x1E800] =	vst v63  }
0x5e: {  	_ =	swait.ge [sflag:s18], $0x2000  }
0x5f: {  	[sflag:s18] =	ssyncset.done $0x0  }
0x60: {  	s25 =	rddreg [dreg:$0x16];
	[sflag:s18] =	ssyncadd.s32 $0xFFFFE000  }
0x61: {  	[tilespmem:s10], [sflag:$0x3] =	stream.linear.gather [hbm4b:s25+s9], $0x2000, $0x38;
	[tilespmem:$0x1E800] =	vst v63  }
0x62: {  	_ =	swait.ge [sflag:s18], $0x2000  }
0x63: {  	[sflag:s18] =	ssyncset.done $0x0  }
0x64: {  	s28 =	rddreg [dreg:$0x17];
	[sflag:s18] =	ssyncadd.s32 $0xFFFFE000  }
0x65: {  	[spmem:s28] =	stream.linear.scatter [tilespmem:s10], [sflag:$0x3], $0x2000, $0x38;
	[tilespmem:$0x1E800] =	vst v63  }
0x66: {  	_ =	swait.ge [sflag:s18], $0x2000  }
0x67: {  	[sflag:s18] =	ssyncset.done $0x0  }
0x68: {  	s25 =	rddreg [dreg:$0x18];
	[sflag:s18] =	ssyncadd.s32 $0xFFFFE000  }
0x69: {  	[tilespmem:s10], [sflag:$0x3] =	stream.linear.gather [hbm4b:s25+s9], $0x2000, $0x38;
	[tilespmem:$0x1E800] =	vst v63  }
0x6a: {  	_ =	swait.ge [sflag:s18], $0x2000  }
0x6b: {  	[sflag:s18] =	ssyncset.done $0x0  }
0x6c: {  	s28 =	rddreg [dreg:$0x19];
	[sflag:s18] =	ssyncadd.s32 $0xFFFFE000  }
0x6d: {  	[spmem:s28] =	stream.linear.scatter [tilespmem:s10], [sflag:$0x3], $0x2000, $0x38;
	[tilespmem:$0x1E800] =	vst v63  }
0x6e: {  	_ =	swait.ge [sflag:s18], $0x2000  }
0x6f: {  	[sflag:s18] =	ssyncset.done $0x0  }
0x70: {  	s25 =	rddreg [dreg:$0x1a];
	[sflag:s18] =	ssyncadd.s32 $0xFFFFE000  }
0x71: {  	[tilespmem:s10], [sflag:$0x3] =	stream.linear.gather [hbm4b:s25+s9], $0x2000, $0x38;
	[tilespmem:$0x1E800] =	vst v63  }
0x72: {  	_ =	swait.ge [sflag:s18], $0x2000  }
0x73: {  	[sflag:s18] =	ssyncset.done $0x0  }
0x74: {  	s28 =	rddreg [dreg:$0x1b];
	[sflag:s18] =	ssyncadd.s32 $0xFFFFE000  }
0x75: {  	[spmem:s28] =	stream.linear.scatter [tilespmem:s10], [sflag:$0x3], $0x2000, $0x38;
	[tilespmem:$0x1E800] =	vst v63  }
0x76: {  	_ =	swait.ge [sflag:s18], $0x2000  }
0x77: {  	[sflag:s18] =	ssyncset.done $0x0  }
0x78: {  	s25 =	rddreg [dreg:$0x1c];
	[sflag:s18] =	ssyncadd.s32 $0xFFFFE000  }
0x79: {  	[tilespmem:s10], [sflag:$0x3] =	stream.linear.gather [hbm4b:s25+s9], $0x2000, $0x38;
	[tilespmem:$0x1E800] =	vst v63  }
0x7a: {  	_ =	swait.ge [sflag:s18], $0x2000  }
0x7b: {  	[sflag:s18] =	ssyncset.done $0x0  }
0x7c: {  	s28 =	rddreg [dreg:$0x1d];
	[sflag:s18] =	ssyncadd.s32 $0xFFFFE000  }
0x7d: {  	[spmem:s28] =	stream.linear.scatter [tilespmem:s10], [sflag:$0x3], $0x2000, $0x38;
	[tilespmem:$0x1E800] =	vst v63  }
0x7e: {  	_ =	swait.ge [sflag:s18], $0x2000  }
0x7f: {  	[sflag:s18] =	ssyncset.done $0x0  }
0x80: {  	s25 =	rddreg [dreg:$0x1e];
	[sflag:s18] =	ssyncadd.s32 $0xFFFFE000  }
0x81: {  	[tilespmem:s10], [sflag:$0x3] =	stream.linear.gather [hbm4b:s25+s9], $0x2000, $0x38;
	[tilespmem:$0x1E800] =	vst v63  }
0x82: {  	_ =	swait.ge [sflag:s18], $0x2000  }
0x83: {  	[sflag:s18] =	ssyncset.done $0x0  }
0x84: {  	s28 =	rddreg [dreg:$0x1f];
	[sflag:s18] =	ssyncadd.s32 $0xFFFFE000  }
0x85: {  	[spmem:s28] =	stream.linear.scatter [tilespmem:s10], [sflag:$0x3], $0x2000, $0x38;
	[tilespmem:$0x1E800] =	vst v63  }
0x86: {  	_ =	swait.ge [sflag:s18], $0x2000  }
0x87: {  	s25 =	sld [smem:$0x7F3]  }
0x88: {  	[sflag:s18] =	ssyncset.done $0x0  }
0x89: {  	[sflag:s18] =	ssyncadd.s32 $0xFFFFE000  }
0x8a: {  	[tilespmem:s10], [sflag:$0x3] =	stream.linear.gather [hbm4b:s25+s9], $0x2000, $0x38;
	[tilespmem:$0x1E800] =	vst v63  }
.Ltmp1:
0x8b: {  	_ =	swait.ge [sflag:s18], $0x2000;
	(pc) =	sbr.rel .LBB2_6-.Ltmp1, $4  }
0x8c: {  	s28 =	sld [smem:$0x7F4]  }
0x8d: {  	[sflag:s18] =	ssyncset.done $0x0  }
0x8e: {  	[sflag:s18] =	ssyncadd.s32 $0xFFFFE000  }
0x8f: {  	[spmem:s28] =	stream.linear.scatter [tilespmem:s10], [sflag:$0x3], $0x2000, $0x38;
	[tilespmem:$0x1E800] =	vst v63  }
.LBB2_3:
0x90: {  	s19 =	sshra.s32 s9, $0x2;
	s25 =	sadd.s32 $0x200, s9  }
.LBB2_4:
0x91: {  	p1 =	seq.s32 s25, $0x7E00;
	[tilespmem:s19+$0x8870] =	vst v0  }
0x92: {  	[tilespmem:s19+$0x8800] =	vst v0  }
0x93: {  	[tilespmem:s19+$0x8810] =	vst v0  }
.Ltmp2:
0x94: {  	[tilespmem:s19+$0x8820] =	vst v0;
	(pc) =	sbr.rel @!p1 .LBB2_4-.Ltmp2, $4  }
0x95: {  	[tilespmem:s19+$0x8830] =	vst v0  }
0x96: {  	[tilespmem:s19+$0x8840] =	vst v0  }
0x97: {  	[tilespmem:s19+$0x8850] =	vst v0  }
0x98: {  	[tilespmem:s19+$0x8860] =	vst v0;
	s19 =	sshra.s32 s25, $0x2;
	s25 =	sadd.s32 $0x200, s25  }
0x99: {  	[tilespmem:s19+$0x8870] =	vst v0  }
0x9a: {  	[tilespmem:s19+$0x8800] =	vst v0  }
0x9b: {  	[tilespmem:s19+$0x8810] =	vst v0  }
0x9c: {  	[tilespmem:s19+$0x8820] =	vst v0  }
0x9d: {  	[tilespmem:s19+$0x8830] =	vst v0  }
0x9e: {  	[tilespmem:s19+$0x8840] =	vst v0  }
0x9f: {  	[tilespmem:s19+$0x8850] =	vst v0  }
0xa0: {  	[tilespmem:s19+$0x8860] =	vst v0  }
0xa1: {  	[spmem:s16] =	stream.linear.scatter [tilespmem:s10], [sflag:$0x3], $0x2000, $0x38;
	[tilespmem:$0x1E800] =	vst v63  }
0xa2: {  	_ =	swait.ge [sflag:s18], $0x2000  }
0xa3: {  	s28 =	sld [smem:$0x7F5]  }
0xa4: {  	[sflag:s18] =	ssyncset.done $0x0  }
0xa5: {  	[sflag:s18] =	ssyncadd.s32 $0xFFFFE000  }
0xa6: {  	[spmem:s28] =	stream.linear.scatter [tilespmem:s10], [sflag:$0x3], $0x2000, $0x38;
	[tilespmem:$0x1E800] =	vst v63  }
0xa7: {  	_ =	swait.ge [sflag:s18], $0x2000  }
0xa8: {  	s25 =	sld [smem:$0x7F6]  }
0xa9: {  	[sflag:s18] =	ssyncset.done $0x0  }
0xaa: {  	[sflag:s18] =	ssyncadd.s32 $0xFFFFE000  }
0xab: {  	[spmem:s25] =	stream.linear.scatter [tilespmem:s10], [sflag:$0x3], $0x2000, $0x38;
	[tilespmem:$0x1E800] =	vst v63  }
0xac: {  	_ =	swait.ge [sflag:s18], $0x2000  }
0xad: {  	s28 =	sld [smem:$0x7F7]  }
0xae: {  	[sflag:s18] =	ssyncset.done $0x0  }
0xaf: {  	[sflag:s18] =	ssyncadd.s32 $0xFFFFE000  }
0xb0: {  	[spmem:s28] =	stream.linear.scatter [tilespmem:s10], [sflag:$0x3], $0x2000, $0x38;
	[tilespmem:$0x1E800] =	vst v63  }
0xb1: {  	_ =	swait.ge [sflag:s18], $0x2000  }
0xb2: {  	s25 =	sld [smem:$0x7F8]  }
0xb3: {  	[sflag:s18] =	ssyncset.done $0x0  }
0xb4: {  	[sflag:s18] =	ssyncadd.s32 $0xFFFFE000  }
0xb5: {  	[spmem:s25] =	stream.linear.scatter [tilespmem:s10], [sflag:$0x3], $0x2000, $0x38;
	[tilespmem:$0x1E800] =	vst v63  }
0xb6: {  	_ =	swait.ge [sflag:s18], $0x2000  }
0xb7: {  	s28 =	sld [smem:$0x7F9]  }
0xb8: {  	[sflag:s18] =	ssyncset.done $0x0  }
0xb9: {  	[sflag:s18] =	ssyncadd.s32 $0xFFFFE000  }
0xba: {  	[spmem:s28] =	stream.linear.scatter [tilespmem:s10], [sflag:$0x3], $0x2000, $0x38;
	[tilespmem:$0x1E800] =	vst v63  }
0xbb: {  	_ =	swait.ge [sflag:s18], $0x2000  }
0xbc: {  	s25 =	sld [smem:$0x7FA]  }
0xbd: {  	[sflag:s18] =	ssyncset.done $0x0  }
0xbe: {  	[sflag:s18] =	ssyncadd.s32 $0xFFFFE000  }
0xbf: {  	[spmem:s25] =	stream.linear.scatter [tilespmem:s10], [sflag:$0x3], $0x2000, $0x38;
	[tilespmem:$0x1E800] =	vst v63  }
0xc0: {  	_ =	swait.ge [sflag:s18], $0x2000  }
0xc1: {  	s28 =	sld [smem:$0x7FB]  }
0xc2: {  	[sflag:s18] =	ssyncset.done $0x0  }
0xc3: {  	[sflag:s18] =	ssyncadd.s32 $0xFFFFE000  }
0xc4: {  	[spmem:s28] =	stream.linear.scatter [tilespmem:s10], [sflag:$0x3], $0x2000, $0x38;
	[tilespmem:$0x1E800] =	vst v63  }
0xc5: {  	_ =	swait.ge [sflag:s18], $0x2000  }
0xc6: {  	s25 =	sld [smem:$0x7FC]  }
0xc7: {  	[sflag:s18] =	ssyncset.done $0x0  }
0xc8: {  	[sflag:s18] =	ssyncadd.s32 $0xFFFFE000  }
0xc9: {  	[spmem:s25] =	stream.linear.scatter [tilespmem:s10], [sflag:$0x3], $0x2000, $0x38;
	[tilespmem:$0x1E800] =	vst v63  }
0xca: {  	_ =	swait.ge [sflag:s18], $0x2000  }
0xcb: {  	s28 =	sld [smem:$0x7FD]  }
0xcc: {  	[sflag:s18] =	ssyncset.done $0x0  }
0xcd: {  	[sflag:s18] =	ssyncadd.s32 $0xFFFFE000  }
0xce: {  	[spmem:s28] =	stream.linear.scatter [tilespmem:s10], [sflag:$0x3], $0x2000, $0x38;
	[tilespmem:$0x1E800] =	vst v63  }
.LBB2_6:
0xcf: {  	_ =	swait.ge [sflag:s18], $0x2000  }
0xd0: {  	[sflag:s18] =	ssyncset.done $0x0  }
0xd1: {  	[sflag:s18] =	ssyncadd.s32 $0xFFFFE000  }
0xd2: {  	[bflag:$0x0] =	sbarrier.arrive $0xFFFF  }
0xd3: {  	[tilespmem:s9], [sflag:$0x3] =	stream.linear.gather [hbm4b:s14+s9], $0x400, $0x38;
	[tilespmem:$0x1E800] =	vst v63  }
0xd4: {  	_ =	swait.ge [sflag:s18], $0x400  }
0xd5: {  	[sflag:s18] =	ssyncset.done $0x0  }
0xd6: {  	[sflag:s18] =	ssyncadd.s32 $0xFFFFFC00  }
0xd7: {  	[tilespmem:s21], [sflag:$0x3] =	stream.linear.gather [hbm4b:s23+s9], $0x400, $0x38;
	[tilespmem:$0x1E800] =	vst v63  }
0xd8: {  	_ =	swait.ge [sflag:s18], $0x400  }
0xd9: {  	[sflag:s18] =	ssyncset.done $0x0  }
0xda: {  	[sflag:s18] =	ssyncadd.s32 $0xFFFFFC00  }
0xdb: {  	[tilespmem:s1], [sflag:$0x1] =	stream.indirect.gather [hbm4b:s15+s30], $0x80, s9, s30, $0xb8;
	[tilespmem:$0x1E800] =	vst v63  }
0xdc: {  	_ = 	snop  }
0xdd: {  	[tilespmem:s2], [sflag:$0x2] =	stream.indirect.gather [hbm4b:s15+s30], $0x80, s30, s30, $0xb8;
	[tilespmem:$0x1E800] =	vst v63  }
0xde: {  	_ =	swait.ge [sflag:s3], $0x4000  }
0xdf: {  	[sflag:s3] =	ssyncset.done $0x0  }
0xe0: {  	[sflag:s3] =	ssyncadd.s32 $0xFFFFC000  }
0xe1: {  	[spmem:s13] =	stream.indirect.scatter.add.f32 [tilespmem:s1], [sflag:$0x3], $0x80, s21, s30, $0xb8;
	[tilespmem:$0x1E800] =	vst v63  }
0xe2: {  	_ =	swait.ge [sflag:s18], $0x4000  }
0xe3: {  	[sflag:s18] =	ssyncset.done $0x0  }
0xe4: {  	[sflag:s18] =	ssyncadd.s32 $0xFFFFC000  }
0xe5: {  	_ =	swait.ge [sflag:s4], $0x4000  }
0xe6: {  	[sflag:s4] =	ssyncset.done $0x0  }
0xe7: {  	[sflag:s4] =	ssyncadd.s32 $0xFFFFC000  }
0xe8: {  	[spmem:s13] =	stream.indirect.scatter.add.f32 [tilespmem:s2], [sflag:$0x3], $0x80, s5, s30, $0xb8;
	[tilespmem:$0x1E800] =	vst v63  }
0xe9: {  	_ =	swait.ge [sflag:s18], $0x4000  }
0xea: {  	[sflag:s18] =	ssyncset.done $0x0  }
0xeb: {  	[sflag:s18] =	ssyncadd.s32 $0xFFFFC000  }
0xec: {  	[tilespmem:s1], [sflag:$0x1] =	stream.indirect.gather [hbm4b:s15+s30], $0x80, s6, s30, $0xb8;
	[tilespmem:$0x1E800] =	vst v63  }
0xed: {  	_ = 	snop  }
0xee: {  	[tilespmem:s2], [sflag:$0x2] =	stream.indirect.gather [hbm4b:s15+s30], $0x80, s7, s30, $0xb8;
	[tilespmem:$0x1E800] =	vst v63  }
0xef: {  	_ =	swait.ge [sflag:s3], $0x4000  }
0xf0: {  	[sflag:s3] =	ssyncset.done $0x0  }
0xf1: {  	[sflag:s3] =	ssyncadd.s32 $0xFFFFC000  }
0xf2: {  	[spmem:s13] =	stream.indirect.scatter.add.f32 [tilespmem:s1], [sflag:$0x3], $0x80, s8, s30, $0xb8;
	[tilespmem:$0x1E800] =	vst v63  }
0xf3: {  	_ =	swait.ge [sflag:s18], $0x4000  }
0xf4: {  	[sflag:s18] =	ssyncset.done $0x0  }
0xf5: {  	[sflag:s18] =	ssyncadd.s32 $0xFFFFC000  }
0xf6: {  	_ =	swait.ge [sflag:s4], $0x4000  }
0xf7: {  	[sflag:s4] =	ssyncset.done $0x0  }
0xf8: {  	[sflag:s4] =	ssyncadd.s32 $0xFFFFC000  }
0xf9: {  	[spmem:s13] =	stream.indirect.scatter.add.f32 [tilespmem:s2], [sflag:$0x3], $0x80, s11, s30, $0xb8;
	[tilespmem:$0x1E800] =	vst v63  }
0xfa: {  	_ =	swait.ge [sflag:s18], $0x4000  }
0xfb: {  	[sflag:s18] =	ssyncset.done $0x0  }
0xfc: {  	[sflag:s18] =	ssyncadd.s32 $0xFFFFC000  }
0xfd: {  	[tilespmem:s1], [sflag:$0x1] =	stream.indirect.gather [hbm4b:s15+s30], $0x80, s12, s30, $0xb8;
	[tilespmem:$0x1E800] =	vst v63  }
0xfe: {  	_ = 	snop  }
0xff: {  	[tilespmem:s2], [sflag:$0x2] =	stream.indirect.gather [hbm4b:s15+s30], $0x80, s17, s30, $0xb8;
	[tilespmem:$0x1E800] =	vst v63  }
0x100: {  	_ =	swait.ge [sflag:s3], $0x4000  }
0x101: {  	[sflag:s3] =	ssyncset.done $0x0  }
0x102: {  	[sflag:s3] =	ssyncadd.s32 $0xFFFFC000  }
0x103: {  	[spmem:s13] =	stream.indirect.scatter.add.f32 [tilespmem:s1], [sflag:$0x3], $0x80, s20, s30, $0xb8;
	[tilespmem:$0x1E800] =	vst v63  }
0x104: {  	_ =	swait.ge [sflag:s18], $0x4000  }
0x105: {  	[sflag:s18] =	ssyncset.done $0x0  }
0x106: {  	[sflag:s18] =	ssyncadd.s32 $0xFFFFC000  }
0x107: {  	_ =	swait.ge [sflag:s4], $0x4000  }
0x108: {  	[sflag:s4] =	ssyncset.done $0x0  }
0x109: {  	[sflag:s4] =	ssyncadd.s32 $0xFFFFC000  }
0x10a: {  	[spmem:s13] =	stream.indirect.scatter.add.f32 [tilespmem:s2], [sflag:$0x3], $0x80, s22, s30, $0xb8;
	[tilespmem:$0x1E800] =	vst v63  }
0x10b: {  	_ =	swait.ge [sflag:s18], $0x4000  }
0x10c: {  	[sflag:s18] =	ssyncset.done $0x0  }
0x10d: {  	[sflag:s18] =	ssyncadd.s32 $0xFFFFC000  }
0x10e: {  	[tilespmem:s1], [sflag:$0x1] =	stream.indirect.gather [hbm4b:s15+s30], $0x80, s24, s30, $0xb8;
	[tilespmem:$0x1E800] =	vst v63  }
0x10f: {  	_ = 	snop  }
0x110: {  	[tilespmem:s2], [sflag:$0x2] =	stream.indirect.gather [hbm4b:s15+s30], $0x80, s26, s30, $0xb8;
	[tilespmem:$0x1E800] =	vst v63  }
0x111: {  	_ =	swait.ge [sflag:s3], $0x4000  }
0x112: {  	[sflag:s3] =	ssyncset.done $0x0  }
0x113: {  	[sflag:s3] =	ssyncadd.s32 $0xFFFFC000  }
0x114: {  	[spmem:s13] =	stream.indirect.scatter.add.f32 [tilespmem:s1], [sflag:$0x3], $0x80, s29, s30, $0xb8;
	[tilespmem:$0x1E800] =	vst v63  }
0x115: {  	_ =	swait.ge [sflag:s18], $0x4000  }
0x116: {  	[sflag:s18] =	ssyncset.done $0x0  }
0x117: {  	[sflag:s18] =	ssyncadd.s32 $0xFFFFC000  }
0x118: {  	_ =	swait.ge [sflag:s4], $0x4000  }
0x119: {  	s19 =	rddreg [dreg:$0xd]  }
0x11a: {  	p1 =	sne.s32 s19, $0x1  }
.Ltmp3:
0x11b: {  	[sflag:s4] =	ssyncset.done $0x0;
	(pc) =	sbr.rel @!p1 .LBB2_8-.Ltmp3, $4  }
0x11c: {  	[sflag:s4] =	ssyncadd.s32 $0xFFFFC000  }
0x11d: {  	[spmem:s13] =	stream.indirect.scatter.add.f32 [tilespmem:s2], [sflag:$0x3], $0x80, s31, s30, $0xb8;
	[tilespmem:$0x1E800] =	vst v63  }
0x11e: {  	s25 =	smov.u32 s23;
	_ =	swait.ge [sflag:s18], $0x4000  }
0x11f: {  	s28 =	smov.u32 s14;
	s19 =	sadd.s32 $0xFFFFFFFF, s19;
	[sflag:s18] =	ssyncset.done $0x0  }
.LBB2_7:
0x120: {  	[sflag:s18] =	ssyncadd.s32 $0xFFFFC000;
	s25 =	sadd.s32 $0x80, s25;
	s28 =	sadd.s32 $0x80, s28  }
0x121: {  	[tilespmem:s9], [sflag:$0x3] =	stream.linear.gather [hbm4b:s28+s9], $0x400, $0x38;
	[tilespmem:$0x1E800] =	vst v63  }
0x122: {  	p1 =	sne.s32 s19, $0x1;
	s19 =	sadd.s32 $0xFFFFFFFF, s19;
	_ =	swait.ge [sflag:s18], $0x400  }
0x123: {  	[sflag:s18] =	ssyncset.done $0x0  }
0x124: {  	[sflag:s18] =	ssyncadd.s32 $0xFFFFFC00  }
0x125: {  	[tilespmem:s21], [sflag:$0x3] =	stream.linear.gather [hbm4b:s25+s9], $0x400, $0x38;
	[tilespmem:$0x1E800] =	vst v63  }
0x126: {  	_ =	swait.ge [sflag:s18], $0x400  }
0x127: {  	[sflag:s18] =	ssyncset.done $0x0  }
0x128: {  	[sflag:s18] =	ssyncadd.s32 $0xFFFFFC00  }
0x129: {  	[tilespmem:s1], [sflag:$0x1] =	stream.indirect.gather [hbm4b:s15+s30], $0x80, s9, s30, $0xb8;
	[tilespmem:$0x1E800] =	vst v63  }
0x12a: {  	_ = 	snop  }
0x12b: {  	[tilespmem:s2], [sflag:$0x2] =	stream.indirect.gather [hbm4b:s15+s30], $0x80, s30, s30, $0xb8;
	[tilespmem:$0x1E800] =	vst v63  }
0x12c: {  	_ =	swait.ge [sflag:s3], $0x4000  }
0x12d: {  	[sflag:s3] =	ssyncset.done $0x0  }
0x12e: {  	[sflag:s3] =	ssyncadd.s32 $0xFFFFC000  }
0x12f: {  	[spmem:s13] =	stream.indirect.scatter.add.f32 [tilespmem:s1], [sflag:$0x3], $0x80, s21, s30, $0xb8;
	[tilespmem:$0x1E800] =	vst v63  }
0x130: {  	_ =	swait.ge [sflag:s18], $0x4000  }
0x131: {  	[sflag:s18] =	ssyncset.done $0x0  }
0x132: {  	[sflag:s18] =	ssyncadd.s32 $0xFFFFC000  }
0x133: {  	_ =	swait.ge [sflag:s4], $0x4000  }
0x134: {  	[sflag:s4] =	ssyncset.done $0x0  }
0x135: {  	[sflag:s4] =	ssyncadd.s32 $0xFFFFC000  }
0x136: {  	[spmem:s13] =	stream.indirect.scatter.add.f32 [tilespmem:s2], [sflag:$0x3], $0x80, s5, s30, $0xb8;
	[tilespmem:$0x1E800] =	vst v63  }
0x137: {  	_ =	swait.ge [sflag:s18], $0x4000  }
0x138: {  	[sflag:s18] =	ssyncset.done $0x0  }
0x139: {  	[sflag:s18] =	ssyncadd.s32 $0xFFFFC000  }
0x13a: {  	[tilespmem:s1], [sflag:$0x1] =	stream.indirect.gather [hbm4b:s15+s30], $0x80, s6, s30, $0xb8;
	[tilespmem:$0x1E800] =	vst v63  }
0x13b: {  	_ = 	snop  }
0x13c: {  	[tilespmem:s2], [sflag:$0x2] =	stream.indirect.gather [hbm4b:s15+s30], $0x80, s7, s30, $0xb8;
	[tilespmem:$0x1E800] =	vst v63  }
0x13d: {  	_ =	swait.ge [sflag:s3], $0x4000  }
0x13e: {  	[sflag:s3] =	ssyncset.done $0x0  }
0x13f: {  	[sflag:s3] =	ssyncadd.s32 $0xFFFFC000  }
0x140: {  	[spmem:s13] =	stream.indirect.scatter.add.f32 [tilespmem:s1], [sflag:$0x3], $0x80, s8, s30, $0xb8;
	[tilespmem:$0x1E800] =	vst v63  }
0x141: {  	_ =	swait.ge [sflag:s18], $0x4000  }
0x142: {  	[sflag:s18] =	ssyncset.done $0x0  }
0x143: {  	[sflag:s18] =	ssyncadd.s32 $0xFFFFC000  }
0x144: {  	_ =	swait.ge [sflag:s4], $0x4000  }
0x145: {  	[sflag:s4] =	ssyncset.done $0x0  }
0x146: {  	[sflag:s4] =	ssyncadd.s32 $0xFFFFC000  }
0x147: {  	[spmem:s13] =	stream.indirect.scatter.add.f32 [tilespmem:s2], [sflag:$0x3], $0x80, s11, s30, $0xb8;
	[tilespmem:$0x1E800] =	vst v63  }
0x148: {  	_ =	swait.ge [sflag:s18], $0x4000  }
0x149: {  	[sflag:s18] =	ssyncset.done $0x0  }
0x14a: {  	[sflag:s18] =	ssyncadd.s32 $0xFFFFC000  }
0x14b: {  	[tilespmem:s1], [sflag:$0x1] =	stream.indirect.gather [hbm4b:s15+s30], $0x80, s12, s30, $0xb8;
	[tilespmem:$0x1E800] =	vst v63  }
0x14c: {  	_ = 	snop  }
0x14d: {  	[tilespmem:s2], [sflag:$0x2] =	stream.indirect.gather [hbm4b:s15+s30], $0x80, s17, s30, $0xb8;
	[tilespmem:$0x1E800] =	vst v63  }
0x14e: {  	_ =	swait.ge [sflag:s3], $0x4000  }
0x14f: {  	[sflag:s3] =	ssyncset.done $0x0  }
0x150: {  	[sflag:s3] =	ssyncadd.s32 $0xFFFFC000  }
0x151: {  	[spmem:s13] =	stream.indirect.scatter.add.f32 [tilespmem:s1], [sflag:$0x3], $0x80, s20, s30, $0xb8;
	[tilespmem:$0x1E800] =	vst v63  }
0x152: {  	_ =	swait.ge [sflag:s18], $0x4000  }
0x153: {  	[sflag:s18] =	ssyncset.done $0x0  }
0x154: {  	[sflag:s18] =	ssyncadd.s32 $0xFFFFC000  }
0x155: {  	_ =	swait.ge [sflag:s4], $0x4000  }
0x156: {  	[sflag:s4] =	ssyncset.done $0x0  }
0x157: {  	[sflag:s4] =	ssyncadd.s32 $0xFFFFC000  }
0x158: {  	[spmem:s13] =	stream.indirect.scatter.add.f32 [tilespmem:s2], [sflag:$0x3], $0x80, s22, s30, $0xb8;
	[tilespmem:$0x1E800] =	vst v63  }
0x159: {  	_ =	swait.ge [sflag:s18], $0x4000  }
0x15a: {  	[sflag:s18] =	ssyncset.done $0x0  }
0x15b: {  	[sflag:s18] =	ssyncadd.s32 $0xFFFFC000  }
0x15c: {  	[tilespmem:s1], [sflag:$0x1] =	stream.indirect.gather [hbm4b:s15+s30], $0x80, s24, s30, $0xb8;
	[tilespmem:$0x1E800] =	vst v63  }
0x15d: {  	_ = 	snop  }
0x15e: {  	[tilespmem:s2], [sflag:$0x2] =	stream.indirect.gather [hbm4b:s15+s30], $0x80, s26, s30, $0xb8;
	[tilespmem:$0x1E800] =	vst v63  }
0x15f: {  	_ =	swait.ge [sflag:s3], $0x4000  }
0x160: {  	[sflag:s3] =	ssyncset.done $0x0  }
0x161: {  	[sflag:s3] =	ssyncadd.s32 $0xFFFFC000  }
0x162: {  	[spmem:s13] =	stream.indirect.scatter.add.f32 [tilespmem:s1], [sflag:$0x3], $0x80, s29, s30, $0xb8;
	[tilespmem:$0x1E800] =	vst v63  }
0x163: {  	_ =	swait.ge [sflag:s18], $0x4000  }
0x164: {  	[sflag:s18] =	ssyncset.done $0x0  }
0x165: {  	[sflag:s18] =	ssyncadd.s32 $0xFFFFC000  }
0x166: {  	_ =	swait.ge [sflag:s4], $0x4000  }
.Ltmp4:
0x167: {  	[sflag:s4] =	ssyncset.done $0x0;
	(pc) =	sbr.rel @p1 .LBB2_7-.Ltmp4, $4  }
0x168: {  	[sflag:s4] =	ssyncadd.s32 $0xFFFFC000  }
0x169: {  	[spmem:s13] =	stream.indirect.scatter.add.f32 [tilespmem:s2], [sflag:$0x3], $0x80, s31, s30, $0xb8;
	[tilespmem:$0x1E800] =	vst v63  }
0x16a: {  	_ =	swait.ge [sflag:s18], $0x4000  }
0x16b: {  	[sflag:s18] =	ssyncset.done $0x0  }
.LBB2_8:
0x16c: {  	[sflag:s18] =	ssyncadd.s32 $0xFFFFC000  }
0x16d: {  	[bflag:$0x0] =	sbarrier.arrive $0xFFFF  }
0x16e: {  	[tilespmem:s10], [sflag:$0x3] =	stream.linear.gather [spmem:s16], $0x2000, $0x38;
	[tilespmem:$0x1E800] =	vst v63  }
0x16f: {  	_ =	swait.ge [sflag:s18], $0x2000  }
0x170: {  	[sflag:s18] =	ssyncset.done $0x0  }
0x171: {  	s19 =	rddreg [dreg:$0x3];
	[sflag:s18] =	ssyncadd.s32 $0xFFFFE000  }
0x172: {  	[hbm4b:s19+s9] =	stream.linear.scatter [tilespmem:s10], [sflag:$0x3], $0x2000, $0x38;
	[tilespmem:$0x1E800] =	vst v63  }
0x173: {  	_ =	swait.ge [sflag:s18], $0x2000  }
0x174: {  	[sflag:s18] =	ssyncset.done $0x0  }
0x175: {  	s28 =	rddreg [dreg:$0x11];
	[sflag:s18] =	ssyncadd.s32 $0xFFFFE000  }
0x176: {  	[tilespmem:s10], [sflag:$0x3] =	stream.linear.gather [spmem:s28], $0x2000, $0x38;
	[tilespmem:$0x1E800] =	vst v63  }
0x177: {  	_ =	swait.ge [sflag:s18], $0x2000  }
0x178: {  	[sflag:s18] =	ssyncset.done $0x0  }
0x179: {  	s25 =	rddreg [dreg:$0x4];
	[sflag:s18] =	ssyncadd.s32 $0xFFFFE000  }
0x17a: {  	[hbm4b:s25+s9] =	stream.linear.scatter [tilespmem:s10], [sflag:$0x3], $0x2000, $0x38;
	[tilespmem:$0x1E800] =	vst v63  }
0x17b: {  	_ =	swait.ge [sflag:s18], $0x2000  }
0x17c: {  	[sflag:s18] =	ssyncset.done $0x0  }
0x17d: {  	s28 =	rddreg [dreg:$0x13];
	[sflag:s18] =	ssyncadd.s32 $0xFFFFE000  }
0x17e: {  	[tilespmem:s10], [sflag:$0x3] =	stream.linear.gather [spmem:s28], $0x2000, $0x38;
	[tilespmem:$0x1E800] =	vst v63  }
0x17f: {  	_ =	swait.ge [sflag:s18], $0x2000  }
0x180: {  	[sflag:s18] =	ssyncset.done $0x0  }
0x181: {  	s25 =	rddreg [dreg:$0x5];
	[sflag:s18] =	ssyncadd.s32 $0xFFFFE000  }
0x182: {  	[hbm4b:s25+s9] =	stream.linear.scatter [tilespmem:s10], [sflag:$0x3], $0x2000, $0x38;
	[tilespmem:$0x1E800] =	vst v63  }
0x183: {  	_ =	swait.ge [sflag:s18], $0x2000  }
0x184: {  	[sflag:s18] =	ssyncset.done $0x0  }
0x185: {  	s28 =	rddreg [dreg:$0x15];
	[sflag:s18] =	ssyncadd.s32 $0xFFFFE000  }
0x186: {  	[tilespmem:s10], [sflag:$0x3] =	stream.linear.gather [spmem:s28], $0x2000, $0x38;
	[tilespmem:$0x1E800] =	vst v63  }
0x187: {  	_ =	swait.ge [sflag:s18], $0x2000  }
0x188: {  	[sflag:s18] =	ssyncset.done $0x0  }
0x189: {  	s25 =	rddreg [dreg:$0x6];
	[sflag:s18] =	ssyncadd.s32 $0xFFFFE000  }
0x18a: {  	[hbm4b:s25+s9] =	stream.linear.scatter [tilespmem:s10], [sflag:$0x3], $0x2000, $0x38;
	[tilespmem:$0x1E800] =	vst v63  }
0x18b: {  	_ =	swait.ge [sflag:s18], $0x2000  }
0x18c: {  	[sflag:s18] =	ssyncset.done $0x0  }
0x18d: {  	s28 =	rddreg [dreg:$0x17];
	[sflag:s18] =	ssyncadd.s32 $0xFFFFE000  }
0x18e: {  	[tilespmem:s10], [sflag:$0x3] =	stream.linear.gather [spmem:s28], $0x2000, $0x38;
	[tilespmem:$0x1E800] =	vst v63  }
0x18f: {  	_ =	swait.ge [sflag:s18], $0x2000  }
0x190: {  	[sflag:s18] =	ssyncset.done $0x0  }
0x191: {  	s25 =	rddreg [dreg:$0x7];
	[sflag:s18] =	ssyncadd.s32 $0xFFFFE000  }
0x192: {  	[hbm4b:s25+s9] =	stream.linear.scatter [tilespmem:s10], [sflag:$0x3], $0x2000, $0x38;
	[tilespmem:$0x1E800] =	vst v63  }
0x193: {  	_ =	swait.ge [sflag:s18], $0x2000  }
0x194: {  	[sflag:s18] =	ssyncset.done $0x0  }
0x195: {  	s28 =	rddreg [dreg:$0x19];
	[sflag:s18] =	ssyncadd.s32 $0xFFFFE000  }
0x196: {  	[tilespmem:s10], [sflag:$0x3] =	stream.linear.gather [spmem:s28], $0x2000, $0x38;
	[tilespmem:$0x1E800] =	vst v63  }
0x197: {  	_ =	swait.ge [sflag:s18], $0x2000  }
0x198: {  	[sflag:s18] =	ssyncset.done $0x0  }
0x199: {  	s25 =	rddreg [dreg:$0x8];
	[sflag:s18] =	ssyncadd.s32 $0xFFFFE000  }
0x19a: {  	[hbm4b:s25+s9] =	stream.linear.scatter [tilespmem:s10], [sflag:$0x3], $0x2000, $0x38;
	[tilespmem:$0x1E800] =	vst v63  }
0x19b: {  	_ =	swait.ge [sflag:s18], $0x2000  }
0x19c: {  	[sflag:s18] =	ssyncset.done $0x0  }
0x19d: {  	s28 =	rddreg [dreg:$0x1b];
	[sflag:s18] =	ssyncadd.s32 $0xFFFFE000  }
0x19e: {  	[tilespmem:s10], [sflag:$0x3] =	stream.linear.gather [spmem:s28], $0x2000, $0x38;
	[tilespmem:$0x1E800] =	vst v63  }
0x19f: {  	_ =	swait.ge [sflag:s18], $0x2000  }
0x1a0: {  	[sflag:s18] =	ssyncset.done $0x0  }
0x1a1: {  	s25 =	rddreg [dreg:$0x9];
	[sflag:s18] =	ssyncadd.s32 $0xFFFFE000  }
0x1a2: {  	[hbm4b:s25+s9] =	stream.linear.scatter [tilespmem:s10], [sflag:$0x3], $0x2000, $0x38;
	[tilespmem:$0x1E800] =	vst v63  }
0x1a3: {  	_ =	swait.ge [sflag:s18], $0x2000  }
0x1a4: {  	[sflag:s18] =	ssyncset.done $0x0  }
0x1a5: {  	s28 =	rddreg [dreg:$0x1d];
	[sflag:s18] =	ssyncadd.s32 $0xFFFFE000  }
0x1a6: {  	[tilespmem:s10], [sflag:$0x3] =	stream.linear.gather [spmem:s28], $0x2000, $0x38;
	[tilespmem:$0x1E800] =	vst v63  }
0x1a7: {  	_ =	swait.ge [sflag:s18], $0x2000  }
0x1a8: {  	[sflag:s18] =	ssyncset.done $0x0  }
0x1a9: {  	s25 =	rddreg [dreg:$0xa];
	[sflag:s18] =	ssyncadd.s32 $0xFFFFE000  }
0x1aa: {  	[hbm4b:s25+s9] =	stream.linear.scatter [tilespmem:s10], [sflag:$0x3], $0x2000, $0x38;
	[tilespmem:$0x1E800] =	vst v63  }
0x1ab: {  	_ =	swait.ge [sflag:s18], $0x2000  }
0x1ac: {  	[sflag:s18] =	ssyncset.done $0x0  }
0x1ad: {  	s28 =	rddreg [dreg:$0x1f];
	[sflag:s18] =	ssyncadd.s32 $0xFFFFE000  }
0x1ae: {  	[tilespmem:s10], [sflag:$0x3] =	stream.linear.gather [spmem:s28], $0x2000, $0x38;
	[tilespmem:$0x1E800] =	vst v63  }
0x1af: {  	_ =	swait.ge [sflag:s18], $0x2000  }
0x1b0: {  	[sflag:s18] =	ssyncset.done $0x0  }
0x1b1: {  	s25 =	rddreg [dreg:$0xb];
	[sflag:s18] =	ssyncadd.s32 $0xFFFFE000  }
0x1b2: {  	[hbm4b:s25+s9] =	stream.linear.scatter [tilespmem:s10], [sflag:$0x3], $0x2000, $0x38;
	[tilespmem:$0x1E800] =	vst v63  }
0x1b3: {  	_ =	swait.ge [sflag:s18], $0x2000  }
0x1b4: {  	s28 =	sld [smem:$0x7F4]  }
0x1b5: {  	[sflag:s18] =	ssyncset.done $0x0  }
0x1b6: {  	[sflag:s18] =	ssyncadd.s32 $0xFFFFE000  }
0x1b7: {  	[tilespmem:s10], [sflag:$0x3] =	stream.linear.gather [spmem:s28], $0x2000, $0x38;
	[tilespmem:$0x1E800] =	vst v63  }
0x1b8: {  	_ =	swait.ge [sflag:s18], $0x2000  }
0x1b9: {  	[sflag:s18] =	ssyncset.done $0x0  }
0x1ba: {  	s25 =	rddreg [dreg:$0xc];
	[sflag:s18] =	ssyncadd.s32 $0xFFFFE000  }
0x1bb: {  	[hbm4b:s25+s9] =	stream.linear.scatter [tilespmem:s10], [sflag:$0x3], $0x2000, $0x38;
	[tilespmem:$0x1E800] =	vst v63  }
0x1bc: {  	_ =	swait.ge [sflag:s18], $0x2000  }
0x1bd: {  	s0 =	sadd.s32 $0x1, s0;
	s28 =	rddreg [dreg:$0xe]  }
0x1be: {  	p1 =	sne.s32 s0, s28  }
.Ltmp5:
0x1bf: {  	_ = 	snop;
	(pc) =	sbr.rel @p1 .LBB2_1-.Ltmp5, $3  }
0x1c0: {  	_ =	sdelay $0x1  }
0x1c1: {  	[sflag:s18] =	ssyncset.done $0x0  }
0x1c2: {  	[sflag:s18] =	ssyncadd.s32 $0xFFFFE000  }
0x1c3: {  	_ =	sfence.sel $0x180000  }
0x1c4: {  	[bflag:$0x0] =	sbarrier.arrive $0xFFFF  }
0x1c5: {  	_ =	strace $0x9000004A  }
0x1c6: {  	s0 =	stileid.u32;
	[bflag:$0x2] =	sbarrier.arrive $0xFFFF  }
0x1c7: {  	p0 =	sne.s32 s0, $0x0;
	s0 =	rddreg [dreg:$0x2]  }
0x1c8: {  	s0 =	sadd.s32 @!p0 $0x100000, s0  }
0x1c9: {  	[sflag:s0] =	ssyncadd.tile.s32 @!p0 $0x1;
	_ =	shalt  }
.Lfunc_end2:
_tile_overlayer_lowered:
.L_overlay_start_2:
0x1ca: {  	(tag) =	ssettag $0x2  }
0x1cb: {  	s0 =	rddreg [dreg:$0x0];
	s2 =	stileid.u32  }
0x1cc: {  	s1 =	rddreg [dreg:$0x1];
	p0 =	sne.s32 s2, $0x0  }
0x1cd: {  	s3 =	rddreg [dreg:$0x2];
	[bflag:$0x3] =	sbarrier.arrive $0xFFFF;
	s2 =	simm.s32 @!p0 $0x1C03  }
0x1ce: {  	[timem:s3], [sflag:s2] =	dma.local @!p0 [hbm:s0], s1  }
0x1cf: {  	s0 =	simm.s32 @!p0 $0x3  }
0x1d0: {  	_ =	swait.ge @!p0 [sflag:s0], s1  }
0x1d1: {  	s1 =	ssub.s32 @!p0 $0x0, s1;
	[sflag:s0] =	ssyncset.done @!p0 $0x0  }
0x1d2: {  	[sflag:s0] =	ssyncadd.s32 @!p0 s1  }
0x1d3: {  	[bflag:$0x3] =	sbarrier.arrive $0xFFFF  }
0x1d4: {  	_ =	shalt  }

// kernel: kernel.14.cloned.1.call-start
scs
__scs_entry_jumppad:
0x0: {  	(pc) =	sbr.rel $0x88, $3  }
0x1: {  	(tag) =	ssettag $0x0;
	lr =	simm.s32 $0x1  }
0x2: {  	[smem:$0x3F9B] =	sst lr;
	_ =	strace $0xD0000000  }
0x3: {  	_ = 	snop  }
0x4: {  	_ = 	snop  }
0x5: {  	_ = 	snop  }
0x6: {  	_ = 	snop  }
0x7: {  	_ = 	snop  }
__scs_overlays_trampoline_lowered:
0x8: {  	[smem:$0x3FAA] =	sst s0  }
0x9: {  	[smem:$0x3FAB] =	sst s1  }
0xa: {  	[smem:$0x3FAC] =	sst s2  }
0xb: {  	[smem:$0x3FAD] =	sst s3  }
0xc: {  	[smem:$0x3FAE] =	sst s4  }
0xd: {  	[smem:$0x3FAF] =	sst s5  }
0xe: {  	[smem:$0x3FB0] =	sst s6  }
0xf: {  	[smem:$0x3FB1] =	sst s7  }
0x10: {  	[smem:$0x3FB2] =	sst s8  }
0x11: {  	[smem:$0x3FB3] =	sst s9;
	s0 =	simm.s32 @!p0 $0x0  }
0x12: {  	s1 =	sld [smem:$0x3F99];
	s0 =	simm.s32 @p0 $0x1  }
0x13: {  	[smem:$0x3FB4] =	sst s0;
	s0 =	simm.s32 @!p1 $0x0  }
0x14: {  	s2 =	sld [smem:$0x3F98];
	s0 =	simm.s32 @p1 $0x1  }
0x15: {  	[smem:$0x3FB5] =	sst s0;
	s0 =	simm.s32 @!p2 $0x0  }
0x16: {  	s3 =	sld [smem:$0x3FDB];
	s0 =	simm.s32 @p2 $0x1  }
0x17: {  	s4 =	simm.s32 $0x1BF5;
	[smem:$0x3FB7] =	sst s0  }
0x18: {  	s0 =	sld [smem:$0x3F9A];
	_ =	swait.ge [sflag:s4], $0x0  }
0x19: {  	s7 =	sld [smem:$0x3F9B]  }
0x1a: {  	s8 =	sadd.s32 $0xFFFFE003, lr  }
0x1b: {  	s9 =	sadd.s32 $0xFFFFFEF7, lr;
	s5 =	simm.s32 $0xFFFFFFFF;
	p2 =	slt.u32 s8, $0xFFFFF086  }
0x1c: {  	p1 =	slt.u32 s9, $0xF7A;
	s5 =	simm.s32 @!p2 $0x0  }
0x1d: {  	s5 =	simm.s32 @p1 $0x1;
	p0 =	seq.s32 s7, s2  }
0x1e: {  	s7 =	smul.u32 @!p0 $0xF7A, s2;
	p2 =	seq.s32 @!p0 s5, $0x0  }
0x1f: {  	s9 =	smul.u32 $0xF7A, s1;
	s8 =	simm.s32 @!p0 $0x1BF5;
	p2 =	por !p2, p0  }
0x20: {  	[sflag:s8] =	ssyncset.s32 @!p0 $0xFFFFF086;
	s6 =	sadd.s32 @!p0 s3, s7;
	s7 =	simm.s32 @!p0 $0x108  }
0x21: {  	s3 =	sadd.s32 s3, s9;
	s6 =	sadd.s32 @!p0 $0x88, s6;
	s7 =	simm.s32 @p2 $0x1082  }
0x22: {  	[simem:s7], [sflag:s8] =	dma.local @!p0 [hbm:s6], $0xF7A  }
0x23: {  	s9 =	sor.u32 $0xD0000000, s2;
	s6 =	simm.s32 $0x108;
	_ =	swait.ge @!p0 [sflag:s8], $0x0  }
0x24: {  	s3 =	sadd.s32 $0x88, s3;
	s6 =	simm.s32 @!p1 $0x1082;
	[sflag:s4] =	ssyncset.s32 $0xFFFFF086  }
0x25: {  	[simem:s6], [sflag:s4] =	dma.local [hbm:s3], $0xF7A  }
0x26: {  	[smem:$0x3F9B] =	sst s1;
	(tag) =	ssettag s2;
	_ =	strace s9  }
0x27: {  	s1 =	sld [smem:$0x3FAB]  }
0x28: {  	s2 =	sld [smem:$0x3FAC]  }
0x29: {  	s4 =	sld [smem:$0x3FAE]  }
0x2a: {  	p0 =	seq.s32 s5, $0x0;
	s5 =	sld [smem:$0x3FAF]  }
0x2b: {  	s6 =	sld [smem:$0x3FB0]  }
0x2c: {  	s7 =	sld [smem:$0x3FB1]  }
0x2d: {  	s3 =	simm.s32 $0x108;
	s8 =	sld [smem:$0x3FB2]  }
0x2e: {  	s3 =	simm.s32 @!p0 $0x1082;
	s9 =	sld [smem:$0x3FB3]  }
0x2f: {  	lr =	sadd.s32 s0, s3;
	s0 =	sld [smem:$0x3FAA]  }
0x30: {  	s3 =	sld [smem:$0x3FAD]  }
0x31: {  	[smem:$0x3FB6] =	sst s10  }
0x32: {  	s10 =	sld [smem:$0x3FB4];
	_ =	sdelay $0x3  }
0x33: {  	p0 =	seq.s32 s10, $0x1;
	s10 =	sld [smem:$0x3FB6];
	_ =	sdelay $0x3  }
0x34: {  	[smem:$0x3FB6] =	sst s10  }
0x35: {  	s10 =	sld [smem:$0x3FB5];
	_ =	sdelay $0x3  }
0x36: {  	p1 =	seq.s32 s10, $0x1;
	s10 =	sld [smem:$0x3FB6];
	_ =	sdelay $0x3  }
0x37: {  	[smem:$0x3FB6] =	sst s10  }
0x38: {  	s10 =	sld [smem:$0x3FB7]  }
0x39: {  	_ = 	snop;
	(pc) =	sbr.ind lr, $3  }
0x3a: {  	_ = 	snop  }
0x3b: {  	_ = 	snop  }
0x3c: {  	p2 =	seq.s32 s10, $0x1;
	s10 =	sld [smem:$0x3FB6]  }
0x3d: {  	_ =	shalt  }
0x3e: {  	_ =	shalt  }
0x3f: {  	_ =	shalt  }
0x40: {  	_ =	shalt  }
0x41: {  	_ =	shalt  }
0x42: {  	_ =	shalt  }
0x43: {  	_ =	shalt  }
0x44: {  	_ =	shalt  }
0x45: {  	_ =	shalt  }
0x46: {  	_ =	shalt  }
0x47: {  	_ =	shalt  }
0x48: {  	_ =	shalt  }
0x49: {  	_ =	shalt  }
0x4a: {  	_ =	shalt  }
0x4b: {  	_ =	shalt  }
0x4c: {  	_ =	shalt  }
0x4d: {  	_ =	shalt  }
0x4e: {  	_ =	shalt  }
0x4f: {  	_ =	shalt  }
0x50: {  	_ =	shalt  }
0x51: {  	_ =	shalt  }
0x52: {  	_ =	shalt  }
0x53: {  	_ =	shalt  }
0x54: {  	_ =	shalt  }
0x55: {  	_ =	shalt  }
0x56: {  	_ =	shalt  }
0x57: {  	_ =	shalt  }
0x58: {  	_ =	shalt  }
0x59: {  	_ =	shalt  }
0x5a: {  	_ =	shalt  }
0x5b: {  	_ =	shalt  }
0x5c: {  	_ =	shalt  }
0x5d: {  	_ =	shalt  }
0x5e: {  	_ =	shalt  }
0x5f: {  	_ =	shalt  }
0x60: {  	_ =	shalt  }
0x61: {  	_ =	shalt  }
0x62: {  	_ =	shalt  }
0x63: {  	_ =	shalt  }
0x64: {  	_ =	shalt  }
0x65: {  	_ =	shalt  }
0x66: {  	_ =	shalt  }
0x67: {  	_ =	shalt  }
0x68: {  	_ =	shalt  }
0x69: {  	_ =	shalt  }
0x6a: {  	_ =	shalt  }
0x6b: {  	_ =	shalt  }
0x6c: {  	_ =	shalt  }
0x6d: {  	_ =	shalt  }
0x6e: {  	_ =	shalt  }
0x6f: {  	_ =	shalt  }
0x70: {  	_ =	shalt  }
0x71: {  	_ =	shalt  }
0x72: {  	_ =	shalt  }
0x73: {  	_ =	shalt  }
0x74: {  	_ =	shalt  }
0x75: {  	_ =	shalt  }
0x76: {  	_ =	shalt  }
0x77: {  	_ =	shalt  }
0x78: {  	_ =	shalt  }
0x79: {  	_ =	shalt  }
0x7a: {  	_ =	shalt  }
0x7b: {  	_ =	shalt  }
0x7c: {  	_ =	shalt  }
0x7d: {  	_ =	shalt  }
0x7e: {  	_ =	shalt  }
0x7f: {  	_ =	shalt  }
0x80: {  	_ =	shalt  }
0x81: {  	_ =	shalt  }
0x82: {  	_ =	shalt  }
0x83: {  	_ =	shalt  }
0x84: {  	_ =	shalt  }
0x85: {  	_ =	shalt  }
0x86: {  	_ =	shalt  }
0x87: {  	_ =	shalt  }
.Lfunc_end0:
.L_simem_size_0:
called_computation.2_lowered:
.L_overlay_start_0:
0x88: {  	s2 =	sld [smem:$0x3FD9]  }
0x89: {  	s3 =	sld [smem:$0x3FFE];
	_ =	sdelay $0x1  }
0x8a: {  	s1 =	srdreg.scid  }
0x8b: {  	s0 =	sand.u32 $0x1, s1  }
0x8c: {  	s16 =	sshll.u32 s0, $0xA;
	s2 =	sadd.s32 s3, s2  }
0x8d: {  	s2 =	sadd.s32 s2, s16  }
0x8e: {  	[smem:$0x3FC2] =	sst s2  }
0x8f: {  	_ = 	snop  }
0x90: {  	(tm) =	ssettm $0x1  }
0x91: {  	s17 =	sld [smem:$0x3FFB];
	_ =	sdelay $0x3  }
0x92: {  	_ =	strace s17  }
0x93: {  	s2 =	sld [smem:$0x3FFC];
	_ =	sdelay $0x3  }
0x94: {  	_ =	strace s2  }
0x95: {  	s2 =	sld [smem:$0x3FFD];
	_ =	sdelay $0x3  }
0x96: {  	_ =	strace s2  }
0x97: {  	_ =	strace $0x8FFFFFFF  }
0x98: {  	s18 =	sld [smem:$0x3FDB];
	_ =	sdelay $0x1  }
0x99: {  	s19 =	simm.s32 $_scs_section_size  }
0x9a: {  	s4 =	simm.s32 $_size__tile_overlayer_lowered;
	s5 =	simm.s32 $_tile_overlayer_lowered  }
0x9b: {  	s22 =	simm.s32 $0x1BFF;
	s21 =	sshll.u32 s5, $0x1;
	s2 =	sadd.s32 s19, s18  }
0x9c: {  	s6 =	simm.s32 $0x0;
	s20 =	sshll.u32 s4, $0x1;
	s4 =	sadd.s32 s21, s2  }
0x9d: {  	[timem:s6], [sflag:s22] =	dma.local [hbm:s4], s20  }
0x9e: {  	_ =	swait.ge [sflag:s22], s20  }
0x9f: {  	s3 =	ssub.s32 $0x0, s20;
	[sflag:s22] =	ssyncset.done $0x0  }
0xa0: {  	[sflag:s22] =	ssyncadd.s32 s3;
	_ =	sdelay $0x1  }
0xa1: {  	s23 =	simm.s32 $0x1B8B  }
0xa2: {  	_ =	swait.ge [sflag:s23], $0x1  }
0xa3: {  	[sflag:s23] =	ssyncset.done $0x0  }
0xa4: {  	s25 =	simm.s32 $0x1B8E;
	s24 =	sld [smem:$0x3FFE];
	[sflag:s23] =	ssyncadd.s32 $0xFFFFFFFF  }
0xa5: {  	s26 =	simm.s32 $execute0_lowered;
	[smem:$0x3FD2] =	sst s25  }
0xa6: {  	s4 =	sshll.u32 s26, $0x1;
	_ =	strace $0x8000004C;
	[dreg:$0x1] =	wrdreg $0xFFFFFFFF  }
0xa7: {  	s28 =	simm.s32 $_size_execute0_lowered;
	s2 =	sadd.s32 s2, s4;
	[dreg:$0x0] =	wrdreg $0x0  }
0xa8: {  	s4 =	sshll.u32 s28, $0x1;
	[dreg:$0x2] =	wrdreg s2  }
0xa9: {  	[dreg:$0x3] =	wrdreg s4  }
0xaa: {  	[dreg:$0x4] =	wrdreg $0xC0  }
0xab: {  	_ =	task [dreg:s6], $0x5FFFF  }
0xac: {  	[dreg:$0x1] =	wrdreg $0xFFFFFFFF  }
0xad: {  	[dreg:$0x0] =	wrdreg $0x60  }
0xae: {  	[dreg:$0x2] =	wrdreg s24  }
0xaf: {  	[dreg:$0x3] =	wrdreg $0xA8000  }
0xb0: {  	[dreg:$0x4] =	wrdreg $0x9  }
0xb1: {  	_ =	task.clear_ibuf [dreg:s6], $0x5FFFF;
	_ =	strace $0x9000004C  }
0xb2: {  	s29 =	simm.s32 $0x9;
	_ =	strace $0x8000004E  }
0xb3: {  	_ =	swait.ge [sflag:s29], $0x1  }
0xb4: {  	[sflag:s29] =	ssyncadd.s32 $0xFFFFFFFF  }
0xb5: {  	_ =	strace $0x9000004E  }
0xb6: {  	_ =	sfence  }
0xb7: {  	s30 =	sld [smem:$0x0];
	_ =	sdelay $0x2  }
0xb8: {  	s31 =	sshll.u32 s1, $0xD;
	s1 =	sshrl.u32 s1, $0x2  }
0xb9: {  	s3 =	sand.u32 $0x4000, s31;
	s1 =	sadd.s32 s1, s30  }
0xba: {  	s0 =	sor.u32 s3, s0;
	s1 =	sshll.u32 s1, $0x11  }
0xbb: {  	s0 =	sor.u32 s1, s0  }
0xbc: {  	s0 =	sadd.s32 $0x8F2B, s0  }
0xbd: {  	[sflag:s0] =	ssyncadd.remote.s32 $0x1  }
0xbe: {  	_ =	sfence.sel $0xFFFF  }
0xbf: {  	[dreg:$0x0] =	wrdreg $0xFFFFFFFF;
	(pc) =	sbr.abs _section_cstart, $3  }
0xc0: {  	[dreg:$0x1] =	wrdreg $0xFFFFFFFF  }
0xc1: {  	_ =	task.clear_ibuf [dreg:s6], $0x2FFFF;
	_ =	strace $0x9FFFFFFF  }
0xc2: {  	(tm) =	ssettm $0x7FFFFFFF  }
0xc3: {  	_ =	shalt  }
tec
execute0_lowered:
.L_overlay_start_1:
0x0: {  	(tag) =	ssettag $0x1  }
0x1: {  	s26 =	stileid.u32  }
0x2: {  	s0 =	srdreg.scid;
	s1 =	smul.u32 $0x28, s26  }
0x3: {  	s2 =	rddreg [dreg:$0x0];
	s13 =	sand.u32 $0x1, s0;
	s0 =	smul.u32 $0x78, s26  }
0x4: {  	s30 =	simm.s32 $0x80;
	s29 =	simm.s32 $0x700;
	s9 =	smul.u32 $0x280, s26  }
0x5: {  	s31 =	simm.s32 $0x780;
	s16 =	sadd.s32 $0x3E000, s2;
	s22 =	smul.u32 $0x14000, s26  }
0x6: {  	p1 =	seq.s32 s13, $0x0;
	s20 =	ssub.s32 $0x2, s13;
	p0 =	sne.s32 s13, $0x0  }
0x7: {  	s15 =	sadd.s32 $0x780, s1;
	s21 =	sshrl.u32 s20, $0x1;
	s19 =	sor.u32 $0x40, s9  }
0x8: {  	s14 =	sadd.s32 $0x80, s9;
	s7 =	sadd.s32 $0xC0, s9;
	s12 =	sadd.s32 $0x100, s9  }
0x9: {  	s6 =	sadd.s32 $0x140, s9;
	s10 =	sadd.s32 $0x180, s9;
	s4 =	sadd.s32 $0x1C0, s9  }
0xa: {  	s1 =	sadd.s32 $0x200, s9;
	s15 =	smov.u32 @p1 s0;
	s17 =	ssub.s32 s20, s21  }
0xb: {  	s20 =	smul.u32 $0x140000, s13;
	s18 =	sshll.u32 s19, $0x7;
	s11 =	sshll.u32 s14, $0x7  }
0xc: {  	s5 =	sshll.u32 s7, $0x7;
	s8 =	sshll.u32 s12, $0x7;
	s3 =	sshll.u32 s6, $0x7  }
0xd: {  	s0 =	sadd.s32 $0x240, s9;
	s13 =	rddreg [dreg:$0x1];
	s6 =	sshll.u32 s6, $0x4  }
0xe: {  	s15 =	sshll.u32 s15, $0x4;
	s17 =	smax.u32 s17, $0x1;
	s21 =	sadd.s32 s20, s22  }
0xf: {  	s24 =	sadd.s32 s20, s18;
	s28 =	sadd.s32 s20, s11;
	s22 =	sadd.s32 s20, s5  }
0x10: {  	s5 =	sadd.s32 s5, s13;
	s23 =	sshrl.u32 s21, $0x3;
	s25 =	sshrl.u32 s24, $0x3  }
0x11: {  	s21 =	sshrl.u32 s28, $0x3;
	s24 =	sadd.s32 s20, s8;
	s28 =	sadd.s32 s20, s3  }
0x12: {  	s3 =	sadd.s32 s3, s13;
	s9 =	sadd.s32 s16, s23;
	s23 =	sshrl.u32 s22, $0x3  }
0x13: {  	[dreg:$0x3] =	wrdreg s9;
	s9 =	sadd.s32 s16, s25;
	s25 =	sshrl.u32 s24, $0x3  }
0x14: {  	[dreg:$0x4] =	wrdreg s9;
	s9 =	sadd.s32 s16, s21;
	s21 =	sshll.u32 s10, $0x7  }
0x15: {  	[dreg:$0x5] =	wrdreg s9;
	s9 =	sadd.s32 s16, s23;
	s22 =	sadd.s32 s20, s21  }
0x16: {  	s23 =	sshll.u32 s4, $0x7;
	[dreg:$0x6] =	wrdreg s9;
	s9 =	sadd.s32 s16, s25  }
0x17: {  	s22 =	sshrl.u32 s22, $0x3;
	s24 =	sadd.s32 s20, s23;
	[dreg:$0x7] =	wrdreg s9  }
0x18: {  	s9 =	sshrl.u32 s28, $0x3;
	s22 =	sadd.s32 s16, s22;
	s28 =	smul.u32 $0x50000, s26  }
0x19: {  	s9 =	sadd.s32 s16, s9;
	[dreg:$0x9] =	wrdreg s22;
	s22 =	sshll.u32 s1, $0x7  }
0x1a: {  	[dreg:$0x8] =	wrdreg s9;
	s9 =	sshrl.u32 s24, $0x3;
	s25 =	sadd.s32 s20, s22  }
0x1b: {  	s24 =	sshll.u32 s0, $0x7;
	s9 =	sadd.s32 s16, s9;
	s25 =	sshrl.u32 s25, $0x3  }
0x1c: {  	s20 =	sadd.s32 s20, s24;
	[dreg:$0xa] =	wrdreg s9;
	s25 =	sadd.s32 s16, s25  }
0x1d: {  	s20 =	sshrl.u32 s20, $0x3;
	s9 =	simm.s32 $0x0;
	[dreg:$0xb] =	wrdreg s25  }
0x1e: {  	s16 =	sadd.s32 s16, s20;
	[smem:$0x7FF] =	sst s9;
	s20 =	simm.s32 $0xF  }
0x1f: {  	s25 =	sshrl.u32 s28, $0x2;
	[dreg:$0xc] =	wrdreg s16;
	s20 =	simm.s32 @!p1 $0x5  }
0x20: {  	s28 =	smul.u32 $0x2800, s26;
	s26 =	sshll.u32 s19, $0x4;
	[dreg:$0xd] =	wrdreg s20  }
0x21: {  	s19 =	sadd.s32 s18, s13;
	_ =	strace $0x8000004D;
	[dreg:$0xe] =	wrdreg s17  }
0x22: {  	s1 =	sshll.u32 s1, $0x4;
	s16 =	sadd.s32 s25, s13;
	[dreg:$0x11] =	wrdreg s19  }
0x23: {  	s25 =	sshll.u32 s7, $0x4;
	s7 =	sadd.s32 s8, s13;
	[dreg:$0x15] =	wrdreg s5  }
0x24: {  	s0 =	sshll.u32 s0, $0x4;
	s20 =	sadd.s32 s15, s2;
	[dreg:$0x17] =	wrdreg s7  }
0x25: {  	s15 =	sadd.s32 $0x16000, s2;
	s18 =	sadd.s32 $0x2000, s16;
	[dreg:$0x19] =	wrdreg s3  }
0x26: {  	s8 =	sshll.u32 s10, $0x4;
	s28 =	sadd.s32 s15, s28;
	[smem:$0x7F5] =	sst s18  }
0x27: {  	s10 =	sshll.u32 s4, $0x4;
	s2 =	sadd.s32 s15, s26;
	[dreg:$0xf] =	wrdreg s28  }
0x28: {  	s4 =	simm.s32 $0x2;
	s26 =	sadd.s32 s11, s13;
	[dreg:$0x10] =	wrdreg s2  }
0x29: {  	s17 =	sshll.u32 s14, $0x4;
	s11 =	sadd.s32 s21, s13;
	[dreg:$0x13] =	wrdreg s26  }
0x2a: {  	s1 =	sadd.s32 s15, s1;
	s14 =	sadd.s32 s22, s13;
	[dreg:$0x1b] =	wrdreg s11  }
0x2b: {  	s0 =	sadd.s32 s15, s0;
	s19 =	sadd.s32 $0x4000, s16;
	[dreg:$0x1e] =	wrdreg s1  }
0x2c: {  	s21 =	sadd.s32 $0x8000, s16;
	s22 =	sadd.s32 $0xA000, s16;
	[dreg:$0x1f] =	wrdreg s14  }
0x2d: {  	s18 =	simm.s32 $0x3;
	s3 =	simm.s32 $0x1;
	[smem:$0x7F3] =	sst s0  }
0x2e: {  	s5 =	simm.s32 $0x480;
	s7 =	simm.s32 $0x180;
	[smem:$0x7F6] =	sst s19  }
0x2f: {  	s2 =	sadd.s32 s15, s17;
	s28 =	sshll.u32 s12, $0x4;
	[smem:$0x7F8] =	sst s21  }
0x30: {  	s12 =	sadd.s32 s23, s13;
	s17 =	sadd.s32 s24, s13;
	[smem:$0x7F9] =	sst s22  }
0x31: {  	s23 =	sadd.s32 $0x2000, s20;
	s14 =	sadd.s32 $0xC000, s20;
	[dreg:$0x12] =	wrdreg s2  }
0x32: {  	s20 =	sadd.s32 $0x6000, s16;
	s24 =	sadd.s32 $0xC000, s16;
	[dreg:$0x1d] =	wrdreg s12  }
0x33: {  	s26 =	sadd.s32 $0x10000, s16;
	s21 =	simm.s32 $0x400;
	[smem:$0x7F4] =	sst s17  }
0x34: {  	s1 =	simm.s32 $0x800;
	s11 =	simm.s32 $0x580;
	[smem:$0x7F7] =	sst s20  }
0x35: {  	s22 =	simm.s32 $0x680;
	s0 =	simm.s32 $0x0;
	[smem:$0x7FA] =	sst s24  }
0x36: {  	s2 =	sadd.s32 s15, s25;
	s25 =	sadd.s32 $0xE000, s16;
	[smem:$0x7FC] =	sst s26  }
0x37: {  	s12 =	simm.s32 $0x200;
	s17 =	simm.s32 $0x280;
	[dreg:$0x14] =	wrdreg s2  }
0x38: {  	s20 =	simm.s32 $0x600;
	s2 =	sadd.s32 s15, s28;
	[smem:$0x7FB] =	sst s25  }
0x39: {  	s24 =	simm.s32 $0x300;
	s28 =	sadd.s32 $0x12000, s16;
	[dreg:$0x16] =	wrdreg s2  }
0x3a: {  	s26 =	simm.s32 $0x380;
	s2 =	sadd.s32 s15, s6;
	[smem:$0x7FD] =	sst s28  }
0x3b: {  	s6 =	simm.s32 $0x100;
	[dreg:$0x18] =	wrdreg s2;
	s2 =	sadd.s32 s15, s8  }
0x3c: {  	s8 =	simm.s32 $0x500;
	[dreg:$0x1a] =	wrdreg s2;
	s2 =	sadd.s32 s15, s10  }
0x3d: {  	v0 =	vimm.f32 $0.0e+00;
	s10 =	simm.s32 $0x8800;
	[dreg:$0x1c] =	wrdreg s2;
	s2 =	simm.s32 $0x4800  }
.LBB2_1:
.Ltmp0:
0x3e: {  	(pc) =	sbr.rel @p0 .LBB2_3-.Ltmp0, $1  }
0x3f: {  	_ =	sdelay $0x3  }
0x40: {  	s19 =	rddreg [dreg:$0xf]  }
0x41: {  	[tilespmem:s10], [sflag:$0x3] =	stream.linear.gather [hbm4b:s19+s9], $0x2000, $0x38;
	[tilespmem:$0x1E800] =	vst v63  }
0x42: {  	_ =	swait.ge [sflag:s18], $0x2000  }
0x43: {  	[sflag:s18] =	ssyncset.done $0x0  }
0x44: {  	[sflag:s18] =	ssyncadd.s32 $0xFFFFE000  }
0x45: {  	[spmem:s16] =	stream.linear.scatter [tilespmem:s10], [sflag:$0x3], $0x2000, $0x38;
	[tilespmem:$0x1E800] =	vst v63  }
0x46: {  	_ =	swait.ge [sflag:s18], $0x2000  }
0x47: {  	[sflag:s18] =	ssyncset.done $0x0  }
0x48: {  	s25 =	rddreg [dreg:$0x10];
	[sflag:s18] =	ssyncadd.s32 $0xFFFFE000  }
0x49: {  	[tilespmem:s10], [sflag:$0x3] =	stream.linear.gather [hbm4b:s25+s9], $0x2000, $0x38;
	[tilespmem:$0x1E800] =	vst v63  }
0x4a: {  	_ =	swait.ge [sflag:s18], $0x2000  }
0x4b: {  	[sflag:s18] =	ssyncset.done $0x0  }
0x4c: {  	s28 =	rddreg [dreg:$0x11];
	[sflag:s18] =	ssyncadd.s32 $0xFFFFE000  }
0x4d: {  	[spmem:s28] =	stream.linear.scatter [tilespmem:s10], [sflag:$0x3], $0x2000, $0x38;
	[tilespmem:$0x1E800] =	vst v63  }
0x4e: {  	_ =	swait.ge [sflag:s18], $0x2000  }
0x4f: {  	[sflag:s18] =	ssyncset.done $0x0  }
0x50: {  	s25 =	rddreg [dreg:$0x12];
	[sflag:s18] =	ssyncadd.s32 $0xFFFFE000  }
0x51: {  	[tilespmem:s10], [sflag:$0x3] =	stream.linear.gather [hbm4b:s25+s9], $0x2000, $0x38;
	[tilespmem:$0x1E800] =	vst v63  }
0x52: {  	_ =	swait.ge [sflag:s18], $0x2000  }
0x53: {  	[sflag:s18] =	ssyncset.done $0x0  }
0x54: {  	s28 =	rddreg [dreg:$0x13];
	[sflag:s18] =	ssyncadd.s32 $0xFFFFE000  }
0x55: {  	[spmem:s28] =	stream.linear.scatter [tilespmem:s10], [sflag:$0x3], $0x2000, $0x38;
	[tilespmem:$0x1E800] =	vst v63  }
0x56: {  	_ =	swait.ge [sflag:s18], $0x2000  }
0x57: {  	[sflag:s18] =	ssyncset.done $0x0  }
0x58: {  	s25 =	rddreg [dreg:$0x14];
	[sflag:s18] =	ssyncadd.s32 $0xFFFFE000  }
0x59: {  	[tilespmem:s10], [sflag:$0x3] =	stream.linear.gather [hbm4b:s25+s9], $0x2000, $0x38;
	[tilespmem:$0x1E800] =	vst v63  }
0x5a: {  	_ =	swait.ge [sflag:s18], $0x2000  }
0x5b: {  	[sflag:s18] =	ssyncset.done $0x0  }
0x5c: {  	s28 =	rddreg [dreg:$0x15];
	[sflag:s18] =	ssyncadd.s32 $0xFFFFE000  }
0x5d: {  	[spmem:s28] =	stream.linear.scatter [tilespmem:s10], [sflag:$0x3], $0x2000, $0x38;
	[tilespmem:$0x1E800] =	vst v63  }
0x5e: {  	_ =	swait.ge [sflag:s18], $0x2000  }
0x5f: {  	[sflag:s18] =	ssyncset.done $0x0  }
0x60: {  	s25 =	rddreg [dreg:$0x16];
	[sflag:s18] =	ssyncadd.s32 $0xFFFFE000  }
0x61: {  	[tilespmem:s10], [sflag:$0x3] =	stream.linear.gather [hbm4b:s25+s9], $0x2000, $0x38;
	[tilespmem:$0x1E800] =	vst v63  }
0x62: {  	_ =	swait.ge [sflag:s18], $0x2000  }
0x63: {  	[sflag:s18] =	ssyncset.done $0x0  }
0x64: {  	s28 =	rddreg [dreg:$0x17];
	[sflag:s18] =	ssyncadd.s32 $0xFFFFE000  }
0x65: {  	[spmem:s28] =	stream.linear.scatter [tilespmem:s10], [sflag:$0x3], $0x2000, $0x38;
	[tilespmem:$0x1E800] =	vst v63  }
0x66: {  	_ =	swait.ge [sflag:s18], $0x2000  }
0x67: {  	[sflag:s18] =	ssyncset.done $0x0  }
0x68: {  	s25 =	rddreg [dreg:$0x18];
	[sflag:s18] =	ssyncadd.s32 $0xFFFFE000  }
0x69: {  	[tilespmem:s10], [sflag:$0x3] =	stream.linear.gather [hbm4b:s25+s9], $0x2000, $0x38;
	[tilespmem:$0x1E800] =	vst v63  }
0x6a: {  	_ =	swait.ge [sflag:s18], $0x2000  }
0x6b: {  	[sflag:s18] =	ssyncset.done $0x0  }
0x6c: {  	s28 =	rddreg [dreg:$0x19];
	[sflag:s18] =	ssyncadd.s32 $0xFFFFE000  }
0x6d: {  	[spmem:s28] =	stream.linear.scatter [tilespmem:s10], [sflag:$0x3], $0x2000, $0x38;
	[tilespmem:$0x1E800] =	vst v63  }
0x6e: {  	_ =	swait.ge [sflag:s18], $0x2000  }
0x6f: {  	[sflag:s18] =	ssyncset.done $0x0  }
0x70: {  	s25 =	rddreg [dreg:$0x1a];
	[sflag:s18] =	ssyncadd.s32 $0xFFFFE000  }
0x71: {  	[tilespmem:s10], [sflag:$0x3] =	stream.linear.gather [hbm4b:s25+s9], $0x2000, $0x38;
	[tilespmem:$0x1E800] =	vst v63  }
0x72: {  	_ =	swait.ge [sflag:s18], $0x2000  }
0x73: {  	[sflag:s18] =	ssyncset.done $0x0  }
0x74: {  	s28 =	rddreg [dreg:$0x1b];
	[sflag:s18] =	ssyncadd.s32 $0xFFFFE000  }
0x75: {  	[spmem:s28] =	stream.linear.scatter [tilespmem:s10], [sflag:$0x3], $0x2000, $0x38;
	[tilespmem:$0x1E800] =	vst v63  }
0x76: {  	_ =	swait.ge [sflag:s18], $0x2000  }
0x77: {  	[sflag:s18] =	ssyncset.done $0x0  }
0x78: {  	s25 =	rddreg [dreg:$0x1c];
	[sflag:s18] =	ssyncadd.s32 $0xFFFFE000  }
0x79: {  	[tilespmem:s10], [sflag:$0x3] =	stream.linear.gather [hbm4b:s25+s9], $0x2000, $0x38;
	[tilespmem:$0x1E800] =	vst v63  }
0x7a: {  	_ =	swait.ge [sflag:s18], $0x2000  }
0x7b: {  	[sflag:s18] =	ssyncset.done $0x0  }
0x7c: {  	s28 =	rddreg [dreg:$0x1d];
	[sflag:s18] =	ssyncadd.s32 $0xFFFFE000  }
0x7d: {  	[spmem:s28] =	stream.linear.scatter [tilespmem:s10], [sflag:$0x3], $0x2000, $0x38;
	[tilespmem:$0x1E800] =	vst v63  }
0x7e: {  	_ =	swait.ge [sflag:s18], $0x2000  }
0x7f: {  	[sflag:s18] =	ssyncset.done $0x0  }
0x80: {  	s25 =	rddreg [dreg:$0x1e];
	[sflag:s18] =	ssyncadd.s32 $0xFFFFE000  }
0x81: {  	[tilespmem:s10], [sflag:$0x3] =	stream.linear.gather [hbm4b:s25+s9], $0x2000, $0x38;
	[tilespmem:$0x1E800] =	vst v63  }
0x82: {  	_ =	swait.ge [sflag:s18], $0x2000  }
0x83: {  	[sflag:s18] =	ssyncset.done $0x0  }
0x84: {  	s28 =	rddreg [dreg:$0x1f];
	[sflag:s18] =	ssyncadd.s32 $0xFFFFE000  }
0x85: {  	[spmem:s28] =	stream.linear.scatter [tilespmem:s10], [sflag:$0x3], $0x2000, $0x38;
	[tilespmem:$0x1E800] =	vst v63  }
0x86: {  	_ =	swait.ge [sflag:s18], $0x2000  }
0x87: {  	s25 =	sld [smem:$0x7F3]  }
0x88: {  	[sflag:s18] =	ssyncset.done $0x0  }
0x89: {  	[sflag:s18] =	ssyncadd.s32 $0xFFFFE000  }
0x8a: {  	[tilespmem:s10], [sflag:$0x3] =	stream.linear.gather [hbm4b:s25+s9], $0x2000, $0x38;
	[tilespmem:$0x1E800] =	vst v63  }
.Ltmp1:
0x8b: {  	_ =	swait.ge [sflag:s18], $0x2000;
	(pc) =	sbr.rel .LBB2_6-.Ltmp1, $4  }
0x8c: {  	s28 =	sld [smem:$0x7F4]  }
0x8d: {  	[sflag:s18] =	ssyncset.done $0x0  }
0x8e: {  	[sflag:s18] =	ssyncadd.s32 $0xFFFFE000  }
0x8f: {  	[spmem:s28] =	stream.linear.scatter [tilespmem:s10], [sflag:$0x3], $0x2000, $0x38;
	[tilespmem:$0x1E800] =	vst v63  }
.LBB2_3:
0x90: {  	s19 =	sshra.s32 s9, $0x2;
	s25 =	sadd.s32 $0x200, s9  }
.LBB2_4:
0x91: {  	p1 =	seq.s32 s25, $0x7E00;
	[tilespmem:s19+$0x8870] =	vst v0  }
0x92: {  	[tilespmem:s19+$0x8800] =	vst v0  }
0x93: {  	[tilespmem:s19+$0x8810] =	vst v0  }
.Ltmp2:
0x94: {  	[tilespmem:s19+$0x8820] =	vst v0;
	(pc) =	sbr.rel @!p1 .LBB2_4-.Ltmp2, $4  }
0x95: {  	[tilespmem:s19+$0x8830] =	vst v0  }
0x96: {  	[tilespmem:s19+$0x8840] =	vst v0  }
0x97: {  	[tilespmem:s19+$0x8850] =	vst v0  }
0x98: {  	[tilespmem:s19+$0x8860] =	vst v0;
	s19 =	sshra.s32 s25, $0x2;
	s25 =	sadd.s32 $0x200, s25  }
0x99: {  	[tilespmem:s19+$0x8870] =	vst v0  }
0x9a: {  	[tilespmem:s19+$0x8800] =	vst v0  }
0x9b: {  	[tilespmem:s19+$0x8810] =	vst v0  }
0x9c: {  	[tilespmem:s19+$0x8820] =	vst v0  }
0x9d: {  	[tilespmem:s19+$0x8830] =	vst v0  }
0x9e: {  	[tilespmem:s19+$0x8840] =	vst v0  }
0x9f: {  	[tilespmem:s19+$0x8850] =	vst v0  }
0xa0: {  	[tilespmem:s19+$0x8860] =	vst v0  }
0xa1: {  	[spmem:s16] =	stream.linear.scatter [tilespmem:s10], [sflag:$0x3], $0x2000, $0x38;
	[tilespmem:$0x1E800] =	vst v63  }
0xa2: {  	_ =	swait.ge [sflag:s18], $0x2000  }
0xa3: {  	s28 =	sld [smem:$0x7F5]  }
0xa4: {  	[sflag:s18] =	ssyncset.done $0x0  }
0xa5: {  	[sflag:s18] =	ssyncadd.s32 $0xFFFFE000  }
0xa6: {  	[spmem:s28] =	stream.linear.scatter [tilespmem:s10], [sflag:$0x3], $0x2000, $0x38;
	[tilespmem:$0x1E800] =	vst v63  }
0xa7: {  	_ =	swait.ge [sflag:s18], $0x2000  }
0xa8: {  	s25 =	sld [smem:$0x7F6]  }
0xa9: {  	[sflag:s18] =	ssyncset.done $0x0  }
0xaa: {  	[sflag:s18] =	ssyncadd.s32 $0xFFFFE000  }
0xab: {  	[spmem:s25] =	stream.linear.scatter [tilespmem:s10], [sflag:$0x3], $0x2000, $0x38;
	[tilespmem:$0x1E800] =	vst v63  }
0xac: {  	_ =	swait.ge [sflag:s18], $0x2000  }
0xad: {  	s28 =	sld [smem:$0x7F7]  }
0xae: {  	[sflag:s18] =	ssyncset.done $0x0  }
0xaf: {  	[sflag:s18] =	ssyncadd.s32 $0xFFFFE000  }
0xb0: {  	[spmem:s28] =	stream.linear.scatter [tilespmem:s10], [sflag:$0x3], $0x2000, $0x38;
	[tilespmem:$0x1E800] =	vst v63  }
0xb1: {  	_ =	swait.ge [sflag:s18], $0x2000  }
0xb2: {  	s25 =	sld [smem:$0x7F8]  }
0xb3: {  	[sflag:s18] =	ssyncset.done $0x0  }
0xb4: {  	[sflag:s18] =	ssyncadd.s32 $0xFFFFE000  }
0xb5: {  	[spmem:s25] =	stream.linear.scatter [tilespmem:s10], [sflag:$0x3], $0x2000, $0x38;
	[tilespmem:$0x1E800] =	vst v63  }
0xb6: {  	_ =	swait.ge [sflag:s18], $0x2000  }
0xb7: {  	s28 =	sld [smem:$0x7F9]  }
0xb8: {  	[sflag:s18] =	ssyncset.done $0x0  }
0xb9: {  	[sflag:s18] =	ssyncadd.s32 $0xFFFFE000  }
0xba: {  	[spmem:s28] =	stream.linear.scatter [tilespmem:s10], [sflag:$0x3], $0x2000, $0x38;
	[tilespmem:$0x1E800] =	vst v63  }
0xbb: {  	_ =	swait.ge [sflag:s18], $0x2000  }
0xbc: {  	s25 =	sld [smem:$0x7FA]  }
0xbd: {  	[sflag:s18] =	ssyncset.done $0x0  }
0xbe: {  	[sflag:s18] =	ssyncadd.s32 $0xFFFFE000  }
0xbf: {  	[spmem:s25] =	stream.linear.scatter [tilespmem:s10], [sflag:$0x3], $0x2000, $0x38;
	[tilespmem:$0x1E800] =	vst v63  }
0xc0: {  	_ =	swait.ge [sflag:s18], $0x2000  }
0xc1: {  	s28 =	sld [smem:$0x7FB]  }
0xc2: {  	[sflag:s18] =	ssyncset.done $0x0  }
0xc3: {  	[sflag:s18] =	ssyncadd.s32 $0xFFFFE000  }
0xc4: {  	[spmem:s28] =	stream.linear.scatter [tilespmem:s10], [sflag:$0x3], $0x2000, $0x38;
	[tilespmem:$0x1E800] =	vst v63  }
0xc5: {  	_ =	swait.ge [sflag:s18], $0x2000  }
0xc6: {  	s25 =	sld [smem:$0x7FC]  }
0xc7: {  	[sflag:s18] =	ssyncset.done $0x0  }
0xc8: {  	[sflag:s18] =	ssyncadd.s32 $0xFFFFE000  }
0xc9: {  	[spmem:s25] =	stream.linear.scatter [tilespmem:s10], [sflag:$0x3], $0x2000, $0x38;
	[tilespmem:$0x1E800] =	vst v63  }
0xca: {  	_ =	swait.ge [sflag:s18], $0x2000  }
0xcb: {  	s28 =	sld [smem:$0x7FD]  }
0xcc: {  	[sflag:s18] =	ssyncset.done $0x0  }
0xcd: {  	[sflag:s18] =	ssyncadd.s32 $0xFFFFE000  }
0xce: {  	[spmem:s28] =	stream.linear.scatter [tilespmem:s10], [sflag:$0x3], $0x2000, $0x38;
	[tilespmem:$0x1E800] =	vst v63  }
.LBB2_6:
0xcf: {  	_ =	swait.ge [sflag:s18], $0x2000  }
0xd0: {  	[sflag:s18] =	ssyncset.done $0x0  }
0xd1: {  	[sflag:s18] =	ssyncadd.s32 $0xFFFFE000  }
0xd2: {  	[bflag:$0x0] =	sbarrier.arrive $0xFFFF  }
0xd3: {  	[tilespmem:s9], [sflag:$0x3] =	stream.linear.gather [hbm4b:s14+s9], $0x400, $0x38;
	[tilespmem:$0x1E800] =	vst v63  }
0xd4: {  	_ =	swait.ge [sflag:s18], $0x400  }
0xd5: {  	[sflag:s18] =	ssyncset.done $0x0  }
0xd6: {  	[sflag:s18] =	ssyncadd.s32 $0xFFFFFC00  }
0xd7: {  	[tilespmem:s21], [sflag:$0x3] =	stream.linear.gather [hbm4b:s23+s9], $0x400, $0x38;
	[tilespmem:$0x1E800] =	vst v63  }
0xd8: {  	_ =	swait.ge [sflag:s18], $0x400  }
0xd9: {  	[sflag:s18] =	ssyncset.done $0x0  }
0xda: {  	[sflag:s18] =	ssyncadd.s32 $0xFFFFFC00  }
0xdb: {  	[tilespmem:s1], [sflag:$0x1] =	stream.indirect.gather [hbm4b:s15+s30], $0x80, s9, s30, $0xb8;
	[tilespmem:$0x1E800] =	vst v63  }
0xdc: {  	_ = 	snop  }
0xdd: {  	[tilespmem:s2], [sflag:$0x2] =	stream.indirect.gather [hbm4b:s15+s30], $0x80, s30, s30, $0xb8;
	[tilespmem:$0x1E800] =	vst v63  }
0xde: {  	_ =	swait.ge [sflag:s3], $0x4000  }
0xdf: {  	[sflag:s3] =	ssyncset.done $0x0  }
0xe0: {  	[sflag:s3] =	ssyncadd.s32 $0xFFFFC000  }
0xe1: {  	[spmem:s13] =	stream.indirect.scatter.add.f32 [tilespmem:s1], [sflag:$0x3], $0x80, s21, s30, $0xb8;
	[tilespmem:$0x1E800] =	vst v63  }
0xe2: {  	_ =	swait.ge [sflag:s18], $0x4000  }
0xe3: {  	[sflag:s18] =	ssyncset.done $0x0  }
0xe4: {  	[sflag:s18] =	ssyncadd.s32 $0xFFFFC000  }
0xe5: {  	_ =	swait.ge [sflag:s4], $0x4000  }
0xe6: {  	[sflag:s4] =	ssyncset.done $0x0  }
0xe7: {  	[sflag:s4] =	ssyncadd.s32 $0xFFFFC000  }
0xe8: {  	[spmem:s13] =	stream.indirect.scatter.add.f32 [tilespmem:s2], [sflag:$0x3], $0x80, s5, s30, $0xb8;
	[tilespmem:$0x1E800] =	vst v63  }
0xe9: {  	_ =	swait.ge [sflag:s18], $0x4000  }
0xea: {  	[sflag:s18] =	ssyncset.done $0x0  }
0xeb: {  	[sflag:s18] =	ssyncadd.s32 $0xFFFFC000  }
0xec: {  	[tilespmem:s1], [sflag:$0x1] =	stream.indirect.gather [hbm4b:s15+s30], $0x80, s6, s30, $0xb8;
	[tilespmem:$0x1E800] =	vst v63  }
0xed: {  	_ = 	snop  }
0xee: {  	[tilespmem:s2], [sflag:$0x2] =	stream.indirect.gather [hbm4b:s15+s30], $0x80, s7, s30, $0xb8;
	[tilespmem:$0x1E800] =	vst v63  }
0xef: {  	_ =	swait.ge [sflag:s3], $0x4000  }
0xf0: {  	[sflag:s3] =	ssyncset.done $0x0  }
0xf1: {  	[sflag:s3] =	ssyncadd.s32 $0xFFFFC000  }
0xf2: {  	[spmem:s13] =	stream.indirect.scatter.add.f32 [tilespmem:s1], [sflag:$0x3], $0x80, s8, s30, $0xb8;
	[tilespmem:$0x1E800] =	vst v63  }
0xf3: {  	_ =	swait.ge [sflag:s18], $0x4000  }
0xf4: {  	[sflag:s18] =	ssyncset.done $0x0  }
0xf5: {  	[sflag:s18] =	ssyncadd.s32 $0xFFFFC000  }
0xf6: {  	_ =	swait.ge [sflag:s4], $0x4000  }
0xf7: {  	[sflag:s4] =	ssyncset.done $0x0  }
0xf8: {  	[sflag:s4] =	ssyncadd.s32 $0xFFFFC000  }
0xf9: {  	[spmem:s13] =	stream.indirect.scatter.add.f32 [tilespmem:s2], [sflag:$0x3], $0x80, s11, s30, $0xb8;
	[tilespmem:$0x1E800] =	vst v63  }
0xfa: {  	_ =	swait.ge [sflag:s18], $0x4000  }
0xfb: {  	[sflag:s18] =	ssyncset.done $0x0  }
0xfc: {  	[sflag:s18] =	ssyncadd.s32 $0xFFFFC000  }
0xfd: {  	[tilespmem:s1], [sflag:$0x1] =	stream.indirect.gather [hbm4b:s15+s30], $0x80, s12, s30, $0xb8;
	[tilespmem:$0x1E800] =	vst v63  }
0xfe: {  	_ = 	snop  }
0xff: {  	[tilespmem:s2], [sflag:$0x2] =	stream.indirect.gather [hbm4b:s15+s30], $0x80, s17, s30, $0xb8;
	[tilespmem:$0x1E800] =	vst v63  }
0x100: {  	_ =	swait.ge [sflag:s3], $0x4000  }
0x101: {  	[sflag:s3] =	ssyncset.done $0x0  }
0x102: {  	[sflag:s3] =	ssyncadd.s32 $0xFFFFC000  }
0x103: {  	[spmem:s13] =	stream.indirect.scatter.add.f32 [tilespmem:s1], [sflag:$0x3], $0x80, s20, s30, $0xb8;
	[tilespmem:$0x1E800] =	vst v63  }
0x104: {  	_ =	swait.ge [sflag:s18], $0x4000  }
0x105: {  	[sflag:s18] =	ssyncset.done $0x0  }
0x106: {  	[sflag:s18] =	ssyncadd.s32 $0xFFFFC000  }
0x107: {  	_ =	swait.ge [sflag:s4], $0x4000  }
0x108: {  	[sflag:s4] =	ssyncset.done $0x0  }
0x109: {  	[sflag:s4] =	ssyncadd.s32 $0xFFFFC000  }
0x10a: {  	[spmem:s13] =	stream.indirect.scatter.add.f32 [tilespmem:s2], [sflag:$0x3], $0x80, s22, s30, $0xb8;
	[tilespmem:$0x1E800] =	vst v63  }
0x10b: {  	_ =	swait.ge [sflag:s18], $0x4000  }
0x10c: {  	[sflag:s18] =	ssyncset.done $0x0  }
0x10d: {  	[sflag:s18] =	ssyncadd.s32 $0xFFFFC000  }
0x10e: {  	[tilespmem:s1], [sflag:$0x1] =	stream.indirect.gather [hbm4b:s15+s30], $0x80, s24, s30, $0xb8;
	[tilespmem:$0x1E800] =	vst v63  }
0x10f: {  	_ = 	snop  }
0x110: {  	[tilespmem:s2], [sflag:$0x2] =	stream.indirect.gather [hbm4b:s15+s30], $0x80, s26, s30, $0xb8;
	[tilespmem:$0x1E800] =	vst v63  }
0x111: {  	_ =	swait.ge [sflag:s3], $0x4000  }
0x112: {  	[sflag:s3] =	ssyncset.done $0x0  }
0x113: {  	[sflag:s3] =	ssyncadd.s32 $0xFFFFC000  }
0x114: {  	[spmem:s13] =	stream.indirect.scatter.add.f32 [tilespmem:s1], [sflag:$0x3], $0x80, s29, s30, $0xb8;
	[tilespmem:$0x1E800] =	vst v63  }
0x115: {  	_ =	swait.ge [sflag:s18], $0x4000  }
0x116: {  	[sflag:s18] =	ssyncset.done $0x0  }
0x117: {  	[sflag:s18] =	ssyncadd.s32 $0xFFFFC000  }
0x118: {  	_ =	swait.ge [sflag:s4], $0x4000  }
0x119: {  	s19 =	rddreg [dreg:$0xd]  }
0x11a: {  	p1 =	sne.s32 s19, $0x1  }
.Ltmp3:
0x11b: {  	[sflag:s4] =	ssyncset.done $0x0;
	(pc) =	sbr.rel @!p1 .LBB2_8-.Ltmp3, $4  }
0x11c: {  	[sflag:s4] =	ssyncadd.s32 $0xFFFFC000  }
0x11d: {  	[spmem:s13] =	stream.indirect.scatter.add.f32 [tilespmem:s2], [sflag:$0x3], $0x80, s31, s30, $0xb8;
	[tilespmem:$0x1E800] =	vst v63  }
0x11e: {  	s25 =	smov.u32 s23;
	_ =	swait.ge [sflag:s18], $0x4000  }
0x11f: {  	s28 =	smov.u32 s14;
	s19 =	sadd.s32 $0xFFFFFFFF, s19;
	[sflag:s18] =	ssyncset.done $0x0  }
.LBB2_7:
0x120: {  	[sflag:s18] =	ssyncadd.s32 $0xFFFFC000;
	s25 =	sadd.s32 $0x80, s25;
	s28 =	sadd.s32 $0x80, s28  }
0x121: {  	[tilespmem:s9], [sflag:$0x3] =	stream.linear.gather [hbm4b:s28+s9], $0x400, $0x38;
	[tilespmem:$0x1E800] =	vst v63  }
0x122: {  	p1 =	sne.s32 s19, $0x1;
	s19 =	sadd.s32 $0xFFFFFFFF, s19;
	_ =	swait.ge [sflag:s18], $0x400  }
0x123: {  	[sflag:s18] =	ssyncset.done $0x0  }
0x124: {  	[sflag:s18] =	ssyncadd.s32 $0xFFFFFC00  }
0x125: {  	[tilespmem:s21], [sflag:$0x3] =	stream.linear.gather [hbm4b:s25+s9], $0x400, $0x38;
	[tilespmem:$0x1E800] =	vst v63  }
0x126: {  	_ =	swait.ge [sflag:s18], $0x400  }
0x127: {  	[sflag:s18] =	ssyncset.done $0x0  }
0x128: {  	[sflag:s18] =	ssyncadd.s32 $0xFFFFFC00  }
0x129: {  	[tilespmem:s1], [sflag:$0x1] =	stream.indirect.gather [hbm4b:s15+s30], $0x80, s9, s30, $0xb8;
	[tilespmem:$0x1E800] =	vst v63  }
0x12a: {  	_ = 	snop  }
0x12b: {  	[tilespmem:s2], [sflag:$0x2] =	stream.indirect.gather [hbm4b:s15+s30], $0x80, s30, s30, $0xb8;
	[tilespmem:$0x1E800] =	vst v63  }
0x12c: {  	_ =	swait.ge [sflag:s3], $0x4000  }
0x12d: {  	[sflag:s3] =	ssyncset.done $0x0  }
0x12e: {  	[sflag:s3] =	ssyncadd.s32 $0xFFFFC000  }
0x12f: {  	[spmem:s13] =	stream.indirect.scatter.add.f32 [tilespmem:s1], [sflag:$0x3], $0x80, s21, s30, $0xb8;
	[tilespmem:$0x1E800] =	vst v63  }
0x130: {  	_ =	swait.ge [sflag:s18], $0x4000  }
0x131: {  	[sflag:s18] =	ssyncset.done $0x0  }
0x132: {  	[sflag:s18] =	ssyncadd.s32 $0xFFFFC000  }
0x133: {  	_ =	swait.ge [sflag:s4], $0x4000  }
0x134: {  	[sflag:s4] =	ssyncset.done $0x0  }
0x135: {  	[sflag:s4] =	ssyncadd.s32 $0xFFFFC000  }
0x136: {  	[spmem:s13] =	stream.indirect.scatter.add.f32 [tilespmem:s2], [sflag:$0x3], $0x80, s5, s30, $0xb8;
	[tilespmem:$0x1E800] =	vst v63  }
0x137: {  	_ =	swait.ge [sflag:s18], $0x4000  }
0x138: {  	[sflag:s18] =	ssyncset.done $0x0  }
0x139: {  	[sflag:s18] =	ssyncadd.s32 $0xFFFFC000  }
0x13a: {  	[tilespmem:s1], [sflag:$0x1] =	stream.indirect.gather [hbm4b:s15+s30], $0x80, s6, s30, $0xb8;
	[tilespmem:$0x1E800] =	vst v63  }
0x13b: {  	_ = 	snop  }
0x13c: {  	[tilespmem:s2], [sflag:$0x2] =	stream.indirect.gather [hbm4b:s15+s30], $0x80, s7, s30, $0xb8;
	[tilespmem:$0x1E800] =	vst v63  }
0x13d: {  	_ =	swait.ge [sflag:s3], $0x4000  }
0x13e: {  	[sflag:s3] =	ssyncset.done $0x0  }
0x13f: {  	[sflag:s3] =	ssyncadd.s32 $0xFFFFC000  }
0x140: {  	[spmem:s13] =	stream.indirect.scatter.add.f32 [tilespmem:s1], [sflag:$0x3], $0x80, s8, s30, $0xb8;
	[tilespmem:$0x1E800] =	vst v63  }
0x141: {  	_ =	swait.ge [sflag:s18], $0x4000  }
0x142: {  	[sflag:s18] =	ssyncset.done $0x0  }
0x143: {  	[sflag:s18] =	ssyncadd.s32 $0xFFFFC000  }
0x144: {  	_ =	swait.ge [sflag:s4], $0x4000  }
0x145: {  	[sflag:s4] =	ssyncset.done $0x0  }
0x146: {  	[sflag:s4] =	ssyncadd.s32 $0xFFFFC000  }
0x147: {  	[spmem:s13] =	stream.indirect.scatter.add.f32 [tilespmem:s2], [sflag:$0x3], $0x80, s11, s30, $0xb8;
	[tilespmem:$0x1E800] =	vst v63  }
0x148: {  	_ =	swait.ge [sflag:s18], $0x4000  }
0x149: {  	[sflag:s18] =	ssyncset.done $0x0  }
0x14a: {  	[sflag:s18] =	ssyncadd.s32 $0xFFFFC000  }
0x14b: {  	[tilespmem:s1], [sflag:$0x1] =	stream.indirect.gather [hbm4b:s15+s30], $0x80, s12, s30, $0xb8;
	[tilespmem:$0x1E800] =	vst v63  }
0x14c: {  	_ = 	snop  }
0x14d: {  	[tilespmem:s2], [sflag:$0x2] =	stream.indirect.gather [hbm4b:s15+s30], $0x80, s17, s30, $0xb8;
	[tilespmem:$0x1E800] =	vst v63  }
0x14e: {  	_ =	swait.ge [sflag:s3], $0x4000  }
0x14f: {  	[sflag:s3] =	ssyncset.done $0x0  }
0x150: {  	[sflag:s3] =	ssyncadd.s32 $0xFFFFC000  }
0x151: {  	[spmem:s13] =	stream.indirect.scatter.add.f32 [tilespmem:s1], [sflag:$0x3], $0x80, s20, s30, $0xb8;
	[tilespmem:$0x1E800] =	vst v63  }
0x152: {  	_ =	swait.ge [sflag:s18], $0x4000  }
0x153: {  	[sflag:s18] =	ssyncset.done $0x0  }
0x154: {  	[sflag:s18] =	ssyncadd.s32 $0xFFFFC000  }
0x155: {  	_ =	swait.ge [sflag:s4], $0x4000  }
0x156: {  	[sflag:s4] =	ssyncset.done $0x0  }
0x157: {  	[sflag:s4] =	ssyncadd.s32 $0xFFFFC000  }
0x158: {  	[spmem:s13] =	stream.indirect.scatter.add.f32 [tilespmem:s2], [sflag:$0x3], $0x80, s22, s30, $0xb8;
	[tilespmem:$0x1E800] =	vst v63  }
0x159: {  	_ =	swait.ge [sflag:s18], $0x4000  }
0x15a: {  	[sflag:s18] =	ssyncset.done $0x0  }
0x15b: {  	[sflag:s18] =	ssyncadd.s32 $0xFFFFC000  }
0x15c: {  	[tilespmem:s1], [sflag:$0x1] =	stream.indirect.gather [hbm4b:s15+s30], $0x80, s24, s30, $0xb8;
	[tilespmem:$0x1E800] =	vst v63  }
0x15d: {  	_ = 	snop  }
0x15e: {  	[tilespmem:s2], [sflag:$0x2] =	stream.indirect.gather [hbm4b:s15+s30], $0x80, s26, s30, $0xb8;
	[tilespmem:$0x1E800] =	vst v63  }
0x15f: {  	_ =	swait.ge [sflag:s3], $0x4000  }
0x160: {  	[sflag:s3] =	ssyncset.done $0x0  }
0x161: {  	[sflag:s3] =	ssyncadd.s32 $0xFFFFC000  }
0x162: {  	[spmem:s13] =	stream.indirect.scatter.add.f32 [tilespmem:s1], [sflag:$0x3], $0x80, s29, s30, $0xb8;
	[tilespmem:$0x1E800] =	vst v63  }
0x163: {  	_ =	swait.ge [sflag:s18], $0x4000  }
0x164: {  	[sflag:s18] =	ssyncset.done $0x0  }
0x165: {  	[sflag:s18] =	ssyncadd.s32 $0xFFFFC000  }
0x166: {  	_ =	swait.ge [sflag:s4], $0x4000  }
.Ltmp4:
0x167: {  	[sflag:s4] =	ssyncset.done $0x0;
	(pc) =	sbr.rel @p1 .LBB2_7-.Ltmp4, $4  }
0x168: {  	[sflag:s4] =	ssyncadd.s32 $0xFFFFC000  }
0x169: {  	[spmem:s13] =	stream.indirect.scatter.add.f32 [tilespmem:s2], [sflag:$0x3], $0x80, s31, s30, $0xb8;
	[tilespmem:$0x1E800] =	vst v63  }
0x16a: {  	_ =	swait.ge [sflag:s18], $0x4000  }
0x16b: {  	[sflag:s18] =	ssyncset.done $0x0  }
.LBB2_8:
0x16c: {  	[sflag:s18] =	ssyncadd.s32 $0xFFFFC000  }
0x16d: {  	[bflag:$0x0] =	sbarrier.arrive $0xFFFF  }
0x16e: {  	[tilespmem:s10], [sflag:$0x3] =	stream.linear.gather [spmem:s16], $0x2000, $0x38;
	[tilespmem:$0x1E800] =	vst v63  }
0x16f: {  	_ =	swait.ge [sflag:s18], $0x2000  }
0x170: {  	[sflag:s18] =	ssyncset.done $0x0  }
0x171: {  	s19 =	rddreg [dreg:$0x3];
	[sflag:s18] =	ssyncadd.s32 $0xFFFFE000  }
0x172: {  	[hbm4b:s19+s9] =	stream.linear.scatter [tilespmem:s10], [sflag:$0x3], $0x2000, $0x38;
	[tilespmem:$0x1E800] =	vst v63  }
0x173: {  	_ =	swait.ge [sflag:s18], $0x2000  }
0x174: {  	[sflag:s18] =	ssyncset.done $0x0  }
0x175: {  	s28 =	rddreg [dreg:$0x11];
	[sflag:s18] =	ssyncadd.s32 $0xFFFFE000  }
0x176: {  	[tilespmem:s10], [sflag:$0x3] =	stream.linear.gather [spmem:s28], $0x2000, $0x38;
	[tilespmem:$0x1E800] =	vst v63  }
0x177: {  	_ =	swait.ge [sflag:s18], $0x2000  }
0x178: {  	[sflag:s18] =	ssyncset.done $0x0  }
0x179: {  	s25 =	rddreg [dreg:$0x4];
	[sflag:s18] =	ssyncadd.s32 $0xFFFFE000  }
0x17a: {  	[hbm4b:s25+s9] =	stream.linear.scatter [tilespmem:s10], [sflag:$0x3], $0x2000, $0x38;
	[tilespmem:$0x1E800] =	vst v63  }
0x17b: {  	_ =	swait.ge [sflag:s18], $0x2000  }
0x17c: {  	[sflag:s18] =	ssyncset.done $0x0  }
0x17d: {  	s28 =	rddreg [dreg:$0x13];
	[sflag:s18] =	ssyncadd.s32 $0xFFFFE000  }
0x17e: {  	[tilespmem:s10], [sflag:$0x3] =	stream.linear.gather [spmem:s28], $0x2000, $0x38;
	[tilespmem:$0x1E800] =	vst v63  }
0x17f: {  	_ =	swait.ge [sflag:s18], $0x2000  }
0x180: {  	[sflag:s18] =	ssyncset.done $0x0  }
0x181: {  	s25 =	rddreg [dreg:$0x5];
	[sflag:s18] =	ssyncadd.s32 $0xFFFFE000  }
0x182: {  	[hbm4b:s25+s9] =	stream.linear.scatter [tilespmem:s10], [sflag:$0x3], $0x2000, $0x38;
	[tilespmem:$0x1E800] =	vst v63  }
0x183: {  	_ =	swait.ge [sflag:s18], $0x2000  }
0x184: {  	[sflag:s18] =	ssyncset.done $0x0  }
0x185: {  	s28 =	rddreg [dreg:$0x15];
	[sflag:s18] =	ssyncadd.s32 $0xFFFFE000  }
0x186: {  	[tilespmem:s10], [sflag:$0x3] =	stream.linear.gather [spmem:s28], $0x2000, $0x38;
	[tilespmem:$0x1E800] =	vst v63  }
0x187: {  	_ =	swait.ge [sflag:s18], $0x2000  }
0x188: {  	[sflag:s18] =	ssyncset.done $0x0  }
0x189: {  	s25 =	rddreg [dreg:$0x6];
	[sflag:s18] =	ssyncadd.s32 $0xFFFFE000  }
0x18a: {  	[hbm4b:s25+s9] =	stream.linear.scatter [tilespmem:s10], [sflag:$0x3], $0x2000, $0x38;
	[tilespmem:$0x1E800] =	vst v63  }
0x18b: {  	_ =	swait.ge [sflag:s18], $0x2000  }
0x18c: {  	[sflag:s18] =	ssyncset.done $0x0  }
0x18d: {  	s28 =	rddreg [dreg:$0x17];
	[sflag:s18] =	ssyncadd.s32 $0xFFFFE000  }
0x18e: {  	[tilespmem:s10], [sflag:$0x3] =	stream.linear.gather [spmem:s28], $0x2000, $0x38;
	[tilespmem:$0x1E800] =	vst v63  }
0x18f: {  	_ =	swait.ge [sflag:s18], $0x2000  }
0x190: {  	[sflag:s18] =	ssyncset.done $0x0  }
0x191: {  	s25 =	rddreg [dreg:$0x7];
	[sflag:s18] =	ssyncadd.s32 $0xFFFFE000  }
0x192: {  	[hbm4b:s25+s9] =	stream.linear.scatter [tilespmem:s10], [sflag:$0x3], $0x2000, $0x38;
	[tilespmem:$0x1E800] =	vst v63  }
0x193: {  	_ =	swait.ge [sflag:s18], $0x2000  }
0x194: {  	[sflag:s18] =	ssyncset.done $0x0  }
0x195: {  	s28 =	rddreg [dreg:$0x19];
	[sflag:s18] =	ssyncadd.s32 $0xFFFFE000  }
0x196: {  	[tilespmem:s10], [sflag:$0x3] =	stream.linear.gather [spmem:s28], $0x2000, $0x38;
	[tilespmem:$0x1E800] =	vst v63  }
0x197: {  	_ =	swait.ge [sflag:s18], $0x2000  }
0x198: {  	[sflag:s18] =	ssyncset.done $0x0  }
0x199: {  	s25 =	rddreg [dreg:$0x8];
	[sflag:s18] =	ssyncadd.s32 $0xFFFFE000  }
0x19a: {  	[hbm4b:s25+s9] =	stream.linear.scatter [tilespmem:s10], [sflag:$0x3], $0x2000, $0x38;
	[tilespmem:$0x1E800] =	vst v63  }
0x19b: {  	_ =	swait.ge [sflag:s18], $0x2000  }
0x19c: {  	[sflag:s18] =	ssyncset.done $0x0  }
0x19d: {  	s28 =	rddreg [dreg:$0x1b];
	[sflag:s18] =	ssyncadd.s32 $0xFFFFE000  }
0x19e: {  	[tilespmem:s10], [sflag:$0x3] =	stream.linear.gather [spmem:s28], $0x2000, $0x38;
	[tilespmem:$0x1E800] =	vst v63  }
0x19f: {  	_ =	swait.ge [sflag:s18], $0x2000  }
0x1a0: {  	[sflag:s18] =	ssyncset.done $0x0  }
0x1a1: {  	s25 =	rddreg [dreg:$0x9];
	[sflag:s18] =	ssyncadd.s32 $0xFFFFE000  }
0x1a2: {  	[hbm4b:s25+s9] =	stream.linear.scatter [tilespmem:s10], [sflag:$0x3], $0x2000, $0x38;
	[tilespmem:$0x1E800] =	vst v63  }
0x1a3: {  	_ =	swait.ge [sflag:s18], $0x2000  }
0x1a4: {  	[sflag:s18] =	ssyncset.done $0x0  }
0x1a5: {  	s28 =	rddreg [dreg:$0x1d];
	[sflag:s18] =	ssyncadd.s32 $0xFFFFE000  }
0x1a6: {  	[tilespmem:s10], [sflag:$0x3] =	stream.linear.gather [spmem:s28], $0x2000, $0x38;
	[tilespmem:$0x1E800] =	vst v63  }
0x1a7: {  	_ =	swait.ge [sflag:s18], $0x2000  }
0x1a8: {  	[sflag:s18] =	ssyncset.done $0x0  }
0x1a9: {  	s25 =	rddreg [dreg:$0xa];
	[sflag:s18] =	ssyncadd.s32 $0xFFFFE000  }
0x1aa: {  	[hbm4b:s25+s9] =	stream.linear.scatter [tilespmem:s10], [sflag:$0x3], $0x2000, $0x38;
	[tilespmem:$0x1E800] =	vst v63  }
0x1ab: {  	_ =	swait.ge [sflag:s18], $0x2000  }
0x1ac: {  	[sflag:s18] =	ssyncset.done $0x0  }
0x1ad: {  	s28 =	rddreg [dreg:$0x1f];
	[sflag:s18] =	ssyncadd.s32 $0xFFFFE000  }
0x1ae: {  	[tilespmem:s10], [sflag:$0x3] =	stream.linear.gather [spmem:s28], $0x2000, $0x38;
	[tilespmem:$0x1E800] =	vst v63  }
0x1af: {  	_ =	swait.ge [sflag:s18], $0x2000  }
0x1b0: {  	[sflag:s18] =	ssyncset.done $0x0  }
0x1b1: {  	s25 =	rddreg [dreg:$0xb];
	[sflag:s18] =	ssyncadd.s32 $0xFFFFE000  }
0x1b2: {  	[hbm4b:s25+s9] =	stream.linear.scatter [tilespmem:s10], [sflag:$0x3], $0x2000, $0x38;
	[tilespmem:$0x1E800] =	vst v63  }
0x1b3: {  	_ =	swait.ge [sflag:s18], $0x2000  }
0x1b4: {  	s28 =	sld [smem:$0x7F4]  }
0x1b5: {  	[sflag:s18] =	ssyncset.done $0x0  }
0x1b6: {  	[sflag:s18] =	ssyncadd.s32 $0xFFFFE000  }
0x1b7: {  	[tilespmem:s10], [sflag:$0x3] =	stream.linear.gather [spmem:s28], $0x2000, $0x38;
	[tilespmem:$0x1E800] =	vst v63  }
0x1b8: {  	_ =	swait.ge [sflag:s18], $0x2000  }
0x1b9: {  	[sflag:s18] =	ssyncset.done $0x0  }
0x1ba: {  	s25 =	rddreg [dreg:$0xc];
	[sflag:s18] =	ssyncadd.s32 $0xFFFFE000  }
0x1bb: {  	[hbm4b:s25+s9] =	stream.linear.scatter [tilespmem:s10], [sflag:$0x3], $0x2000, $0x38;
	[tilespmem:$0x1E800] =	vst v63  }
0x1bc: {  	_ =	swait.ge [sflag:s18], $0x2000  }
0x1bd: {  	s0 =	sadd.s32 $0x1, s0;
	s28 =	rddreg [dreg:$0xe]  }
0x1be: {  	p1 =	sne.s32 s0, s28  }
.Ltmp5:
0x1bf: {  	_ = 	snop;
	(pc) =	sbr.rel @p1 .LBB2_1-.Ltmp5, $3  }
0x1c0: {  	_ =	sdelay $0x1  }
0x1c1: {  	[sflag:s18] =	ssyncset.done $0x0  }
0x1c2: {  	[sflag:s18] =	ssyncadd.s32 $0xFFFFE000  }
0x1c3: {  	_ =	sfence.sel $0x180000  }
0x1c4: {  	[bflag:$0x0] =	sbarrier.arrive $0xFFFF  }
0x1c5: {  	_ =	strace $0x9000004D  }
0x1c6: {  	s0 =	stileid.u32;
	[bflag:$0x2] =	sbarrier.arrive $0xFFFF  }
0x1c7: {  	p0 =	sne.s32 s0, $0x0;
	s0 =	rddreg [dreg:$0x2]  }
0x1c8: {  	s0 =	sadd.s32 @!p0 $0x100000, s0  }
0x1c9: {  	[sflag:s0] =	ssyncadd.tile.s32 @!p0 $0x1;
	_ =	shalt  }
.Lfunc_end2:
_tile_overlayer_lowered:
.L_overlay_start_2:
0x1ca: {  	(tag) =	ssettag $0x2  }
0x1cb: {  	s0 =	rddreg [dreg:$0x0];
	s2 =	stileid.u32  }
0x1cc: {  	s1 =	rddreg [dreg:$0x1];
	p0 =	sne.s32 s2, $0x0  }
0x1cd: {  	s3 =	rddreg [dreg:$0x2];
	[bflag:$0x3] =	sbarrier.arrive $0xFFFF;
	s2 =	simm.s32 @!p0 $0x1C03  }
0x1ce: {  	[timem:s3], [sflag:s2] =	dma.local @!p0 [hbm:s0], s1  }
0x1cf: {  	s0 =	simm.s32 @!p0 $0x3  }
0x1d0: {  	_ =	swait.ge @!p0 [sflag:s0], s1  }
0x1d1: {  	s1 =	ssub.s32 @!p0 $0x0, s1;
	[sflag:s0] =	ssyncset.done @!p0 $0x0  }
0x1d2: {  	[sflag:s0] =	ssyncadd.s32 @!p0 s1  }
0x1d3: {  	[bflag:$0x3] =	sbarrier.arrive $0xFFFF  }
0x1d4: {  	_ =	shalt  }

// kernel: kernel.8.cloned.1.call-start
scs
__scs_entry_jumppad:
0x0: {  	(pc) =	sbr.rel $0x88, $3  }
0x1: {  	(tag) =	ssettag $0x0;
	lr =	simm.s32 $0x1  }
0x2: {  	[smem:$0x3F9B] =	sst lr;
	_ =	strace $0xD0000000  }
0x3: {  	_ = 	snop  }
0x4: {  	_ = 	snop  }
0x5: {  	_ = 	snop  }
0x6: {  	_ = 	snop  }
0x7: {  	_ = 	snop  }
__scs_overlays_trampoline_lowered:
0x8: {  	[smem:$0x3FAA] =	sst s0  }
0x9: {  	[smem:$0x3FAB] =	sst s1  }
0xa: {  	[smem:$0x3FAC] =	sst s2  }
0xb: {  	[smem:$0x3FAD] =	sst s3  }
0xc: {  	[smem:$0x3FAE] =	sst s4  }
0xd: {  	[smem:$0x3FAF] =	sst s5  }
0xe: {  	[smem:$0x3FB0] =	sst s6  }
0xf: {  	[smem:$0x3FB1] =	sst s7  }
0x10: {  	[smem:$0x3FB2] =	sst s8  }
0x11: {  	[smem:$0x3FB3] =	sst s9;
	s0 =	simm.s32 @!p0 $0x0  }
0x12: {  	s1 =	sld [smem:$0x3F99];
	s0 =	simm.s32 @p0 $0x1  }
0x13: {  	[smem:$0x3FB4] =	sst s0;
	s0 =	simm.s32 @!p1 $0x0  }
0x14: {  	s2 =	sld [smem:$0x3F98];
	s0 =	simm.s32 @p1 $0x1  }
0x15: {  	[smem:$0x3FB5] =	sst s0;
	s0 =	simm.s32 @!p2 $0x0  }
0x16: {  	s3 =	sld [smem:$0x3FDB];
	s0 =	simm.s32 @p2 $0x1  }
0x17: {  	s4 =	simm.s32 $0x1BF5;
	[smem:$0x3FB7] =	sst s0  }
0x18: {  	s0 =	sld [smem:$0x3F9A];
	_ =	swait.ge [sflag:s4], $0x0  }
0x19: {  	s7 =	sld [smem:$0x3F9B]  }
0x1a: {  	s8 =	sadd.s32 $0xFFFFE003, lr  }
0x1b: {  	s9 =	sadd.s32 $0xFFFFFEF7, lr;
	s5 =	simm.s32 $0xFFFFFFFF;
	p2 =	slt.u32 s8, $0xFFFFF086  }
0x1c: {  	p1 =	slt.u32 s9, $0xF7A;
	s5 =	simm.s32 @!p2 $0x0  }
0x1d: {  	s5 =	simm.s32 @p1 $0x1;
	p0 =	seq.s32 s7, s2  }
0x1e: {  	s7 =	smul.u32 @!p0 $0xF7A, s2;
	p2 =	seq.s32 @!p0 s5, $0x0  }
0x1f: {  	s9 =	smul.u32 $0xF7A, s1;
	s8 =	simm.s32 @!p0 $0x1BF5;
	p2 =	por !p2, p0  }
0x20: {  	[sflag:s8] =	ssyncset.s32 @!p0 $0xFFFFF086;
	s6 =	sadd.s32 @!p0 s3, s7;
	s7 =	simm.s32 @!p0 $0x108  }
0x21: {  	s3 =	sadd.s32 s3, s9;
	s6 =	sadd.s32 @!p0 $0x88, s6;
	s7 =	simm.s32 @p2 $0x1082  }
0x22: {  	[simem:s7], [sflag:s8] =	dma.local @!p0 [hbm:s6], $0xF7A  }
0x23: {  	s9 =	sor.u32 $0xD0000000, s2;
	s6 =	simm.s32 $0x108;
	_ =	swait.ge @!p0 [sflag:s8], $0x0  }
0x24: {  	s3 =	sadd.s32 $0x88, s3;
	s6 =	simm.s32 @!p1 $0x1082;
	[sflag:s4] =	ssyncset.s32 $0xFFFFF086  }
0x25: {  	[simem:s6], [sflag:s4] =	dma.local [hbm:s3], $0xF7A  }
0x26: {  	[smem:$0x3F9B] =	sst s1;
	(tag) =	ssettag s2;
	_ =	strace s9  }
0x27: {  	s1 =	sld [smem:$0x3FAB]  }
0x28: {  	s2 =	sld [smem:$0x3FAC]  }
0x29: {  	s4 =	sld [smem:$0x3FAE]  }
0x2a: {  	p0 =	seq.s32 s5, $0x0;
	s5 =	sld [smem:$0x3FAF]  }
0x2b: {  	s6 =	sld [smem:$0x3FB0]  }
0x2c: {  	s7 =	sld [smem:$0x3FB1]  }
0x2d: {  	s3 =	simm.s32 $0x108;
	s8 =	sld [smem:$0x3FB2]  }
0x2e: {  	s3 =	simm.s32 @!p0 $0x1082;
	s9 =	sld [smem:$0x3FB3]  }
0x2f: {  	lr =	sadd.s32 s0, s3;
	s0 =	sld [smem:$0x3FAA]  }
0x30: {  	s3 =	sld [smem:$0x3FAD]  }
0x31: {  	[smem:$0x3FB6] =	sst s10  }
0x32: {  	s10 =	sld [smem:$0x3FB4];
	_ =	sdelay $0x3  }
0x33: {  	p0 =	seq.s32 s10, $0x1;
	s10 =	sld [smem:$0x3FB6];
	_ =	sdelay $0x3  }
0x34: {  	[smem:$0x3FB6] =	sst s10  }
0x35: {  	s10 =	sld [smem:$0x3FB5];
	_ =	sdelay $0x3  }
0x36: {  	p1 =	seq.s32 s10, $0x1;
	s10 =	sld [smem:$0x3FB6];
	_ =	sdelay $0x3  }
0x37: {  	[smem:$0x3FB6] =	sst s10  }
0x38: {  	s10 =	sld [smem:$0x3FB7]  }
0x39: {  	_ = 	snop;
	(pc) =	sbr.ind lr, $3  }
0x3a: {  	_ = 	snop  }
0x3b: {  	_ = 	snop  }
0x3c: {  	p2 =	seq.s32 s10, $0x1;
	s10 =	sld [smem:$0x3FB6]  }
0x3d: {  	_ =	shalt  }
0x3e: {  	_ =	shalt  }
0x3f: {  	_ =	shalt  }
0x40: {  	_ =	shalt  }
0x41: {  	_ =	shalt  }
0x42: {  	_ =	shalt  }
0x43: {  	_ =	shalt  }
0x44: {  	_ =	shalt  }
0x45: {  	_ =	shalt  }
0x46: {  	_ =	shalt  }
0x47: {  	_ =	shalt  }
0x48: {  	_ =	shalt  }
0x49: {  	_ =	shalt  }
0x4a: {  	_ =	shalt  }
0x4b: {  	_ =	shalt  }
0x4c: {  	_ =	shalt  }
0x4d: {  	_ =	shalt  }
0x4e: {  	_ =	shalt  }
0x4f: {  	_ =	shalt  }
0x50: {  	_ =	shalt  }
0x51: {  	_ =	shalt  }
0x52: {  	_ =	shalt  }
0x53: {  	_ =	shalt  }
0x54: {  	_ =	shalt  }
0x55: {  	_ =	shalt  }
0x56: {  	_ =	shalt  }
0x57: {  	_ =	shalt  }
0x58: {  	_ =	shalt  }
0x59: {  	_ =	shalt  }
0x5a: {  	_ =	shalt  }
0x5b: {  	_ =	shalt  }
0x5c: {  	_ =	shalt  }
0x5d: {  	_ =	shalt  }
0x5e: {  	_ =	shalt  }
0x5f: {  	_ =	shalt  }
0x60: {  	_ =	shalt  }
0x61: {  	_ =	shalt  }
0x62: {  	_ =	shalt  }
0x63: {  	_ =	shalt  }
0x64: {  	_ =	shalt  }
0x65: {  	_ =	shalt  }
0x66: {  	_ =	shalt  }
0x67: {  	_ =	shalt  }
0x68: {  	_ =	shalt  }
0x69: {  	_ =	shalt  }
0x6a: {  	_ =	shalt  }
0x6b: {  	_ =	shalt  }
0x6c: {  	_ =	shalt  }
0x6d: {  	_ =	shalt  }
0x6e: {  	_ =	shalt  }
0x6f: {  	_ =	shalt  }
0x70: {  	_ =	shalt  }
0x71: {  	_ =	shalt  }
0x72: {  	_ =	shalt  }
0x73: {  	_ =	shalt  }
0x74: {  	_ =	shalt  }
0x75: {  	_ =	shalt  }
0x76: {  	_ =	shalt  }
0x77: {  	_ =	shalt  }
0x78: {  	_ =	shalt  }
0x79: {  	_ =	shalt  }
0x7a: {  	_ =	shalt  }
0x7b: {  	_ =	shalt  }
0x7c: {  	_ =	shalt  }
0x7d: {  	_ =	shalt  }
0x7e: {  	_ =	shalt  }
0x7f: {  	_ =	shalt  }
0x80: {  	_ =	shalt  }
0x81: {  	_ =	shalt  }
0x82: {  	_ =	shalt  }
0x83: {  	_ =	shalt  }
0x84: {  	_ =	shalt  }
0x85: {  	_ =	shalt  }
0x86: {  	_ =	shalt  }
0x87: {  	_ =	shalt  }
.Lfunc_end0:
.L_simem_size_0:
called_computation_lowered:
.L_overlay_start_0:
0x88: {  	s2 =	sld [smem:$0x3FD9]  }
0x89: {  	s3 =	sld [smem:$0x3FFE];
	_ =	sdelay $0x1  }
0x8a: {  	s1 =	srdreg.scid  }
0x8b: {  	s0 =	sand.u32 $0x1, s1  }
0x8c: {  	s16 =	sshll.u32 s0, $0xA;
	s2 =	sadd.s32 s3, s2  }
0x8d: {  	s2 =	sadd.s32 s2, s16  }
0x8e: {  	[smem:$0x3FC2] =	sst s2  }
0x8f: {  	_ = 	snop  }
0x90: {  	(tm) =	ssettm $0x1  }
0x91: {  	s17 =	sld [smem:$0x3FFB];
	_ =	sdelay $0x3  }
0x92: {  	_ =	strace s17  }
0x93: {  	s2 =	sld [smem:$0x3FFC];
	_ =	sdelay $0x3  }
0x94: {  	_ =	strace s2  }
0x95: {  	s2 =	sld [smem:$0x3FFD];
	_ =	sdelay $0x3  }
0x96: {  	_ =	strace s2  }
0x97: {  	_ =	strace $0x8FFFFFFF  }
0x98: {  	s18 =	sld [smem:$0x3FDB];
	_ =	sdelay $0x1  }
0x99: {  	s19 =	simm.s32 $_scs_section_size  }
0x9a: {  	s4 =	simm.s32 $_size__tile_overlayer_lowered;
	s5 =	simm.s32 $_tile_overlayer_lowered  }
0x9b: {  	s22 =	simm.s32 $0x1BFF;
	s21 =	sshll.u32 s5, $0x1;
	s2 =	sadd.s32 s19, s18  }
0x9c: {  	s6 =	simm.s32 $0x0;
	s20 =	sshll.u32 s4, $0x1;
	s4 =	sadd.s32 s21, s2  }
0x9d: {  	[timem:s6], [sflag:s22] =	dma.local [hbm:s4], s20  }
0x9e: {  	_ =	swait.ge [sflag:s22], s20  }
0x9f: {  	s3 =	ssub.s32 $0x0, s20;
	[sflag:s22] =	ssyncset.done $0x0  }
0xa0: {  	[sflag:s22] =	ssyncadd.s32 s3;
	_ =	sdelay $0x1  }
0xa1: {  	s23 =	simm.s32 $0x1B8B  }
0xa2: {  	_ =	swait.ge [sflag:s23], $0x1  }
0xa3: {  	[sflag:s23] =	ssyncset.done $0x0  }
0xa4: {  	s25 =	simm.s32 $0x1B8E;
	s24 =	sld [smem:$0x3FFE];
	[sflag:s23] =	ssyncadd.s32 $0xFFFFFFFF  }
0xa5: {  	s26 =	simm.s32 $execute0_lowered;
	[smem:$0x3FD2] =	sst s25  }
0xa6: {  	s4 =	sshll.u32 s26, $0x1;
	_ =	strace $0x80000046;
	[dreg:$0x1] =	wrdreg $0xFFFFFFFF  }
0xa7: {  	s28 =	simm.s32 $_size_execute0_lowered;
	s2 =	sadd.s32 s2, s4;
	[dreg:$0x0] =	wrdreg $0x0  }
0xa8: {  	s4 =	sshll.u32 s28, $0x1;
	[dreg:$0x2] =	wrdreg s2  }
0xa9: {  	[dreg:$0x3] =	wrdreg s4  }
0xaa: {  	[dreg:$0x4] =	wrdreg $0xC0  }
0xab: {  	_ =	task [dreg:s6], $0x5FFFF  }
0xac: {  	[dreg:$0x1] =	wrdreg $0xFFFFFFFF  }
0xad: {  	[dreg:$0x0] =	wrdreg $0x60  }
0xae: {  	[dreg:$0x2] =	wrdreg s24  }
0xaf: {  	[dreg:$0x3] =	wrdreg $0x68000  }
0xb0: {  	[dreg:$0x4] =	wrdreg $0x9  }
0xb1: {  	_ =	task.clear_ibuf [dreg:s6], $0x5FFFF;
	_ =	strace $0x90000046  }
0xb2: {  	s29 =	simm.s32 $0x9;
	_ =	strace $0x80000048  }
0xb3: {  	_ =	swait.ge [sflag:s29], $0x1  }
0xb4: {  	[sflag:s29] =	ssyncadd.s32 $0xFFFFFFFF  }
0xb5: {  	_ =	strace $0x90000048  }
0xb6: {  	_ =	sfence  }
0xb7: {  	s30 =	sld [smem:$0x0];
	_ =	sdelay $0x2  }
0xb8: {  	s31 =	sshll.u32 s1, $0xD;
	s1 =	sshrl.u32 s1, $0x2  }
0xb9: {  	s3 =	sand.u32 $0x4000, s31;
	s1 =	sadd.s32 s1, s30  }
0xba: {  	s0 =	sor.u32 s3, s0;
	s1 =	sshll.u32 s1, $0x11  }
0xbb: {  	s0 =	sor.u32 s1, s0  }
0xbc: {  	s0 =	sadd.s32 $0x8F2B, s0  }
0xbd: {  	[sflag:s0] =	ssyncadd.remote.s32 $0x1  }
0xbe: {  	_ =	sfence.sel $0xFFFF  }
0xbf: {  	[dreg:$0x0] =	wrdreg $0xFFFFFFFF;
	(pc) =	sbr.abs _section_cstart, $3  }
0xc0: {  	[dreg:$0x1] =	wrdreg $0xFFFFFFFF  }
0xc1: {  	_ =	task.clear_ibuf [dreg:s6], $0x2FFFF;
	_ =	strace $0x9FFFFFFF  }
0xc2: {  	(tm) =	ssettm $0x7FFFFFFF  }
0xc3: {  	_ =	shalt  }
tec
execute0_lowered:
.L_overlay_start_1:
0x0: {  	(tag) =	ssettag $0x1  }
0x1: {  	s18 =	stileid.u32  }
0x2: {  	s0 =	srdreg.scid;
	s3 =	smul.u32 $0x5000, s18  }
0x3: {  	s5 =	rddreg [dreg:$0x0];
	s0 =	sand.u32 $0x1, s0;
	s7 =	smul.u32 $0x14000, s18  }
0x4: {  	s1 =	rddreg [dreg:$0x1];
	s4 =	smul.u32 $0x2800, s0  }
0x5: {  	s2 =	simm.s32 $0x0;
	s6 =	smul.u32 $0x140000, s0;
	s0 =	ssub.s32 $0x2, s0  }
0x6: {  	[smem:$0x7FF] =	sst s2;
	s31 =	sadd.s32 $0x16C00, s5;
	s8 =	sshrl.u32 s0, $0x1  }
0x7: {  	s10 =	sadd.s32 $0x4000, s7;
	s12 =	sadd.s32 $0x6000, s7;
	s19 =	sadd.s32 $0x8000, s7  }
0x8: {  	s24 =	sadd.s32 $0xE000, s7;
	s3 =	sadd.s32 s4, s3;
	s9 =	sadd.s32 s6, s7  }
0x9: {  	s0 =	ssub.s32 s0, s8;
	s11 =	sadd.s32 s6, s10;
	s16 =	sadd.s32 s6, s12  }
0xa: {  	s20 =	sadd.s32 s6, s19;
	s13 =	sshrl.u32 s9, $0x3;
	s9 =	sor.u32 $0x2000, s7  }
0xb: {  	s25 =	sadd.s32 s6, s24;
	s8 =	sadd.s32 s31, s13;
	s14 =	sadd.s32 s6, s9  }
0xc: {  	s15 =	sshrl.u32 s11, $0x3;
	[dreg:$0x3] =	wrdreg s8;
	s8 =	sshrl.u32 s14, $0x3  }
0xd: {  	s17 =	sshrl.u32 s16, $0x3;
	s13 =	sadd.s32 $0xA000, s7;
	s8 =	sadd.s32 s31, s8  }
0xe: {  	s14 =	sadd.s32 s6, s13;
	[dreg:$0x4] =	wrdreg s8;
	s8 =	sadd.s32 s31, s15  }
0xf: {  	s21 =	sshrl.u32 s14, $0x3;
	s15 =	sadd.s32 $0xC000, s7;
	[dreg:$0x5] =	wrdreg s8  }
0x10: {  	s8 =	sadd.s32 s31, s17;
	s22 =	sadd.s32 s6, s15;
	s17 =	sadd.s32 $0x10000, s7  }
0x11: {  	s7 =	sadd.s32 $0x12000, s7;
	[dreg:$0x6] =	wrdreg s8;
	s8 =	sshrl.u32 s20, $0x3  }
0x12: {  	s23 =	sshrl.u32 s22, $0x3;
	s16 =	sadd.s32 s6, s17;
	s8 =	sadd.s32 s31, s8  }
0x13: {  	s6 =	sadd.s32 s6, s7;
	[dreg:$0x7] =	wrdreg s8;
	s8 =	sadd.s32 s31, s21  }
0x14: {  	s6 =	sshrl.u32 s6, $0x3;
	[dreg:$0x8] =	wrdreg s8;
	s8 =	sadd.s32 s31, s23  }
0x15: {  	s4 =	sadd.s32 s31, s6;
	[dreg:$0x9] =	wrdreg s8;
	s8 =	sshrl.u32 s25, $0x3  }
0x16: {  	s26 =	sshrl.u32 s16, $0x3;
	[dreg:$0xc] =	wrdreg s4;
	s8 =	sadd.s32 s31, s8  }
0x17: {  	s3 =	sshrl.u32 s3, $0x3;
	[dreg:$0xa] =	wrdreg s8;
	s8 =	sadd.s32 s31, s26  }
0x18: {  	s3 =	sadd.s32 s3, s5;
	[dreg:$0xb] =	wrdreg s8;
	s8 =	sadd.s32 $0x16400, s5  }
0x19: {  	s5 =	sadd.s32 $0x16000, s5;
	_ =	strace $0x80000047;
	[dreg:$0xd] =	wrdreg s8  }
0x1a: {  	s0 =	smax.u32 s0, $0x1;
	[dreg:$0xe] =	wrdreg s5  }
0x1b: {  	s9 =	sadd.s32 s9, s1;
	[dreg:$0xf] =	wrdreg s0  }
0x1c: {  	s29 =	simm.s32 $0x0;
	s10 =	sadd.s32 s10, s1;
	[dreg:$0x10] =	wrdreg s9  }
0x1d: {  	s30 =	smul.u32 $0x50000, s18;
	s12 =	sadd.s32 s12, s1;
	[dreg:$0x11] =	wrdreg s10  }
0x1e: {  	s18 =	sadd.s32 s19, s1;
	s19 =	sadd.s32 s13, s1;
	[dreg:$0x12] =	wrdreg s12  }
0x1f: {  	s28 =	sadd.s32 $0x2000, s3;
	s13 =	simm.s32 $0x180;
	[dreg:$0x13] =	wrdreg s18  }
0x20: {  	s14 =	simm.s32 $0x200;
	s20 =	sadd.s32 s15, s1;
	[dreg:$0x14] =	wrdreg s19  }
0x21: {  	s22 =	sadd.s32 s17, s1;
	s21 =	sadd.s32 s24, s1;
	[dreg:$0x15] =	wrdreg s20  }
0x22: {  	s15 =	simm.s32 $0x280;
	s17 =	simm.s32 $0x300;
	[dreg:$0x16] =	wrdreg s21  }
0x23: {  	s23 =	sadd.s32 s7, s1;
	s31 =	sshrl.u32 s30, $0x2;
	[dreg:$0x17] =	wrdreg s22  }
0x24: {  	s7 =	simm.s32 $0x800;
	s16 =	sadd.s32 s31, s1;
	[dreg:$0x18] =	wrdreg s23  }
0x25: {  	s24 =	sadd.s32 $0x2000, s16;
	s25 =	sadd.s32 $0x4000, s16;
	s26 =	sadd.s32 $0x6000, s16  }
0x26: {  	s30 =	sadd.s32 $0x8000, s16;
	s31 =	sadd.s32 $0xA000, s16;
	s3 =	sadd.s32 $0xC000, s16  }
0x27: {  	s4 =	sadd.s32 $0xE000, s16;
	s5 =	sadd.s32 $0x10000, s16;
	s6 =	sadd.s32 $0x12000, s16  }
0x28: {  	s8 =	simm.s32 $0x1;
	s9 =	simm.s32 $0x4800;
	[dreg:$0x19] =	wrdreg s24  }
0x29: {  	s10 =	simm.s32 $0x80;
	s12 =	simm.s32 $0x100;
	[dreg:$0x1a] =	wrdreg s25  }
0x2a: {  	s18 =	simm.s32 $0x380;
	s19 =	simm.s32 $0x400;
	[dreg:$0x1b] =	wrdreg s26  }
0x2b: {  	s20 =	simm.s32 $0x480;
	s21 =	simm.s32 $0x500;
	[dreg:$0x1c] =	wrdreg s30  }
0x2c: {  	s22 =	simm.s32 $0x580;
	s23 =	simm.s32 $0x600;
	[dreg:$0x1d] =	wrdreg s31  }
0x2d: {  	s24 =	simm.s32 $0x680;
	s25 =	simm.s32 $0x700;
	s26 =	simm.s32 $0x780  }
.LBB2_1:
0x2e: {  	s0 =	rddreg [dreg:$0xd]  }
0x2f: {  	[tilespmem:s7], [sflag:$0x1] =	stream.linear.gather [hbm4b:s0+s2], $0x4000, $0x38;
	[tilespmem:$0x1A800] =	vst v63  }
0x30: {  	_ =	swait.ge [sflag:s8], $0x4000  }
0x31: {  	[sflag:s8] =	ssyncset.done $0x0  }
0x32: {  	s11 =	rddreg [dreg:$0xe];
	[sflag:s8] =	ssyncadd.s32 $0xFFFFC000  }
0x33: {  	[tilespmem:s9], [sflag:$0x1] =	stream.linear.gather [hbm4b:s11+s2], $0x2000, $0x38;
	[tilespmem:$0x1A800] =	vst v63  }
0x34: {  	_ =	swait.ge [sflag:s8], $0x2000  }
0x35: {  	[sflag:s8] =	ssyncset.done $0x0  }
0x36: {  	[sflag:s8] =	ssyncadd.s32 $0xFFFFE000  }
0x37: {  	[spmem:s16] =	stream.linear.scatter [tilespmem:s9], [sflag:$0x1], $0x2000, $0x38;
	[tilespmem:$0x1A800] =	vst v63  }
0x38: {  	_ =	swait.ge [sflag:s8], $0x2000  }
0x39: {  	[sflag:s8] =	ssyncset.done $0x0  }
0x3a: {  	s11 =	rddreg [dreg:$0x19];
	[sflag:s8] =	ssyncadd.s32 $0xFFFFE000  }
0x3b: {  	[spmem:s11] =	stream.linear.scatter [tilespmem:s9], [sflag:$0x1], $0x2000, $0x38;
	[tilespmem:$0x1A800] =	vst v63  }
0x3c: {  	_ =	swait.ge [sflag:s8], $0x2000  }
0x3d: {  	[sflag:s8] =	ssyncset.done $0x0  }
0x3e: {  	s11 =	rddreg [dreg:$0x1a];
	[sflag:s8] =	ssyncadd.s32 $0xFFFFE000  }
0x3f: {  	[spmem:s11] =	stream.linear.scatter [tilespmem:s9], [sflag:$0x1], $0x2000, $0x38;
	[tilespmem:$0x1A800] =	vst v63  }
0x40: {  	_ =	swait.ge [sflag:s8], $0x2000  }
0x41: {  	[sflag:s8] =	ssyncset.done $0x0  }
0x42: {  	s11 =	rddreg [dreg:$0x1b];
	[sflag:s8] =	ssyncadd.s32 $0xFFFFE000  }
0x43: {  	[spmem:s11] =	stream.linear.scatter [tilespmem:s9], [sflag:$0x1], $0x2000, $0x38;
	[tilespmem:$0x1A800] =	vst v63  }
0x44: {  	_ =	swait.ge [sflag:s8], $0x2000  }
0x45: {  	[sflag:s8] =	ssyncset.done $0x0  }
0x46: {  	s11 =	rddreg [dreg:$0x1c];
	[sflag:s8] =	ssyncadd.s32 $0xFFFFE000  }
0x47: {  	[spmem:s11] =	stream.linear.scatter [tilespmem:s9], [sflag:$0x1], $0x2000, $0x38;
	[tilespmem:$0x1A800] =	vst v63  }
0x48: {  	_ =	swait.ge [sflag:s8], $0x2000  }
0x49: {  	[sflag:s8] =	ssyncset.done $0x0  }
0x4a: {  	s11 =	rddreg [dreg:$0x1d];
	[sflag:s8] =	ssyncadd.s32 $0xFFFFE000  }
0x4b: {  	[spmem:s11] =	stream.linear.scatter [tilespmem:s9], [sflag:$0x1], $0x2000, $0x38;
	[tilespmem:$0x1A800] =	vst v63  }
0x4c: {  	_ =	swait.ge [sflag:s8], $0x2000  }
0x4d: {  	[sflag:s8] =	ssyncset.done $0x0  }
0x4e: {  	[sflag:s8] =	ssyncadd.s32 $0xFFFFE000  }
0x4f: {  	[spmem:s3] =	stream.linear.scatter [tilespmem:s9], [sflag:$0x1], $0x2000, $0x38;
	[tilespmem:$0x1A800] =	vst v63  }
0x50: {  	_ =	swait.ge [sflag:s8], $0x2000  }
0x51: {  	[sflag:s8] =	ssyncset.done $0x0  }
0x52: {  	[sflag:s8] =	ssyncadd.s32 $0xFFFFE000  }
0x53: {  	[spmem:s4] =	stream.linear.scatter [tilespmem:s9], [sflag:$0x1], $0x2000, $0x38;
	[tilespmem:$0x1A800] =	vst v63  }
0x54: {  	_ =	swait.ge [sflag:s8], $0x2000  }
0x55: {  	[sflag:s8] =	ssyncset.done $0x0  }
0x56: {  	[sflag:s8] =	ssyncadd.s32 $0xFFFFE000  }
0x57: {  	[spmem:s5] =	stream.linear.scatter [tilespmem:s9], [sflag:$0x1], $0x2000, $0x38;
	[tilespmem:$0x1A800] =	vst v63  }
0x58: {  	_ =	swait.ge [sflag:s8], $0x2000  }
0x59: {  	[sflag:s8] =	ssyncset.done $0x0  }
0x5a: {  	[sflag:s8] =	ssyncadd.s32 $0xFFFFE000  }
0x5b: {  	[spmem:s6] =	stream.linear.scatter [tilespmem:s9], [sflag:$0x1], $0x2000, $0x38;
	[tilespmem:$0x1A800] =	vst v63  }
0x5c: {  	_ =	swait.ge [sflag:s8], $0x2000  }
0x5d: {  	[sflag:s8] =	ssyncset.done $0x0  }
0x5e: {  	[sflag:s8] =	ssyncadd.s32 $0xFFFFE000  }
0x5f: {  	s11 =	sadd.s32 $0x0, s28;
	[bflag:$0x0] =	sbarrier.arrive $0xFFFF  }
0x60: {  	[tilespmem:s2], [sflag:$0x1] =	stream.linear.gather [hbm4b:s11+s2], $0x800, $0x38;
	[tilespmem:$0x1A800] =	vst v63  }
0x61: {  	_ =	swait.ge [sflag:s8], $0x800  }
0x62: {  	[sflag:s8] =	ssyncset.done $0x0  }
0x63: {  	[sflag:s8] =	ssyncadd.s32 $0xFFFFF800  }
0x64: {  	[spmem:s1] =	stream.indirect.scatter.add.f32 [tilespmem:s7], [sflag:$0x1], $0x80, s2, s10, $0xb8;
	[tilespmem:$0x1A800] =	vst v63  }
0x65: {  	_ =	swait.ge [sflag:s8], $0x4000  }
0x66: {  	[sflag:s8] =	ssyncset.done $0x0  }
0x67: {  	[sflag:s8] =	ssyncadd.s32 $0xFFFFC000  }
0x68: {  	[spmem:s1] =	stream.indirect.scatter.add.f32 [tilespmem:s7], [sflag:$0x1], $0x80, s10, s10, $0xb8;
	[tilespmem:$0x1A800] =	vst v63  }
0x69: {  	_ =	swait.ge [sflag:s8], $0x4000  }
0x6a: {  	[sflag:s8] =	ssyncset.done $0x0  }
0x6b: {  	[sflag:s8] =	ssyncadd.s32 $0xFFFFC000  }
0x6c: {  	[spmem:s1] =	stream.indirect.scatter.add.f32 [tilespmem:s7], [sflag:$0x1], $0x80, s12, s10, $0xb8;
	[tilespmem:$0x1A800] =	vst v63  }
0x6d: {  	_ =	swait.ge [sflag:s8], $0x4000  }
0x6e: {  	[sflag:s8] =	ssyncset.done $0x0  }
0x6f: {  	[sflag:s8] =	ssyncadd.s32 $0xFFFFC000  }
0x70: {  	[spmem:s1] =	stream.indirect.scatter.add.f32 [tilespmem:s7], [sflag:$0x1], $0x80, s13, s10, $0xb8;
	[tilespmem:$0x1A800] =	vst v63  }
0x71: {  	_ =	swait.ge [sflag:s8], $0x4000  }
0x72: {  	[sflag:s8] =	ssyncset.done $0x0  }
0x73: {  	[sflag:s8] =	ssyncadd.s32 $0xFFFFC000  }
0x74: {  	[spmem:s1] =	stream.indirect.scatter.add.f32 [tilespmem:s7], [sflag:$0x1], $0x80, s14, s10, $0xb8;
	[tilespmem:$0x1A800] =	vst v63  }
0x75: {  	_ =	swait.ge [sflag:s8], $0x4000  }
0x76: {  	[sflag:s8] =	ssyncset.done $0x0  }
0x77: {  	[sflag:s8] =	ssyncadd.s32 $0xFFFFC000  }
0x78: {  	[spmem:s1] =	stream.indirect.scatter.add.f32 [tilespmem:s7], [sflag:$0x1], $0x80, s15, s10, $0xb8;
	[tilespmem:$0x1A800] =	vst v63  }
0x79: {  	_ =	swait.ge [sflag:s8], $0x4000  }
0x7a: {  	[sflag:s8] =	ssyncset.done $0x0  }
0x7b: {  	[sflag:s8] =	ssyncadd.s32 $0xFFFFC000  }
0x7c: {  	[spmem:s1] =	stream.indirect.scatter.add.f32 [tilespmem:s7], [sflag:$0x1], $0x80, s17, s10, $0xb8;
	[tilespmem:$0x1A800] =	vst v63  }
0x7d: {  	_ =	swait.ge [sflag:s8], $0x4000  }
0x7e: {  	[sflag:s8] =	ssyncset.done $0x0  }
0x7f: {  	[sflag:s8] =	ssyncadd.s32 $0xFFFFC000  }
0x80: {  	[spmem:s1] =	stream.indirect.scatter.add.f32 [tilespmem:s7], [sflag:$0x1], $0x80, s18, s10, $0xb8;
	[tilespmem:$0x1A800] =	vst v63  }
0x81: {  	_ =	swait.ge [sflag:s8], $0x4000  }
0x82: {  	[sflag:s8] =	ssyncset.done $0x0  }
0x83: {  	[sflag:s8] =	ssyncadd.s32 $0xFFFFC000  }
0x84: {  	[spmem:s1] =	stream.indirect.scatter.add.f32 [tilespmem:s7], [sflag:$0x1], $0x80, s19, s10, $0xb8;
	[tilespmem:$0x1A800] =	vst v63  }
0x85: {  	_ =	swait.ge [sflag:s8], $0x4000  }
0x86: {  	[sflag:s8] =	ssyncset.done $0x0  }
0x87: {  	[sflag:s8] =	ssyncadd.s32 $0xFFFFC000  }
0x88: {  	[spmem:s1] =	stream.indirect.scatter.add.f32 [tilespmem:s7], [sflag:$0x1], $0x80, s20, s10, $0xb8;
	[tilespmem:$0x1A800] =	vst v63  }
0x89: {  	_ =	swait.ge [sflag:s8], $0x4000  }
0x8a: {  	[sflag:s8] =	ssyncset.done $0x0  }
0x8b: {  	[sflag:s8] =	ssyncadd.s32 $0xFFFFC000  }
0x8c: {  	[spmem:s1] =	stream.indirect.scatter.add.f32 [tilespmem:s7], [sflag:$0x1], $0x80, s21, s10, $0xb8;
	[tilespmem:$0x1A800] =	vst v63  }
0x8d: {  	_ =	swait.ge [sflag:s8], $0x4000  }
0x8e: {  	[sflag:s8] =	ssyncset.done $0x0  }
0x8f: {  	[sflag:s8] =	ssyncadd.s32 $0xFFFFC000  }
0x90: {  	[spmem:s1] =	stream.indirect.scatter.add.f32 [tilespmem:s7], [sflag:$0x1], $0x80, s22, s10, $0xb8;
	[tilespmem:$0x1A800] =	vst v63  }
0x91: {  	_ =	swait.ge [sflag:s8], $0x4000  }
0x92: {  	[sflag:s8] =	ssyncset.done $0x0  }
0x93: {  	[sflag:s8] =	ssyncadd.s32 $0xFFFFC000  }
0x94: {  	[spmem:s1] =	stream.indirect.scatter.add.f32 [tilespmem:s7], [sflag:$0x1], $0x80, s23, s10, $0xb8;
	[tilespmem:$0x1A800] =	vst v63  }
0x95: {  	_ =	swait.ge [sflag:s8], $0x4000  }
0x96: {  	[sflag:s8] =	ssyncset.done $0x0  }
0x97: {  	[sflag:s8] =	ssyncadd.s32 $0xFFFFC000  }
0x98: {  	[spmem:s1] =	stream.indirect.scatter.add.f32 [tilespmem:s7], [sflag:$0x1], $0x80, s24, s10, $0xb8;
	[tilespmem:$0x1A800] =	vst v63  }
0x99: {  	_ =	swait.ge [sflag:s8], $0x4000  }
0x9a: {  	[sflag:s8] =	ssyncset.done $0x0  }
0x9b: {  	[sflag:s8] =	ssyncadd.s32 $0xFFFFC000  }
0x9c: {  	[spmem:s1] =	stream.indirect.scatter.add.f32 [tilespmem:s7], [sflag:$0x1], $0x80, s25, s10, $0xb8;
	[tilespmem:$0x1A800] =	vst v63  }
0x9d: {  	_ =	swait.ge [sflag:s8], $0x4000  }
0x9e: {  	[sflag:s8] =	ssyncset.done $0x0  }
0x9f: {  	[sflag:s8] =	ssyncadd.s32 $0xFFFFC000  }
0xa0: {  	[spmem:s1] =	stream.indirect.scatter.add.f32 [tilespmem:s7], [sflag:$0x1], $0x80, s26, s10, $0xb8;
	[tilespmem:$0x1A800] =	vst v63  }
0xa1: {  	_ =	swait.ge [sflag:s8], $0x4000  }
0xa2: {  	s30 =	simm.s32 $0x100;
	s31 =	simm.s32 $0x200;
	[sflag:s8] =	ssyncset.done $0x0  }
.LBB2_2:
0xa3: {  	s0 =	sadd.s32 s30, s28  }
0xa4: {  	[sflag:s8] =	ssyncadd.s32 $0xFFFFC000;
	s30 =	smov.u32 s31;
	s11 =	sadd.s32 $0x100, s31  }
0xa5: {  	[tilespmem:s2], [sflag:$0x1] =	stream.linear.gather [hbm4b:s0+s2], $0x800, $0x38;
	[tilespmem:$0x1A800] =	vst v63  }
0xa6: {  	p0 =	sne.s32 s31, $0x400;
	_ =	swait.ge [sflag:s8], $0x800  }
0xa7: {  	[sflag:s8] =	ssyncset.done $0x0  }
0xa8: {  	[sflag:s8] =	ssyncadd.s32 $0xFFFFF800  }
0xa9: {  	[spmem:s1] =	stream.indirect.scatter.add.f32 [tilespmem:s7], [sflag:$0x1], $0x80, s2, s10, $0xb8;
	[tilespmem:$0x1A800] =	vst v63  }
0xaa: {  	_ =	swait.ge [sflag:s8], $0x4000  }
0xab: {  	[sflag:s8] =	ssyncset.done $0x0  }
0xac: {  	[sflag:s8] =	ssyncadd.s32 $0xFFFFC000  }
0xad: {  	[spmem:s1] =	stream.indirect.scatter.add.f32 [tilespmem:s7], [sflag:$0x1], $0x80, s10, s10, $0xb8;
	[tilespmem:$0x1A800] =	vst v63  }
0xae: {  	_ =	swait.ge [sflag:s8], $0x4000  }
0xaf: {  	[sflag:s8] =	ssyncset.done $0x0  }
0xb0: {  	[sflag:s8] =	ssyncadd.s32 $0xFFFFC000  }
0xb1: {  	[spmem:s1] =	stream.indirect.scatter.add.f32 [tilespmem:s7], [sflag:$0x1], $0x80, s12, s10, $0xb8;
	[tilespmem:$0x1A800] =	vst v63  }
0xb2: {  	_ =	swait.ge [sflag:s8], $0x4000  }
0xb3: {  	[sflag:s8] =	ssyncset.done $0x0  }
0xb4: {  	[sflag:s8] =	ssyncadd.s32 $0xFFFFC000  }
0xb5: {  	[spmem:s1] =	stream.indirect.scatter.add.f32 [tilespmem:s7], [sflag:$0x1], $0x80, s13, s10, $0xb8;
	[tilespmem:$0x1A800] =	vst v63  }
0xb6: {  	_ =	swait.ge [sflag:s8], $0x4000  }
0xb7: {  	[sflag:s8] =	ssyncset.done $0x0  }
0xb8: {  	[sflag:s8] =	ssyncadd.s32 $0xFFFFC000  }
0xb9: {  	[spmem:s1] =	stream.indirect.scatter.add.f32 [tilespmem:s7], [sflag:$0x1], $0x80, s14, s10, $0xb8;
	[tilespmem:$0x1A800] =	vst v63  }
0xba: {  	_ =	swait.ge [sflag:s8], $0x4000  }
0xbb: {  	[sflag:s8] =	ssyncset.done $0x0  }
0xbc: {  	[sflag:s8] =	ssyncadd.s32 $0xFFFFC000  }
0xbd: {  	[spmem:s1] =	stream.indirect.scatter.add.f32 [tilespmem:s7], [sflag:$0x1], $0x80, s15, s10, $0xb8;
	[tilespmem:$0x1A800] =	vst v63  }
0xbe: {  	_ =	swait.ge [sflag:s8], $0x4000  }
0xbf: {  	[sflag:s8] =	ssyncset.done $0x0  }
0xc0: {  	[sflag:s8] =	ssyncadd.s32 $0xFFFFC000  }
0xc1: {  	[spmem:s1] =	stream.indirect.scatter.add.f32 [tilespmem:s7], [sflag:$0x1], $0x80, s17, s10, $0xb8;
	[tilespmem:$0x1A800] =	vst v63  }
0xc2: {  	_ =	swait.ge [sflag:s8], $0x4000  }
0xc3: {  	[sflag:s8] =	ssyncset.done $0x0  }
0xc4: {  	[sflag:s8] =	ssyncadd.s32 $0xFFFFC000  }
0xc5: {  	[spmem:s1] =	stream.indirect.scatter.add.f32 [tilespmem:s7], [sflag:$0x1], $0x80, s18, s10, $0xb8;
	[tilespmem:$0x1A800] =	vst v63  }
0xc6: {  	_ =	swait.ge [sflag:s8], $0x4000  }
0xc7: {  	[sflag:s8] =	ssyncset.done $0x0  }
0xc8: {  	[sflag:s8] =	ssyncadd.s32 $0xFFFFC000  }
0xc9: {  	[spmem:s1] =	stream.indirect.scatter.add.f32 [tilespmem:s7], [sflag:$0x1], $0x80, s19, s10, $0xb8;
	[tilespmem:$0x1A800] =	vst v63  }
0xca: {  	_ =	swait.ge [sflag:s8], $0x4000  }
0xcb: {  	[sflag:s8] =	ssyncset.done $0x0  }
0xcc: {  	[sflag:s8] =	ssyncadd.s32 $0xFFFFC000  }
0xcd: {  	[spmem:s1] =	stream.indirect.scatter.add.f32 [tilespmem:s7], [sflag:$0x1], $0x80, s20, s10, $0xb8;
	[tilespmem:$0x1A800] =	vst v63  }
0xce: {  	_ =	swait.ge [sflag:s8], $0x4000  }
0xcf: {  	[sflag:s8] =	ssyncset.done $0x0  }
0xd0: {  	[sflag:s8] =	ssyncadd.s32 $0xFFFFC000  }
0xd1: {  	[spmem:s1] =	stream.indirect.scatter.add.f32 [tilespmem:s7], [sflag:$0x1], $0x80, s21, s10, $0xb8;
	[tilespmem:$0x1A800] =	vst v63  }
0xd2: {  	_ =	swait.ge [sflag:s8], $0x4000  }
0xd3: {  	[sflag:s8] =	ssyncset.done $0x0  }
0xd4: {  	[sflag:s8] =	ssyncadd.s32 $0xFFFFC000  }
0xd5: {  	[spmem:s1] =	stream.indirect.scatter.add.f32 [tilespmem:s7], [sflag:$0x1], $0x80, s22, s10, $0xb8;
	[tilespmem:$0x1A800] =	vst v63  }
0xd6: {  	_ =	swait.ge [sflag:s8], $0x4000  }
0xd7: {  	[sflag:s8] =	ssyncset.done $0x0  }
0xd8: {  	[sflag:s8] =	ssyncadd.s32 $0xFFFFC000  }
0xd9: {  	[spmem:s1] =	stream.indirect.scatter.add.f32 [tilespmem:s7], [sflag:$0x1], $0x80, s23, s10, $0xb8;
	[tilespmem:$0x1A800] =	vst v63  }
0xda: {  	_ =	swait.ge [sflag:s8], $0x4000  }
0xdb: {  	[sflag:s8] =	ssyncset.done $0x0  }
0xdc: {  	[sflag:s8] =	ssyncadd.s32 $0xFFFFC000  }
0xdd: {  	[spmem:s1] =	stream.indirect.scatter.add.f32 [tilespmem:s7], [sflag:$0x1], $0x80, s24, s10, $0xb8;
	[tilespmem:$0x1A800] =	vst v63  }
0xde: {  	_ =	swait.ge [sflag:s8], $0x4000  }
0xdf: {  	[sflag:s8] =	ssyncset.done $0x0  }
0xe0: {  	[sflag:s8] =	ssyncadd.s32 $0xFFFFC000  }
0xe1: {  	[spmem:s1] =	stream.indirect.scatter.add.f32 [tilespmem:s7], [sflag:$0x1], $0x80, s25, s10, $0xb8;
	[tilespmem:$0x1A800] =	vst v63  }
0xe2: {  	_ =	swait.ge [sflag:s8], $0x4000  }
.Ltmp0:
0xe3: {  	[sflag:s8] =	ssyncset.done $0x0;
	(pc) =	sbr.rel @p0 .LBB2_2-.Ltmp0, $4  }
0xe4: {  	[sflag:s8] =	ssyncadd.s32 $0xFFFFC000  }
0xe5: {  	[spmem:s1] =	stream.indirect.scatter.add.f32 [tilespmem:s7], [sflag:$0x1], $0x80, s26, s10, $0xb8;
	[tilespmem:$0x1A800] =	vst v63  }
0xe6: {  	_ =	swait.ge [sflag:s8], $0x4000  }
0xe7: {  	s31 =	smov.u32 s11;
	[sflag:s8] =	ssyncset.done $0x0  }
0xe8: {  	s0 =	sadd.s32 s30, s28;
	[sflag:s8] =	ssyncadd.s32 $0xFFFFC000  }
0xe9: {  	[tilespmem:s2], [sflag:$0x1] =	stream.linear.gather [hbm4b:s0+s2], $0x800, $0x38;
	[tilespmem:$0x1A800] =	vst v63  }
0xea: {  	_ =	swait.ge [sflag:s8], $0x800  }
0xeb: {  	[sflag:s8] =	ssyncset.done $0x0  }
0xec: {  	[sflag:s8] =	ssyncadd.s32 $0xFFFFF800  }
0xed: {  	[spmem:s1] =	stream.indirect.scatter.add.f32 [tilespmem:s7], [sflag:$0x1], $0x80, s2, s10, $0xb8;
	[tilespmem:$0x1A800] =	vst v63  }
0xee: {  	_ =	swait.ge [sflag:s8], $0x4000  }
0xef: {  	[sflag:s8] =	ssyncset.done $0x0  }
0xf0: {  	[sflag:s8] =	ssyncadd.s32 $0xFFFFC000  }
0xf1: {  	[spmem:s1] =	stream.indirect.scatter.add.f32 [tilespmem:s7], [sflag:$0x1], $0x80, s10, s10, $0xb8;
	[tilespmem:$0x1A800] =	vst v63  }
0xf2: {  	_ =	swait.ge [sflag:s8], $0x4000  }
0xf3: {  	[sflag:s8] =	ssyncset.done $0x0  }
0xf4: {  	[sflag:s8] =	ssyncadd.s32 $0xFFFFC000  }
0xf5: {  	[spmem:s1] =	stream.indirect.scatter.add.f32 [tilespmem:s7], [sflag:$0x1], $0x80, s12, s10, $0xb8;
	[tilespmem:$0x1A800] =	vst v63  }
0xf6: {  	_ =	swait.ge [sflag:s8], $0x4000  }
0xf7: {  	[sflag:s8] =	ssyncset.done $0x0  }
0xf8: {  	[sflag:s8] =	ssyncadd.s32 $0xFFFFC000  }
0xf9: {  	[spmem:s1] =	stream.indirect.scatter.add.f32 [tilespmem:s7], [sflag:$0x1], $0x80, s13, s10, $0xb8;
	[tilespmem:$0x1A800] =	vst v63  }
0xfa: {  	_ =	swait.ge [sflag:s8], $0x4000  }
0xfb: {  	[sflag:s8] =	ssyncset.done $0x0  }
0xfc: {  	[sflag:s8] =	ssyncadd.s32 $0xFFFFC000  }
0xfd: {  	[spmem:s1] =	stream.indirect.scatter.add.f32 [tilespmem:s7], [sflag:$0x1], $0x80, s14, s10, $0xb8;
	[tilespmem:$0x1A800] =	vst v63  }
0xfe: {  	_ =	swait.ge [sflag:s8], $0x4000  }
0xff: {  	[sflag:s8] =	ssyncset.done $0x0  }
0x100: {  	[sflag:s8] =	ssyncadd.s32 $0xFFFFC000  }
0x101: {  	[spmem:s1] =	stream.indirect.scatter.add.f32 [tilespmem:s7], [sflag:$0x1], $0x80, s15, s10, $0xb8;
	[tilespmem:$0x1A800] =	vst v63  }
0x102: {  	_ =	swait.ge [sflag:s8], $0x4000  }
0x103: {  	[sflag:s8] =	ssyncset.done $0x0  }
0x104: {  	[sflag:s8] =	ssyncadd.s32 $0xFFFFC000  }
0x105: {  	[spmem:s1] =	stream.indirect.scatter.add.f32 [tilespmem:s7], [sflag:$0x1], $0x80, s17, s10, $0xb8;
	[tilespmem:$0x1A800] =	vst v63  }
0x106: {  	_ =	swait.ge [sflag:s8], $0x4000  }
0x107: {  	[sflag:s8] =	ssyncset.done $0x0  }
0x108: {  	[sflag:s8] =	ssyncadd.s32 $0xFFFFC000  }
0x109: {  	[spmem:s1] =	stream.indirect.scatter.add.f32 [tilespmem:s7], [sflag:$0x1], $0x80, s18, s10, $0xb8;
	[tilespmem:$0x1A800] =	vst v63  }
0x10a: {  	_ =	swait.ge [sflag:s8], $0x4000  }
0x10b: {  	[sflag:s8] =	ssyncset.done $0x0  }
0x10c: {  	[sflag:s8] =	ssyncadd.s32 $0xFFFFC000  }
0x10d: {  	[spmem:s1] =	stream.indirect.scatter.add.f32 [tilespmem:s7], [sflag:$0x1], $0x80, s19, s10, $0xb8;
	[tilespmem:$0x1A800] =	vst v63  }
0x10e: {  	_ =	swait.ge [sflag:s8], $0x4000  }
0x10f: {  	[sflag:s8] =	ssyncset.done $0x0  }
0x110: {  	[sflag:s8] =	ssyncadd.s32 $0xFFFFC000  }
0x111: {  	[spmem:s1] =	stream.indirect.scatter.add.f32 [tilespmem:s7], [sflag:$0x1], $0x80, s20, s10, $0xb8;
	[tilespmem:$0x1A800] =	vst v63  }
0x112: {  	_ =	swait.ge [sflag:s8], $0x4000  }
0x113: {  	[sflag:s8] =	ssyncset.done $0x0  }
0x114: {  	[sflag:s8] =	ssyncadd.s32 $0xFFFFC000  }
0x115: {  	[spmem:s1] =	stream.indirect.scatter.add.f32 [tilespmem:s7], [sflag:$0x1], $0x80, s21, s10, $0xb8;
	[tilespmem:$0x1A800] =	vst v63  }
0x116: {  	_ =	swait.ge [sflag:s8], $0x4000  }
0x117: {  	[sflag:s8] =	ssyncset.done $0x0  }
0x118: {  	[sflag:s8] =	ssyncadd.s32 $0xFFFFC000  }
0x119: {  	[spmem:s1] =	stream.indirect.scatter.add.f32 [tilespmem:s7], [sflag:$0x1], $0x80, s22, s10, $0xb8;
	[tilespmem:$0x1A800] =	vst v63  }
0x11a: {  	_ =	swait.ge [sflag:s8], $0x4000  }
0x11b: {  	[sflag:s8] =	ssyncset.done $0x0  }
0x11c: {  	[sflag:s8] =	ssyncadd.s32 $0xFFFFC000  }
0x11d: {  	[spmem:s1] =	stream.indirect.scatter.add.f32 [tilespmem:s7], [sflag:$0x1], $0x80, s23, s10, $0xb8;
	[tilespmem:$0x1A800] =	vst v63  }
0x11e: {  	_ =	swait.ge [sflag:s8], $0x4000  }
0x11f: {  	[sflag:s8] =	ssyncset.done $0x0  }
0x120: {  	[sflag:s8] =	ssyncadd.s32 $0xFFFFC000  }
0x121: {  	[spmem:s1] =	stream.indirect.scatter.add.f32 [tilespmem:s7], [sflag:$0x1], $0x80, s24, s10, $0xb8;
	[tilespmem:$0x1A800] =	vst v63  }
0x122: {  	_ =	swait.ge [sflag:s8], $0x4000  }
0x123: {  	[sflag:s8] =	ssyncset.done $0x0  }
0x124: {  	[sflag:s8] =	ssyncadd.s32 $0xFFFFC000  }
0x125: {  	[spmem:s1] =	stream.indirect.scatter.add.f32 [tilespmem:s7], [sflag:$0x1], $0x80, s25, s10, $0xb8;
	[tilespmem:$0x1A800] =	vst v63  }
0x126: {  	_ =	swait.ge [sflag:s8], $0x4000  }
0x127: {  	[sflag:s8] =	ssyncset.done $0x0  }
0x128: {  	[sflag:s8] =	ssyncadd.s32 $0xFFFFC000  }
0x129: {  	[spmem:s1] =	stream.indirect.scatter.add.f32 [tilespmem:s7], [sflag:$0x1], $0x80, s26, s10, $0xb8;
	[tilespmem:$0x1A800] =	vst v63  }
0x12a: {  	_ =	swait.ge [sflag:s8], $0x4000  }
0x12b: {  	[sflag:s8] =	ssyncset.done $0x0  }
0x12c: {  	[sflag:s8] =	ssyncadd.s32 $0xFFFFC000  }
0x12d: {  	[bflag:$0x0] =	sbarrier.arrive $0xFFFF  }
0x12e: {  	[tilespmem:s9], [sflag:$0x1] =	stream.linear.gather [spmem:s16], $0x2000, $0x38;
	[tilespmem:$0x1A800] =	vst v63  }
0x12f: {  	_ =	swait.ge [sflag:s8], $0x2000  }
0x130: {  	[sflag:s8] =	ssyncset.done $0x0  }
0x131: {  	s30 =	rddreg [dreg:$0x3];
	[sflag:s8] =	ssyncadd.s32 $0xFFFFE000  }
0x132: {  	[hbm4b:s30+s2] =	stream.linear.scatter [tilespmem:s9], [sflag:$0x1], $0x2000, $0x38;
	[tilespmem:$0x1A800] =	vst v63  }
0x133: {  	_ =	swait.ge [sflag:s8], $0x2000  }
0x134: {  	[sflag:s8] =	ssyncset.done $0x0  }
0x135: {  	s31 =	rddreg [dreg:$0x10];
	[sflag:s8] =	ssyncadd.s32 $0xFFFFE000  }
0x136: {  	[tilespmem:s9], [sflag:$0x1] =	stream.linear.gather [spmem:s31], $0x2000, $0x38;
	[tilespmem:$0x1A800] =	vst v63  }
0x137: {  	_ =	swait.ge [sflag:s8], $0x2000  }
0x138: {  	[sflag:s8] =	ssyncset.done $0x0  }
0x139: {  	s11 =	rddreg [dreg:$0x4];
	[sflag:s8] =	ssyncadd.s32 $0xFFFFE000  }
0x13a: {  	[hbm4b:s11+s2] =	stream.linear.scatter [tilespmem:s9], [sflag:$0x1], $0x2000, $0x38;
	[tilespmem:$0x1A800] =	vst v63  }
0x13b: {  	_ =	swait.ge [sflag:s8], $0x2000  }
0x13c: {  	[sflag:s8] =	ssyncset.done $0x0  }
0x13d: {  	s30 =	rddreg [dreg:$0x11];
	[sflag:s8] =	ssyncadd.s32 $0xFFFFE000  }
0x13e: {  	[tilespmem:s9], [sflag:$0x1] =	stream.linear.gather [spmem:s30], $0x2000, $0x38;
	[tilespmem:$0x1A800] =	vst v63  }
0x13f: {  	_ =	swait.ge [sflag:s8], $0x2000  }
0x140: {  	[sflag:s8] =	ssyncset.done $0x0  }
0x141: {  	s31 =	rddreg [dreg:$0x5];
	[sflag:s8] =	ssyncadd.s32 $0xFFFFE000  }
0x142: {  	[hbm4b:s31+s2] =	stream.linear.scatter [tilespmem:s9], [sflag:$0x1], $0x2000, $0x38;
	[tilespmem:$0x1A800] =	vst v63  }
0x143: {  	_ =	swait.ge [sflag:s8], $0x2000  }
0x144: {  	[sflag:s8] =	ssyncset.done $0x0  }
0x145: {  	s11 =	rddreg [dreg:$0x12];
	[sflag:s8] =	ssyncadd.s32 $0xFFFFE000  }
0x146: {  	[tilespmem:s9], [sflag:$0x1] =	stream.linear.gather [spmem:s11], $0x2000, $0x38;
	[tilespmem:$0x1A800] =	vst v63  }
0x147: {  	_ =	swait.ge [sflag:s8], $0x2000  }
0x148: {  	[sflag:s8] =	ssyncset.done $0x0  }
0x149: {  	s30 =	rddreg [dreg:$0x6];
	[sflag:s8] =	ssyncadd.s32 $0xFFFFE000  }
0x14a: {  	[hbm4b:s30+s2] =	stream.linear.scatter [tilespmem:s9], [sflag:$0x1], $0x2000, $0x38;
	[tilespmem:$0x1A800] =	vst v63  }
0x14b: {  	_ =	swait.ge [sflag:s8], $0x2000  }
0x14c: {  	[sflag:s8] =	ssyncset.done $0x0  }
0x14d: {  	s31 =	rddreg [dreg:$0x13];
	[sflag:s8] =	ssyncadd.s32 $0xFFFFE000  }
0x14e: {  	[tilespmem:s9], [sflag:$0x1] =	stream.linear.gather [spmem:s31], $0x2000, $0x38;
	[tilespmem:$0x1A800] =	vst v63  }
0x14f: {  	_ =	swait.ge [sflag:s8], $0x2000  }
0x150: {  	[sflag:s8] =	ssyncset.done $0x0  }
0x151: {  	s11 =	rddreg [dreg:$0x7];
	[sflag:s8] =	ssyncadd.s32 $0xFFFFE000  }
0x152: {  	[hbm4b:s11+s2] =	stream.linear.scatter [tilespmem:s9], [sflag:$0x1], $0x2000, $0x38;
	[tilespmem:$0x1A800] =	vst v63  }
0x153: {  	_ =	swait.ge [sflag:s8], $0x2000  }
0x154: {  	[sflag:s8] =	ssyncset.done $0x0  }
0x155: {  	s30 =	rddreg [dreg:$0x14];
	[sflag:s8] =	ssyncadd.s32 $0xFFFFE000  }
0x156: {  	[tilespmem:s9], [sflag:$0x1] =	stream.linear.gather [spmem:s30], $0x2000, $0x38;
	[tilespmem:$0x1A800] =	vst v63  }
0x157: {  	_ =	swait.ge [sflag:s8], $0x2000  }
0x158: {  	[sflag:s8] =	ssyncset.done $0x0  }
0x159: {  	s31 =	rddreg [dreg:$0x8];
	[sflag:s8] =	ssyncadd.s32 $0xFFFFE000  }
0x15a: {  	[hbm4b:s31+s2] =	stream.linear.scatter [tilespmem:s9], [sflag:$0x1], $0x2000, $0x38;
	[tilespmem:$0x1A800] =	vst v63  }
0x15b: {  	_ =	swait.ge [sflag:s8], $0x2000  }
0x15c: {  	[sflag:s8] =	ssyncset.done $0x0  }
0x15d: {  	s11 =	rddreg [dreg:$0x15];
	[sflag:s8] =	ssyncadd.s32 $0xFFFFE000  }
0x15e: {  	[tilespmem:s9], [sflag:$0x1] =	stream.linear.gather [spmem:s11], $0x2000, $0x38;
	[tilespmem:$0x1A800] =	vst v63  }
0x15f: {  	_ =	swait.ge [sflag:s8], $0x2000  }
0x160: {  	[sflag:s8] =	ssyncset.done $0x0  }
0x161: {  	s30 =	rddreg [dreg:$0x9];
	[sflag:s8] =	ssyncadd.s32 $0xFFFFE000  }
0x162: {  	[hbm4b:s30+s2] =	stream.linear.scatter [tilespmem:s9], [sflag:$0x1], $0x2000, $0x38;
	[tilespmem:$0x1A800] =	vst v63  }
0x163: {  	_ =	swait.ge [sflag:s8], $0x2000  }
0x164: {  	[sflag:s8] =	ssyncset.done $0x0  }
0x165: {  	s31 =	rddreg [dreg:$0x16];
	[sflag:s8] =	ssyncadd.s32 $0xFFFFE000  }
0x166: {  	[tilespmem:s9], [sflag:$0x1] =	stream.linear.gather [spmem:s31], $0x2000, $0x38;
	[tilespmem:$0x1A800] =	vst v63  }
0x167: {  	_ =	swait.ge [sflag:s8], $0x2000  }
0x168: {  	[sflag:s8] =	ssyncset.done $0x0  }
0x169: {  	s11 =	rddreg [dreg:$0xa];
	[sflag:s8] =	ssyncadd.s32 $0xFFFFE000  }
0x16a: {  	[hbm4b:s11+s2] =	stream.linear.scatter [tilespmem:s9], [sflag:$0x1], $0x2000, $0x38;
	[tilespmem:$0x1A800] =	vst v63  }
0x16b: {  	_ =	swait.ge [sflag:s8], $0x2000  }
0x16c: {  	[sflag:s8] =	ssyncset.done $0x0  }
0x16d: {  	s30 =	rddreg [dreg:$0x17];
	[sflag:s8] =	ssyncadd.s32 $0xFFFFE000  }
0x16e: {  	[tilespmem:s9], [sflag:$0x1] =	stream.linear.gather [spmem:s30], $0x2000, $0x38;
	[tilespmem:$0x1A800] =	vst v63  }
0x16f: {  	_ =	swait.ge [sflag:s8], $0x2000  }
0x170: {  	[sflag:s8] =	ssyncset.done $0x0  }
0x171: {  	s31 =	rddreg [dreg:$0xb];
	[sflag:s8] =	ssyncadd.s32 $0xFFFFE000  }
0x172: {  	[hbm4b:s31+s2] =	stream.linear.scatter [tilespmem:s9], [sflag:$0x1], $0x2000, $0x38;
	[tilespmem:$0x1A800] =	vst v63  }
0x173: {  	_ =	swait.ge [sflag:s8], $0x2000  }
0x174: {  	[sflag:s8] =	ssyncset.done $0x0  }
0x175: {  	s11 =	rddreg [dreg:$0x18];
	[sflag:s8] =	ssyncadd.s32 $0xFFFFE000  }
0x176: {  	[tilespmem:s9], [sflag:$0x1] =	stream.linear.gather [spmem:s11], $0x2000, $0x38;
	[tilespmem:$0x1A800] =	vst v63  }
0x177: {  	_ =	swait.ge [sflag:s8], $0x2000  }
0x178: {  	[sflag:s8] =	ssyncset.done $0x0  }
0x179: {  	s30 =	rddreg [dreg:$0xc];
	[sflag:s8] =	ssyncadd.s32 $0xFFFFE000  }
0x17a: {  	[hbm4b:s30+s2] =	stream.linear.scatter [tilespmem:s9], [sflag:$0x1], $0x2000, $0x38;
	[tilespmem:$0x1A800] =	vst v63  }
0x17b: {  	_ =	swait.ge [sflag:s8], $0x2000  }
0x17c: {  	s29 =	sadd.s32 $0x1, s29;
	s31 =	rddreg [dreg:$0xf]  }
0x17d: {  	p0 =	sne.s32 s29, s31  }
.Ltmp1:
0x17e: {  	_ = 	snop;
	(pc) =	sbr.rel @p0 .LBB2_1-.Ltmp1, $3  }
0x17f: {  	_ =	sdelay $0x1  }
0x180: {  	[sflag:s8] =	ssyncset.done $0x0  }
0x181: {  	[sflag:s8] =	ssyncadd.s32 $0xFFFFE000  }
0x182: {  	_ =	sfence.sel $0x180000  }
0x183: {  	[bflag:$0x0] =	sbarrier.arrive $0xFFFF  }
0x184: {  	_ =	strace $0x90000047  }
0x185: {  	s0 =	stileid.u32;
	[bflag:$0x2] =	sbarrier.arrive $0xFFFF  }
0x186: {  	p0 =	sne.s32 s0, $0x0;
	s0 =	rddreg [dreg:$0x2]  }
0x187: {  	s0 =	sadd.s32 @!p0 $0x100000, s0  }
0x188: {  	[sflag:s0] =	ssyncadd.tile.s32 @!p0 $0x1;
	_ =	shalt  }
.Lfunc_end2:
_tile_overlayer_lowered:
.L_overlay_start_2:
0x189: {  	(tag) =	ssettag $0x2  }
0x18a: {  	s0 =	rddreg [dreg:$0x0];
	s2 =	stileid.u32  }
0x18b: {  	s1 =	rddreg [dreg:$0x1];
	p0 =	sne.s32 s2, $0x0  }
0x18c: {  	s3 =	rddreg [dreg:$0x2];
	[bflag:$0x3] =	sbarrier.arrive $0xFFFF;
	s2 =	simm.s32 @!p0 $0x1C01  }
0x18d: {  	[timem:s3], [sflag:s2] =	dma.local @!p0 [hbm:s0], s1  }
0x18e: {  	s0 =	simm.s32 @!p0 $0x1  }
0x18f: {  	_ =	swait.ge @!p0 [sflag:s0], s1  }
0x190: {  	s1 =	ssub.s32 @!p0 $0x0, s1;
	[sflag:s0] =	ssyncset.done @!p0 $0x0  }
0x191: {  	[sflag:s0] =	ssyncadd.s32 @!p0 s1  }
0x192: {  	[bflag:$0x3] =	sbarrier.arrive $0xFFFF  }
0x193: {  	_ =	shalt  }

</sc_bundles>
